<compile_context>
chip_gen: v7x
topology: tpu7x:2x2x1
jax: 0.10.2.dev20260603
libtpu: 0.0.44.dev20260713+nightly
codegen_flags: <defaults>
</compile_context>

<pallas_src>
import functools

import jax
import jax.numpy as jnp
from jax import lax
from jax.experimental import pallas as pl
from jax.experimental.pallas import tpu as pltpu
from jax.experimental.pallas import tpu_sc as plsc

_VOCAB = 1000000
_D = 64
_R = 16
_SCALING = 1.0

_TILE = 8192
_NSTEP = (_VOCAB + _TILE - 1) // _TILE
_NPAIR = 62
_SPLIT = _NPAIR * _TILE
_BOFF = (_NSTEP - _NPAIR) * _TILE

_B_ROWS = 16384
_SEQ = 50
_LD = _SEQ * _D
_TBLK = 256
_NTB = _B_ROWS // _TBLK



def _table_body(wta_ref, wtb_ref, aa_ref, ab_ref, b_ref, out_ref, ss_ref):
    i = pl.program_id(0)
    dta = wta_ref[...] + lax.dot_general(
        b_ref[...], aa_ref[...], (((1,), (0,)), ((), ())),
        preferred_element_type=jnp.float32) * _SCALING
    dtb = wtb_ref[...] + lax.dot_general(
        b_ref[...], ab_ref[...], (((1,), (0,)), ((), ())),
        preferred_element_type=jnp.float32) * _SCALING
    packed = jnp.concatenate([dta, dtb], axis=0)
    out_ref[...] = packed.T
    vb = (_NSTEP - _NPAIR + i) * _TILE + lax.broadcasted_iota(
        jnp.int32, (_D, _TILE), 1)
    d2 = dta * dta + jnp.where(
        (vb >= _SPLIT) & (vb < _VOCAB), dtb * dtb, 0.0)
    part = jnp.broadcast_to(jnp.sum(d2, axis=1, keepdims=True), (_D, 8))

    @pl.when(i == 0)
    def _():
        ss_ref[...] = part

    @pl.when(i > 0)
    def _():
        ss_ref[...] += part



_NW = 32
_NTOK = _B_ROWS * _SEQ
_PER_W = _NTOK // _NW
_SUB = 128
_GPC = 8
_CHUNK = _SUB * _GPC
_NCH = _PER_W // _CHUNK


_TPC = _CHUNK // 2
_CPG = 16384 // _TPC


def _gather_body(table_hbm, xt_hbm, out_hbm, idx_v, va, vb, rows_v, sem,
                 wsem):
    wid = lax.axis_index("s") * 2 + lax.axis_index("c")
    iota = lax.iota(jnp.int32, 16)

    def chunk(ci, carry):
        c = wid * _NCH + ci
        g = c // _CPG
        t0 = (c % _CPG) * _TPC
        pltpu.sync_copy(xt_hbm.at[2 * g, pl.ds(t0, _TPC)], va)
        pltpu.sync_copy(xt_hbm.at[2 * g + 1, pl.ds(t0, _TPC)], vb)
        for j in range(_GPC):
            for k in range(4):
                for r, buf in ((0, va), (1, vb)):
                    v = buf[pl.ds(j * 64 + k * 16, 16)]
                    u = v + v - jnp.where(v >= _SPLIT, 2 * _BOFF - 1, 0)
                    plsc.store_scatter(
                        idx_v.at[j], [2 * (k * 16 + iota) + r], u)
        @pl.when(ci > 0)
        def _():
            pltpu.make_async_copy(
                rows_v, out_hbm.at[pl.ds((c - 1) * _GPC, _GPC)], wsem).wait()

        copies = [
            pltpu.async_copy(table_hbm.at[idx_v.at[j]], rows_v.at[j], sem)
            for j in range(_GPC)
        ]
        for cp in copies:
            cp.wait()
        pltpu.async_copy(rows_v, out_hbm.at[pl.ds(c * _GPC, _GPC)], wsem)
        return carry

    lax.fori_loop(0, _NCH, chunk, 0)
    c_last = wid * _NCH + _NCH - 1
    pltpu.make_async_copy(
        rows_v, out_hbm.at[pl.ds(c_last * _GPC, _GPC)], wsem).wait()


@functools.cache
def _make_gather():
    mesh = plsc.VectorSubcoreMesh(core_axis_name="c", subcore_axis_name="s")
    return functools.partial(
        pl.kernel,
        out_type=jax.ShapeDtypeStruct((_NTOK // _SUB, _SUB, _D), jnp.float32),
        mesh=mesh,
        scratch_types=[
            pltpu.VMEM((_GPC, _SUB), jnp.int32),
            pltpu.VMEM((_TPC,), jnp.int32),
            pltpu.VMEM((_TPC,), jnp.int32),
            pltpu.VMEM((_GPC, _SUB, _D), jnp.float32),
            pltpu.SemaphoreType.DMA,
            pltpu.SemaphoreType.DMA,
        ],
        compiler_params=pltpu.CompilerParams(
            use_tc_tiling_on_sc=False, needs_layout_passes=False),
    )(_gather_body)




def _trans_body(x_ref, ss_ref, mag_ref, y_ref):
    scale_col = mag_ref[...] * jnp.sqrt(ss_ref[:, 0:1])
    sc = jnp.concatenate([scale_col] * 2, axis=0)
    y_ref[...] = x_ref[...].T * sc


def kernel(x, W, A, B, mag):
    Wt = W.T
    mag_col = mag.reshape(_D, 1)
    table, ss = pl.pallas_call(
        _table_body,
        grid=(_NPAIR,),
        in_specs=[
            pl.BlockSpec((_D, _TILE), lambda i: (0, i)),
            pl.BlockSpec((_D, _TILE), lambda i: (0, i + _NSTEP - _NPAIR)),
            pl.BlockSpec((_R, _TILE), lambda i: (0, i)),
            pl.BlockSpec((_R, _TILE), lambda i: (0, i + _NSTEP - _NPAIR)),
            pl.BlockSpec((_D, _R), lambda i: (0, 0)),
        ],
        out_specs=[
            pl.BlockSpec((_TILE, 2 * _D), lambda i: (i, 0)),
            pl.BlockSpec((_D, 8), lambda i: (0, 0)),
        ],
        out_shape=[
            jax.ShapeDtypeStruct((_SPLIT, 2 * _D), jnp.float32),
            jax.ShapeDtypeStruct((_D, 8), jnp.float32),
        ],
    )(Wt, Wt, A, A, B)

    table64 = table.reshape(2 * _SPLIT, _D)
    xT = x.astype(jnp.int32).T
    rows = _make_gather()(table64, xT)

    xv = rows.reshape(_NTOK // 2, 128)
    y = pl.pallas_call(
        _trans_body,
        grid=(_SEQ // 2, 2),
        in_specs=[
            pl.BlockSpec((_TILE, 128), lambda g, i: (2 * g + i, 0)),
            pl.BlockSpec((_D, 8), lambda g, i: (0, 0)),
            pl.BlockSpec((_D, 1), lambda g, i: (0, 0)),
        ],
        out_specs=pl.BlockSpec((128, _TILE), lambda g, i: (g, i)),
        out_shape=jax.ShapeDtypeStruct((_LD, _B_ROWS), jnp.float32),
    )(xv, ss, mag_col)

    return jnp.transpose(y.reshape(_SEQ, _D, _B_ROWS), (2, 0, 1))

# --- scband reference (transcript-rebuilt; emitter-appended) ---
"""Pipeline reference for scband-embedding-4398046511286 (READ-ONLY COPY).

The authoritative reference and input builder live on the scoring server;
editing this copy changes nothing except your own understanding.
"""

import jax, jax.numpy as jnp
import numpy as np

VOCAB = 1000000
D = 64
R = 16
LORA_ALPHA = 16.0
SCALING = LORA_ALPHA / R  # use_rslora=False -> alpha / r
BATCH = 16384
SEQ = 50


def setup_inputs(seed: int = 0) -> dict:
    key = jax.random.key(seed)
    k1, k2, k3, k4 = jax.random.split(key, 4)
    x = jax.random.randint(k1, (BATCH, SEQ), 0, VOCAB, dtype=jnp.int32).astype(jnp.int64)
    W = jax.random.normal(k2, (VOCAB, D), dtype=jnp.float32) * 0.02   # base embedding table
    A = jax.random.normal(k3, (R, VOCAB), dtype=jnp.float32) * 0.02   # lora_embedding_A
    B = jax.random.normal(k4, (D, R), dtype=jnp.float32) * 0.02       # lora_embedding_B
    mag = jnp.linalg.norm(W, ord=2, axis=0)                           # dora_magnitude = get_base_magnitude()
    return {"x": x, "W": W, "A": A, "B": B, "mag": mag}


def reference(x, W, A, B, mag):
    # base embedding lookup
    result = jnp.take(W, x, axis=0)                        # [B, L, D]
    # LoRA path: embed with A.T ([vocab, r]) then project with B.T ([r, D])
    after_A = jnp.take(A.T, x, axis=0)                     # [B, L, R]
    result = result + (after_A @ B.T) * SCALING            # [B, L, D]
    # DoRA direction: base weight + delta_V (A.T @ B.T scaled), column norms
    direction = W + (A.T @ B.T) * SCALING                  # [vocab, D]
    direction_norm = jax.lax.stop_gradient(
        jnp.linalg.norm(direction, ord=2, axis=0, keepdims=True)
    )                                                      # [1, D]
    magnitude = mag[None, :]                               # broadcastable [1, D]
    result = result * (magnitude * direction_norm)         # [B, L, D]
    return result

if __name__ == "__main__":
    import jax
    _d = setup_inputs()
    print(jax.jit(kernel)(*tuple(_d.values())))

</pallas_src>

<mosaic_0001>
#map = affine_map<(d0, d1) -> (0, 0)>
#map1 = affine_map<(d0, d1) -> (0, 0, 0)>
module attributes {stable_mosaic.version = 14 : i64} {
  func.func @_gather_body(%arg0: i32, %arg1: i32, %arg2: memref<1015808x64xf32, #tpu.memory_space<hbm>>, %arg3: memref<50x16384xi32, #tpu.memory_space<hbm>>, %arg4: memref<6400x128x64xf32, #tpu.memory_space<hbm>>, %arg5: memref<8x128xi32, #tpu.memory_space<vmem>>, %arg6: memref<512xi32, #tpu.memory_space<vmem>>, %arg7: memref<512xi32, #tpu.memory_space<vmem>>, %arg8: memref<8x128x64xf32, #tpu.memory_space<vmem>>, %arg9: memref<!tpu.dma_semaphore, #tpu.memory_space<semaphore_mem>>, %arg10: memref<!tpu.dma_semaphore, #tpu.memory_space<semaphore_mem>>) attributes {dimension_semantics = [#tpu.dimension_semantics<core_parallel>, #tpu.dimension_semantics<subcore_parallel>], iteration_bounds = array<i64: 2, 16>, scalar_prefetch = 0 : i64, scratch_operands = 6 : i64, tpu.core_type = #tpu.core_type<sc_vector_subcore>, window_params = [{transform_indices = #map}, {transform_indices = #map}, {transform_indices = #map1}]} {
    %mul3A = arith.constant 2 : i32
    %mul3A_0 = arith.muli %arg1, %mul3A : i32
    %add3A = arith.addi %mul3A_0, %arg0 : i32
    %iota3A = tpu.iota {dimensions = array<i32: 0>} : vector<16xi32>
    %scan3A = arith.constant 0 : i32
    %scan3A_1 = arith.constant 0 : i32
    %scan3A_2 = arith.constant 25 : i32
    %scan3A_3 = arith.addi %scan3A_1, %scan3A_2 : i32
    %scan3A_4 = arith.constant 1 : i32
    scf.for %scan3A_18 = %scan3A_1 to %scan3A_3 step %scan3A_4  : i32 {
      %mul3A_19 = arith.constant 25 : i32
      %mul3A_20 = arith.muli %add3A, %mul3A_19 : i32
      %add3A_21 = arith.addi %mul3A_20, %scan3A_18 : i32
      %jit3A = arith.constant 32 : i32
      %div3A = arith.divsi %add3A_21, %jit3A : i32
      %sign3A = arith.constant 0 : i32
      %sign3A_22 = arith.cmpi sgt, %add3A_21, %sign3A : i32
      %sign3A_23 = arith.extui %sign3A_22 : i1 to i32
      %sign3A_24 = arith.constant 0 : i32
      %sign3A_25 = arith.cmpi slt, %add3A_21, %sign3A_24 : i32
      %sign3A_26 = arith.extui %sign3A_25 : i1 to i32
      %sign3A_27 = arith.subi %sign3A_23, %sign3A_26 : i32
      %sign3A_28 = arith.constant 0 : i32
      %sign3A_29 = arith.cmpi sgt, %jit3A, %sign3A_28 : i32
      %sign3A_30 = arith.extui %sign3A_29 : i1 to i32
      %sign3A_31 = arith.constant 0 : i32
      %sign3A_32 = arith.cmpi slt, %jit3A, %sign3A_31 : i32
      %sign3A_33 = arith.extui %sign3A_32 : i1 to i32
      %sign3A_34 = arith.subi %sign3A_30, %sign3A_33 : i32
      %ne3A = arith.cmpi ne, %sign3A_27, %sign3A_34 : i32
      %rem3A = arith.remsi %add3A_21, %jit3A : i32
      %ne3A_35 = arith.constant 0 : i32
      %ne3A_36 = arith.cmpi ne, %rem3A, %ne3A_35 : i32
      %and3A = arith.andi %ne3A, %ne3A_36 : i1
      %sub3A_37 = arith.constant 1 : i32
      %sub3A_38 = arith.subi %div3A, %sub3A_37 : i32
      %select_n3A = arith.select %and3A, %sub3A_38, %div3A : i32
      %jit3A_39 = arith.constant 32 : i32
      %eq3A = arith.constant 0 : i32
      %eq3A_40 = arith.cmpi eq, %jit3A_39, %eq3A : i32
      %jit3A_41 = arith.constant 1 : i32
      %select_n3A_42 = arith.select %eq3A_40, %jit3A_41, %jit3A_39 : i32
      %rem3A_43 = arith.remsi %add3A_21, %select_n3A_42 : i32
      %ne3A_44 = arith.constant 0 : i32
      %ne3A_45 = arith.cmpi ne, %rem3A_43, %ne3A_44 : i32
      %lt3A = arith.constant 0 : i32
      %lt3A_46 = arith.cmpi slt, %rem3A_43, %lt3A : i32
      %lt3A_47 = arith.constant 0 : i32
      %lt3A_48 = arith.cmpi slt, %select_n3A_42, %lt3A_47 : i32
      %ne3A_49 = arith.xori %lt3A_46, %lt3A_48 : i1
      %and3A_50 = arith.andi %ne3A_49, %ne3A_45 : i1
      %add3A_51 = arith.addi %rem3A_43, %select_n3A_42 : i32
      %select_n3A_52 = arith.select %and3A_50, %add3A_51, %rem3A_43 : i32
      %mul3A_53 = arith.constant 512 : i32
      %mul3A_54 = arith.muli %select_n3A_52, %mul3A_53 : i32
      %mul3A_55 = arith.constant 2 : i32
      %mul3A_56 = arith.muli %mul3A_55, %select_n3A : i32
      "tpu.region"() ({
        %run_scoped3A = tpu.sem_alloc : memref<!tpu.dma_semaphore, #tpu.memory_space<semaphore_mem>>
        %dma_start3A_1858 = tpu.memref_slice %arg3[%mul3A_56, %mul3A_54] : memref<50x16384xi32, #tpu.memory_space<hbm>> -> memref<1x512xi32, #tpu.memory_space<hbm>>
        %dma_start3A_1859 = tpu.memref_squeeze %dma_start3A_1858 : memref<1x512xi32, #tpu.memory_space<hbm>> -> memref<512xi32, #tpu.memory_space<hbm>>
        %dma_start3A_1860 = tpu.memref_slice %arg3[%mul3A_56, %mul3A_54] : memref<50x16384xi32, #tpu.memory_space<hbm>> -> memref<1x512xi32, #tpu.memory_space<hbm>>
        %dma_start3A_1861 = tpu.memref_squeeze %dma_start3A_1860 : memref<1x512xi32, #tpu.memory_space<hbm>> -> memref<512xi32, #tpu.memory_space<hbm>>
        tpu.enqueue_dma source(%dma_start3A_1861 : memref<512xi32, #tpu.memory_space<hbm>>) target(%arg6 : memref<512xi32, #tpu.memory_space<vmem>>) target_semaphore(%run_scoped3A : memref<!tpu.dma_semaphore, #tpu.memory_space<semaphore_mem>>)
        %dma_wait3A_1862 = tpu.memref_slice %arg3[%mul3A_56, %mul3A_54] : memref<50x16384xi32, #tpu.memory_space<hbm>> -> memref<1x512xi32, #tpu.memory_space<hbm>>
        %dma_wait3A_1863 = tpu.memref_squeeze %dma_wait3A_1862 : memref<1x512xi32, #tpu.memory_space<hbm>> -> memref<512xi32, #tpu.memory_space<hbm>>
        %dma_wait3A_1864 = tpu.memref_slice %arg3[%mul3A_56, %mul3A_54] : memref<50x16384xi32, #tpu.memory_space<hbm>> -> memref<1x512xi32, #tpu.memory_space<hbm>>
        %dma_wait3A_1865 = tpu.memref_squeeze %dma_wait3A_1864 : memref<1x512xi32, #tpu.memory_space<hbm>> -> memref<512xi32, #tpu.memory_space<hbm>>
        tpu.wait_dma2 semaphore(%run_scoped3A : memref<!tpu.dma_semaphore, #tpu.memory_space<semaphore_mem>>) src(%dma_wait3A_1865 : memref<512xi32, #tpu.memory_space<hbm>>) dst(%arg6 : memref<512xi32, #tpu.memory_space<vmem>>)
        tpu.yield
      }) : () -> ()
      %mul3A_57 = arith.constant 2 : i32
      %mul3A_58 = arith.muli %mul3A_57, %select_n3A : i32
      %add3A_59 = arith.constant 1 : i32
      %add3A_60 = arith.addi %mul3A_58, %add3A_59 : i32
      "tpu.region"() ({
        %run_scoped3A = tpu.sem_alloc : memref<!tpu.dma_semaphore, #tpu.memory_space<semaphore_mem>>
        %dma_start3A_1858 = tpu.memref_slice %arg3[%add3A_60, %mul3A_54] : memref<50x16384xi32, #tpu.memory_space<hbm>> -> memref<1x512xi32, #tpu.memory_space<hbm>>
        %dma_start3A_1859 = tpu.memref_squeeze %dma_start3A_1858 : memref<1x512xi32, #tpu.memory_space<hbm>> -> memref<512xi32, #tpu.memory_space<hbm>>
        %dma_start3A_1860 = tpu.memref_slice %arg3[%add3A_60, %mul3A_54] : memref<50x16384xi32, #tpu.memory_space<hbm>> -> memref<1x512xi32, #tpu.memory_space<hbm>>
        %dma_start3A_1861 = tpu.memref_squeeze %dma_start3A_1860 : memref<1x512xi32, #tpu.memory_space<hbm>> -> memref<512xi32, #tpu.memory_space<hbm>>
        tpu.enqueue_dma source(%dma_start3A_1861 : memref<512xi32, #tpu.memory_space<hbm>>) target(%arg7 : memref<512xi32, #tpu.memory_space<vmem>>) target_semaphore(%run_scoped3A : memref<!tpu.dma_semaphore, #tpu.memory_space<semaphore_mem>>)
        %dma_wait3A_1862 = tpu.memref_slice %arg3[%add3A_60, %mul3A_54] : memref<50x16384xi32, #tpu.memory_space<hbm>> -> memref<1x512xi32, #tpu.memory_space<hbm>>
        %dma_wait3A_1863 = tpu.memref_squeeze %dma_wait3A_1862 : memref<1x512xi32, #tpu.memory_space<hbm>> -> memref<512xi32, #tpu.memory_space<hbm>>
        %dma_wait3A_1864 = tpu.memref_slice %arg3[%add3A_60, %mul3A_54] : memref<50x16384xi32, #tpu.memory_space<hbm>> -> memref<1x512xi32, #tpu.memory_space<hbm>>
        %dma_wait3A_1865 = tpu.memref_squeeze %dma_wait3A_1864 : memref<1x512xi32, #tpu.memory_space<hbm>> -> memref<512xi32, #tpu.memory_space<hbm>>
        tpu.wait_dma2 semaphore(%run_scoped3A : memref<!tpu.dma_semaphore, #tpu.memory_space<semaphore_mem>>) src(%dma_wait3A_1865 : memref<512xi32, #tpu.memory_space<hbm>>) dst(%arg7 : memref<512xi32, #tpu.memory_space<vmem>>)
        tpu.yield
      }) : () -> ()
      %get3A = arith.constant 0 : index
      %get3A_61 = tpu.vector_load %arg6[%get3A] {strides = array<i32>} : memref<512xi32, #tpu.memory_space<vmem>>, vector<16xi32>,
      %add3A_62 = arith.addi %get3A_61, %get3A_61 : vector<16xi32>
      %ge3A = arith.constant 507904 : i32
      %ge3A_63 = vector.broadcast %ge3A : i32 to vector<16xi32>
      %ge3A_64 = arith.cmpi sge, %get3A_61, %ge3A_63 : vector<16xi32>
      %jit3A_65 = arith.constant 999423 : i32
      %jit3A_66 = arith.constant 0 : i32
      %broadcast_in_dim3A = vector.broadcast %jit3A_65 : i32 to vector<16xi32>
      %broadcast_in_dim3A_67 = vector.broadcast %jit3A_66 : i32 to vector<16xi32>
      %select_n3A_68 = arith.select %ge3A_64, %broadcast_in_dim3A, %broadcast_in_dim3A_67 : vector<16xi1>, vector<16xi32>
      %sub3A_69 = arith.subi %add3A_62, %select_n3A_68 : vector<16xi32>
      %add3A_70 = arith.constant 0 : i32
      %add3A_71 = vector.broadcast %add3A_70 : i32 to vector<16xi32>
      %add3A_72 = arith.addi %add3A_71, %iota3A : vector<16xi32>
      %mul3A_73 = arith.constant 2 : i32
      %mul3A_74 = vector.broadcast %mul3A_73 : i32 to vector<16xi32>
      %mul3A_75 = arith.muli %mul3A_74, %add3A_72 : vector<16xi32>
      %add3A_76 = arith.constant 0 : i32
      %add3A_77 = vector.broadcast %add3A_76 : i32 to vector<16xi32>
      %add3A_78 = arith.addi %mul3A_75, %add3A_77 : vector<16xi32>
      %scatter3A = arith.constant 0 : i32
      %scatter3A_79 = arith.constant 0 : i32
      %scatter3A_80 = tpu.memref_slice %arg5[%scatter3A, %scatter3A_79] : memref<8x128xi32, #tpu.memory_space<vmem>> -> memref<1x128xi32, #tpu.memory_space<vmem>>
      %scatter3A_81 = tpu.memref_squeeze %scatter3A_80 : memref<1x128xi32, #tpu.memory_space<vmem>> -> memref<128xi32, #tpu.memory_space<vmem>>
      tpu.vector_store_idx %scatter3A_81[%add3A_78], %sub3A_69 : memref<128xi32, #tpu.memory_space<vmem>>[vector<16xi32>], vector<16xi32>,
      %get3A_82 = arith.constant 0 : index
      %get3A_83 = tpu.vector_load %arg7[%get3A_82] {strides = array<i32>} : memref<512xi32, #tpu.memory_space<vmem>>, vector<16xi32>,
      %add3A_84 = arith.addi %get3A_83, %get3A_83 : vector<16xi32>
      %ge3A_85 = arith.constant 507904 : i32
      %ge3A_86 = vector.broadcast %ge3A_85 : i32 to vector<16xi32>
      %ge3A_87 = arith.cmpi sge, %get3A_83, %ge3A_86 : vector<16xi32>
      %jit3A_88 = arith.constant 999423 : i32
      %jit3A_89 = arith.constant 0 : i32
      %broadcast_in_dim3A_90 = vector.broadcast %jit3A_88 : i32 to vector<16xi32>
      %broadcast_in_dim3A_91 = vector.broadcast %jit3A_89 : i32 to vector<16xi32>
      %select_n3A_92 = arith.select %ge3A_87, %broadcast_in_dim3A_90, %broadcast_in_dim3A_91 : vector<16xi1>, vector<16xi32>
      %sub3A_93 = arith.subi %add3A_84, %select_n3A_92 : vector<16xi32>
      %add3A_94 = arith.constant 0 : i32
      %add3A_95 = vector.broadcast %add3A_94 : i32 to vector<16xi32>
      %add3A_96 = arith.addi %add3A_95, %iota3A : vector<16xi32>
      %mul3A_97 = arith.constant 2 : i32
      %mul3A_98 = vector.broadcast %mul3A_97 : i32 to vector<16xi32>
      %mul3A_99 = arith.muli %mul3A_98, %add3A_96 : vector<16xi32>
      %add3A_100 = arith.constant 1 : i32
      %add3A_101 = vector.broadcast %add3A_100 : i32 to vector<16xi32>
      %add3A_102 = arith.addi %mul3A_99, %add3A_101 : vector<16xi32>
      %scatter3A_103 = arith.constant 0 : i32
      %scatter3A_104 = arith.constant 0 : i32
      %scatter3A_105 = tpu.memref_slice %arg5[%scatter3A_103, %scatter3A_104] : memref<8x128xi32, #tpu.memory_space<vmem>> -> memref<1x128xi32, #tpu.memory_space<vmem>>
      %scatter3A_106 = tpu.memref_squeeze %scatter3A_105 : memref<1x128xi32, #tpu.memory_space<vmem>> -> memref<128xi32, #tpu.memory_space<vmem>>
      tpu.vector_store_idx %scatter3A_106[%add3A_102], %sub3A_93 : memref<128xi32, #tpu.memory_space<vmem>>[vector<16xi32>], vector<16xi32>,
      %get3A_107 = arith.constant 16 : index
      %get3A_108 = tpu.vector_load %arg6[%get3A_107] {strides = array<i32>} : memref<512xi32, #tpu.memory_space<vmem>>, vector<16xi32>,
      %add3A_109 = arith.addi %get3A_108, %get3A_108 : vector<16xi32>
      %ge3A_110 = arith.constant 507904 : i32
      %ge3A_111 = vector.broadcast %ge3A_110 : i32 to vector<16xi32>
      %ge3A_112 = arith.cmpi sge, %get3A_108, %ge3A_111 : vector<16xi32>
      %jit3A_113 = arith.constant 999423 : i32
      %jit3A_114 = arith.constant 0 : i32
      %broadcast_in_dim3A_115 = vector.broadcast %jit3A_113 : i32 to vector<16xi32>
      %broadcast_in_dim3A_116 = vector.broadcast %jit3A_114 : i32 to vector<16xi32>
      %select_n3A_117 = arith.select %ge3A_112, %broadcast_in_dim3A_115, %broadcast_in_dim3A_116 : vector<16xi1>, vector<16xi32>
      %sub3A_118 = arith.subi %add3A_109, %select_n3A_117 : vector<16xi32>
      %add3A_119 = arith.constant 16 : i32
      %add3A_120 = vector.broadcast %add3A_119 : i32 to vector<16xi32>
      %add3A_121 = arith.addi %add3A_120, %iota3A : vector<16xi32>
      %mul3A_122 = arith.constant 2 : i32
      %mul3A_123 = vector.broadcast %mul3A_122 : i32 to vector<16xi32>
      %mul3A_124 = arith.muli %mul3A_123, %add3A_121 : vector<16xi32>
      %add3A_125 = arith.constant 0 : i32
      %add3A_126 = vector.broadcast %add3A_125 : i32 to vector<16xi32>
      %add3A_127 = arith.addi %mul3A_124, %add3A_126 : vector<16xi32>
      %scatter3A_128 = arith.constant 0 : i32
      %scatter3A_129 = arith.constant 0 : i32
      %scatter3A_130 = tpu.memref_slice %arg5[%scatter3A_128, %scatter3A_129] : memref<8x128xi32, #tpu.memory_space<vmem>> -> memref<1x128xi32, #tpu.memory_space<vmem>>
      %scatter3A_131 = tpu.memref_squeeze %scatter3A_130 : memref<1x128xi32, #tpu.memory_space<vmem>> -> memref<128xi32, #tpu.memory_space<vmem>>
      tpu.vector_store_idx %scatter3A_131[%add3A_127], %sub3A_118 : memref<128xi32, #tpu.memory_space<vmem>>[vector<16xi32>], vector<16xi32>,
      %get3A_132 = arith.constant 16 : index
      %get3A_133 = tpu.vector_load %arg7[%get3A_132] {strides = array<i32>} : memref<512xi32, #tpu.memory_space<vmem>>, vector<16xi32>,
      %add3A_134 = arith.addi %get3A_133, %get3A_133 : vector<16xi32>
      %ge3A_135 = arith.constant 507904 : i32
      %ge3A_136 = vector.broadcast %ge3A_135 : i32 to vector<16xi32>
      %ge3A_137 = arith.cmpi sge, %get3A_133, %ge3A_136 : vector<16xi32>
      %jit3A_138 = arith.constant 999423 : i32
      %jit3A_139 = arith.constant 0 : i32
      %broadcast_in_dim3A_140 = vector.broadcast %jit3A_138 : i32 to vector<16xi32>
      %broadcast_in_dim3A_141 = vector.broadcast %jit3A_139 : i32 to vector<16xi32>
      %select_n3A_142 = arith.select %ge3A_137, %broadcast_in_dim3A_140, %broadcast_in_dim3A_141 : vector<16xi1>, vector<16xi32>
      %sub3A_143 = arith.subi %add3A_134, %select_n3A_142 : vector<16xi32>
      %add3A_144 = arith.constant 16 : i32
      %add3A_145 = vector.broadcast %add3A_144 : i32 to vector<16xi32>
      %add3A_146 = arith.addi %add3A_145, %iota3A : vector<16xi32>
      %mul3A_147 = arith.constant 2 : i32
      %mul3A_148 = vector.broadcast %mul3A_147 : i32 to vector<16xi32>
      %mul3A_149 = arith.muli %mul3A_148, %add3A_146 : vector<16xi32>
      %add3A_150 = arith.constant 1 : i32
      %add3A_151 = vector.broadcast %add3A_150 : i32 to vector<16xi32>
      %add3A_152 = arith.addi %mul3A_149, %add3A_151 : vector<16xi32>
      %scatter3A_153 = arith.constant 0 : i32
      %scatter3A_154 = arith.constant 0 : i32
      %scatter3A_155 = tpu.memref_slice %arg5[%scatter3A_153, %scatter3A_154] : memref<8x128xi32, #tpu.memory_space<vmem>> -> memref<1x128xi32, #tpu.memory_space<vmem>>
      %scatter3A_156 = tpu.memref_squeeze %scatter3A_155 : memref<1x128xi32, #tpu.memory_space<vmem>> -> memref<128xi32, #tpu.memory_space<vmem>>
      tpu.vector_store_idx %scatter3A_156[%add3A_152], %sub3A_143 : memref<128xi32, #tpu.memory_space<vmem>>[vector<16xi32>], vector<16xi32>,
      %get3A_157 = arith.constant 32 : index
      %get3A_158 = tpu.vector_load %arg6[%get3A_157] {strides = array<i32>} : memref<512xi32, #tpu.memory_space<vmem>>, vector<16xi32>,
      %add3A_159 = arith.addi %get3A_158, %get3A_158 : vector<16xi32>
      %ge3A_160 = arith.constant 507904 : i32
      %ge3A_161 = vector.broadcast %ge3A_160 : i32 to vector<16xi32>
      %ge3A_162 = arith.cmpi sge, %get3A_158, %ge3A_161 : vector<16xi32>
      %jit3A_163 = arith.constant 999423 : i32
      %jit3A_164 = arith.constant 0 : i32
      %broadcast_in_dim3A_165 = vector.broadcast %jit3A_163 : i32 to vector<16xi32>
      %broadcast_in_dim3A_166 = vector.broadcast %jit3A_164 : i32 to vector<16xi32>
      %select_n3A_167 = arith.select %ge3A_162, %broadcast_in_dim3A_165, %broadcast_in_dim3A_166 : vector<16xi1>, vector<16xi32>
      %sub3A_168 = arith.subi %add3A_159, %select_n3A_167 : vector<16xi32>
      %add3A_169 = arith.constant 32 : i32
      %add3A_170 = vector.broadcast %add3A_169 : i32 to vector<16xi32>
      %add3A_171 = arith.addi %add3A_170, %iota3A : vector<16xi32>
      %mul3A_172 = arith.constant 2 : i32
      %mul3A_173 = vector.broadcast %mul3A_172 : i32 to vector<16xi32>
      %mul3A_174 = arith.muli %mul3A_173, %add3A_171 : vector<16xi32>
      %add3A_175 = arith.constant 0 : i32
      %add3A_176 = vector.broadcast %add3A_175 : i32 to vector<16xi32>
      %add3A_177 = arith.addi %mul3A_174, %add3A_176 : vector<16xi32>
      %scatter3A_178 = arith.constant 0 : i32
      %scatter3A_179 = arith.constant 0 : i32
      %scatter3A_180 = tpu.memref_slice %arg5[%scatter3A_178, %scatter3A_179] : memref<8x128xi32, #tpu.memory_space<vmem>> -> memref<1x128xi32, #tpu.memory_space<vmem>>
      %scatter3A_181 = tpu.memref_squeeze %scatter3A_180 : memref<1x128xi32, #tpu.memory_space<vmem>> -> memref<128xi32, #tpu.memory_space<vmem>>
      tpu.vector_store_idx %scatter3A_181[%add3A_177], %sub3A_168 : memref<128xi32, #tpu.memory_space<vmem>>[vector<16xi32>], vector<16xi32>,
      %get3A_182 = arith.constant 32 : index
      %get3A_183 = tpu.vector_load %arg7[%get3A_182] {strides = array<i32>} : memref<512xi32, #tpu.memory_space<vmem>>, vector<16xi32>,
      %add3A_184 = arith.addi %get3A_183, %get3A_183 : vector<16xi32>
      %ge3A_185 = arith.constant 507904 : i32
      %ge3A_186 = vector.broadcast %ge3A_185 : i32 to vector<16xi32>
      %ge3A_187 = arith.cmpi sge, %get3A_183, %ge3A_186 : vector<16xi32>
      %jit3A_188 = arith.constant 999423 : i32
      %jit3A_189 = arith.constant 0 : i32
      %broadcast_in_dim3A_190 = vector.broadcast %jit3A_188 : i32 to vector<16xi32>
      %broadcast_in_dim3A_191 = vector.broadcast %jit3A_189 : i32 to vector<16xi32>
      %select_n3A_192 = arith.select %ge3A_187, %broadcast_in_dim3A_190, %broadcast_in_dim3A_191 : vector<16xi1>, vector<16xi32>
      %sub3A_193 = arith.subi %add3A_184, %select_n3A_192 : vector<16xi32>
      %add3A_194 = arith.constant 32 : i32
      %add3A_195 = vector.broadcast %add3A_194 : i32 to vector<16xi32>
      %add3A_196 = arith.addi %add3A_195, %iota3A : vector<16xi32>
      %mul3A_197 = arith.constant 2 : i32
      %mul3A_198 = vector.broadcast %mul3A_197 : i32 to vector<16xi32>
      %mul3A_199 = arith.muli %mul3A_198, %add3A_196 : vector<16xi32>
      %add3A_200 = arith.constant 1 : i32
      %add3A_201 = vector.broadcast %add3A_200 : i32 to vector<16xi32>
      %add3A_202 = arith.addi %mul3A_199, %add3A_201 : vector<16xi32>
      %scatter3A_203 = arith.constant 0 : i32
      %scatter3A_204 = arith.constant 0 : i32
      %scatter3A_205 = tpu.memref_slice %arg5[%scatter3A_203, %scatter3A_204] : memref<8x128xi32, #tpu.memory_space<vmem>> -> memref<1x128xi32, #tpu.memory_space<vmem>>
      %scatter3A_206 = tpu.memref_squeeze %scatter3A_205 : memref<1x128xi32, #tpu.memory_space<vmem>> -> memref<128xi32, #tpu.memory_space<vmem>>
      tpu.vector_store_idx %scatter3A_206[%add3A_202], %sub3A_193 : memref<128xi32, #tpu.memory_space<vmem>>[vector<16xi32>], vector<16xi32>,
      %get3A_207 = arith.constant 48 : index
      %get3A_208 = tpu.vector_load %arg6[%get3A_207] {strides = array<i32>} : memref<512xi32, #tpu.memory_space<vmem>>, vector<16xi32>,
      %add3A_209 = arith.addi %get3A_208, %get3A_208 : vector<16xi32>
      %ge3A_210 = arith.constant 507904 : i32
      %ge3A_211 = vector.broadcast %ge3A_210 : i32 to vector<16xi32>
      %ge3A_212 = arith.cmpi sge, %get3A_208, %ge3A_211 : vector<16xi32>
      %jit3A_213 = arith.constant 999423 : i32
      %jit3A_214 = arith.constant 0 : i32
      %broadcast_in_dim3A_215 = vector.broadcast %jit3A_213 : i32 to vector<16xi32>
      %broadcast_in_dim3A_216 = vector.broadcast %jit3A_214 : i32 to vector<16xi32>
      %select_n3A_217 = arith.select %ge3A_212, %broadcast_in_dim3A_215, %broadcast_in_dim3A_216 : vector<16xi1>, vector<16xi32>
      %sub3A_218 = arith.subi %add3A_209, %select_n3A_217 : vector<16xi32>
      %add3A_219 = arith.constant 48 : i32
      %add3A_220 = vector.broadcast %add3A_219 : i32 to vector<16xi32>
      %add3A_221 = arith.addi %add3A_220, %iota3A : vector<16xi32>
      %mul3A_222 = arith.constant 2 : i32
      %mul3A_223 = vector.broadcast %mul3A_222 : i32 to vector<16xi32>
      %mul3A_224 = arith.muli %mul3A_223, %add3A_221 : vector<16xi32>
      %add3A_225 = arith.constant 0 : i32
      %add3A_226 = vector.broadcast %add3A_225 : i32 to vector<16xi32>
      %add3A_227 = arith.addi %mul3A_224, %add3A_226 : vector<16xi32>
      %scatter3A_228 = arith.constant 0 : i32
      %scatter3A_229 = arith.constant 0 : i32
      %scatter3A_230 = tpu.memref_slice %arg5[%scatter3A_228, %scatter3A_229] : memref<8x128xi32, #tpu.memory_space<vmem>> -> memref<1x128xi32, #tpu.memory_space<vmem>>
      %scatter3A_231 = tpu.memref_squeeze %scatter3A_230 : memref<1x128xi32, #tpu.memory_space<vmem>> -> memref<128xi32, #tpu.memory_space<vmem>>
      tpu.vector_store_idx %scatter3A_231[%add3A_227], %sub3A_218 : memref<128xi32, #tpu.memory_space<vmem>>[vector<16xi32>], vector<16xi32>,
      %get3A_232 = arith.constant 48 : index
      %get3A_233 = tpu.vector_load %arg7[%get3A_232] {strides = array<i32>} : memref<512xi32, #tpu.memory_space<vmem>>, vector<16xi32>,
      %add3A_234 = arith.addi %get3A_233, %get3A_233 : vector<16xi32>
      %ge3A_235 = arith.constant 507904 : i32
      %ge3A_236 = vector.broadcast %ge3A_235 : i32 to vector<16xi32>
      %ge3A_237 = arith.cmpi sge, %get3A_233, %ge3A_236 : vector<16xi32>
      %jit3A_238 = arith.constant 999423 : i32
      %jit3A_239 = arith.constant 0 : i32
      %broadcast_in_dim3A_240 = vector.broadcast %jit3A_238 : i32 to vector<16xi32>
      %broadcast_in_dim3A_241 = vector.broadcast %jit3A_239 : i32 to vector<16xi32>
      %select_n3A_242 = arith.select %ge3A_237, %broadcast_in_dim3A_240, %broadcast_in_dim3A_241 : vector<16xi1>, vector<16xi32>
      %sub3A_243 = arith.subi %add3A_234, %select_n3A_242 : vector<16xi32>
      %add3A_244 = arith.constant 48 : i32
      %add3A_245 = vector.broadcast %add3A_244 : i32 to vector<16xi32>
      %add3A_246 = arith.addi %add3A_245, %iota3A : vector<16xi32>
      %mul3A_247 = arith.constant 2 : i32
      %mul3A_248 = vector.broadcast %mul3A_247 : i32 to vector<16xi32>
      %mul3A_249 = arith.muli %mul3A_248, %add3A_246 : vector<16xi32>
      %add3A_250 = arith.constant 1 : i32
      %add3A_251 = vector.broadcast %add3A_250 : i32 to vector<16xi32>
      %add3A_252 = arith.addi %mul3A_249, %add3A_251 : vector<16xi32>
      %scatter3A_253 = arith.constant 0 : i32
      %scatter3A_254 = arith.constant 0 : i32
      %scatter3A_255 = tpu.memref_slice %arg5[%scatter3A_253, %scatter3A_254] : memref<8x128xi32, #tpu.memory_space<vmem>> -> memref<1x128xi32, #tpu.memory_space<vmem>>
      %scatter3A_256 = tpu.memref_squeeze %scatter3A_255 : memref<1x128xi32, #tpu.memory_space<vmem>> -> memref<128xi32, #tpu.memory_space<vmem>>
      tpu.vector_store_idx %scatter3A_256[%add3A_252], %sub3A_243 : memref<128xi32, #tpu.memory_space<vmem>>[vector<16xi32>], vector<16xi32>,
      %get3A_257 = arith.constant 64 : index
      %get3A_258 = tpu.vector_load %arg6[%get3A_257] {strides = array<i32>} : memref<512xi32, #tpu.memory_space<vmem>>, vector<16xi32>,
      %add3A_259 = arith.addi %get3A_258, %get3A_258 : vector<16xi32>
      %ge3A_260 = arith.constant 507904 : i32
      %ge3A_261 = vector.broadcast %ge3A_260 : i32 to vector<16xi32>
      %ge3A_262 = arith.cmpi sge, %get3A_258, %ge3A_261 : vector<16xi32>
      %jit3A_263 = arith.constant 999423 : i32
      %jit3A_264 = arith.constant 0 : i32
      %broadcast_in_dim3A_265 = vector.broadcast %jit3A_263 : i32 to vector<16xi32>
      %broadcast_in_dim3A_266 = vector.broadcast %jit3A_264 : i32 to vector<16xi32>
      %select_n3A_267 = arith.select %ge3A_262, %broadcast_in_dim3A_265, %broadcast_in_dim3A_266 : vector<16xi1>, vector<16xi32>
      %sub3A_268 = arith.subi %add3A_259, %select_n3A_267 : vector<16xi32>
      %add3A_269 = arith.constant 0 : i32
      %add3A_270 = vector.broadcast %add3A_269 : i32 to vector<16xi32>
      %add3A_271 = arith.addi %add3A_270, %iota3A : vector<16xi32>
      %mul3A_272 = arith.constant 2 : i32
      %mul3A_273 = vector.broadcast %mul3A_272 : i32 to vector<16xi32>
      %mul3A_274 = arith.muli %mul3A_273, %add3A_271 : vector<16xi32>
      %add3A_275 = arith.constant 0 : i32
      %add3A_276 = vector.broadcast %add3A_275 : i32 to vector<16xi32>
      %add3A_277 = arith.addi %mul3A_274, %add3A_276 : vector<16xi32>
      %scatter3A_278 = arith.constant 1 : i32
      %scatter3A_279 = arith.constant 0 : i32
      %scatter3A_280 = tpu.memref_slice %arg5[%scatter3A_278, %scatter3A_279] : memref<8x128xi32, #tpu.memory_space<vmem>> -> memref<1x128xi32, #tpu.memory_space<vmem>>
      %scatter3A_281 = tpu.memref_squeeze %scatter3A_280 : memref<1x128xi32, #tpu.memory_space<vmem>> -> memref<128xi32, #tpu.memory_space<vmem>>
      tpu.vector_store_idx %scatter3A_281[%add3A_277], %sub3A_268 : memref<128xi32, #tpu.memory_space<vmem>>[vector<16xi32>], vector<16xi32>,
      %get3A_282 = arith.constant 64 : index
      %get3A_283 = tpu.vector_load %arg7[%get3A_282] {strides = array<i32>} : memref<512xi32, #tpu.memory_space<vmem>>, vector<16xi32>,
      %add3A_284 = arith.addi %get3A_283, %get3A_283 : vector<16xi32>
      %ge3A_285 = arith.constant 507904 : i32
      %ge3A_286 = vector.broadcast %ge3A_285 : i32 to vector<16xi32>
      %ge3A_287 = arith.cmpi sge, %get3A_283, %ge3A_286 : vector<16xi32>
      %jit3A_288 = arith.constant 999423 : i32
      %jit3A_289 = arith.constant 0 : i32
      %broadcast_in_dim3A_290 = vector.broadcast %jit3A_288 : i32 to vector<16xi32>
      %broadcast_in_dim3A_291 = vector.broadcast %jit3A_289 : i32 to vector<16xi32>
      %select_n3A_292 = arith.select %ge3A_287, %broadcast_in_dim3A_290, %broadcast_in_dim3A_291 : vector<16xi1>, vector<16xi32>
      %sub3A_293 = arith.subi %add3A_284, %select_n3A_292 : vector<16xi32>
      %add3A_294 = arith.constant 0 : i32
      %add3A_295 = vector.broadcast %add3A_294 : i32 to vector<16xi32>
      %add3A_296 = arith.addi %add3A_295, %iota3A : vector<16xi32>
      %mul3A_297 = arith.constant 2 : i32
      %mul3A_298 = vector.broadcast %mul3A_297 : i32 to vector<16xi32>
      %mul3A_299 = arith.muli %mul3A_298, %add3A_296 : vector<16xi32>
      %add3A_300 = arith.constant 1 : i32
      %add3A_301 = vector.broadcast %add3A_300 : i32 to vector<16xi32>
      %add3A_302 = arith.addi %mul3A_299, %add3A_301 : vector<16xi32>
      %scatter3A_303 = arith.constant 1 : i32
      %scatter3A_304 = arith.constant 0 : i32
      %scatter3A_305 = tpu.memref_slice %arg5[%scatter3A_303, %scatter3A_304] : memref<8x128xi32, #tpu.memory_space<vmem>> -> memref<1x128xi32, #tpu.memory_space<vmem>>
      %scatter3A_306 = tpu.memref_squeeze %scatter3A_305 : memref<1x128xi32, #tpu.memory_space<vmem>> -> memref<128xi32, #tpu.memory_space<vmem>>
      tpu.vector_store_idx %scatter3A_306[%add3A_302], %sub3A_293 : memref<128xi32, #tpu.memory_space<vmem>>[vector<16xi32>], vector<16xi32>,
      %get3A_307 = arith.constant 80 : index
      %get3A_308 = tpu.vector_load %arg6[%get3A_307] {strides = array<i32>} : memref<512xi32, #tpu.memory_space<vmem>>, vector<16xi32>,
      %add3A_309 = arith.addi %get3A_308, %get3A_308 : vector<16xi32>
      %ge3A_310 = arith.constant 507904 : i32
      %ge3A_311 = vector.broadcast %ge3A_310 : i32 to vector<16xi32>
      %ge3A_312 = arith.cmpi sge, %get3A_308, %ge3A_311 : vector<16xi32>
      %jit3A_313 = arith.constant 999423 : i32
      %jit3A_314 = arith.constant 0 : i32
      %broadcast_in_dim3A_315 = vector.broadcast %jit3A_313 : i32 to vector<16xi32>
      %broadcast_in_dim3A_316 = vector.broadcast %jit3A_314 : i32 to vector<16xi32>
      %select_n3A_317 = arith.select %ge3A_312, %broadcast_in_dim3A_315, %broadcast_in_dim3A_316 : vector<16xi1>, vector<16xi32>
      %sub3A_318 = arith.subi %add3A_309, %select_n3A_317 : vector<16xi32>
      %add3A_319 = arith.constant 16 : i32
      %add3A_320 = vector.broadcast %add3A_319 : i32 to vector<16xi32>
      %add3A_321 = arith.addi %add3A_320, %iota3A : vector<16xi32>
      %mul3A_322 = arith.constant 2 : i32
      %mul3A_323 = vector.broadcast %mul3A_322 : i32 to vector<16xi32>
      %mul3A_324 = arith.muli %mul3A_323, %add3A_321 : vector<16xi32>
      %add3A_325 = arith.constant 0 : i32
      %add3A_326 = vector.broadcast %add3A_325 : i32 to vector<16xi32>
      %add3A_327 = arith.addi %mul3A_324, %add3A_326 : vector<16xi32>
      %scatter3A_328 = arith.constant 1 : i32
      %scatter3A_329 = arith.constant 0 : i32
      %scatter3A_330 = tpu.memref_slice %arg5[%scatter3A_328, %scatter3A_329] : memref<8x128xi32, #tpu.memory_space<vmem>> -> memref<1x128xi32, #tpu.memory_space<vmem>>
      %scatter3A_331 = tpu.memref_squeeze %scatter3A_330 : memref<1x128xi32, #tpu.memory_space<vmem>> -> memref<128xi32, #tpu.memory_space<vmem>>
      tpu.vector_store_idx %scatter3A_331[%add3A_327], %sub3A_318 : memref<128xi32, #tpu.memory_space<vmem>>[vector<16xi32>], vector<16xi32>,
      %get3A_332 = arith.constant 80 : index
      %get3A_333 = tpu.vector_load %arg7[%get3A_332] {strides = array<i32>} : memref<512xi32, #tpu.memory_space<vmem>>, vector<16xi32>,
      %add3A_334 = arith.addi %get3A_333, %get3A_333 : vector<16xi32>
      %ge3A_335 = arith.constant 507904 : i32
      %ge3A_336 = vector.broadcast %ge3A_335 : i32 to vector<16xi32>
      %ge3A_337 = arith.cmpi sge, %get3A_333, %ge3A_336 : vector<16xi32>
      %jit3A_338 = arith.constant 999423 : i32
      %jit3A_339 = arith.constant 0 : i32
      %broadcast_in_dim3A_340 = vector.broadcast %jit3A_338 : i32 to vector<16xi32>
      %broadcast_in_dim3A_341 = vector.broadcast %jit3A_339 : i32 to vector<16xi32>
      %select_n3A_342 = arith.select %ge3A_337, %broadcast_in_dim3A_340, %broadcast_in_dim3A_341 : vector<16xi1>, vector<16xi32>
      %sub3A_343 = arith.subi %add3A_334, %select_n3A_342 : vector<16xi32>
      %add3A_344 = arith.constant 16 : i32
      %add3A_345 = vector.broadcast %add3A_344 : i32 to vector<16xi32>
      %add3A_346 = arith.addi %add3A_345, %iota3A : vector<16xi32>
      %mul3A_347 = arith.constant 2 : i32
      %mul3A_348 = vector.broadcast %mul3A_347 : i32 to vector<16xi32>
      %mul3A_349 = arith.muli %mul3A_348, %add3A_346 : vector<16xi32>
      %add3A_350 = arith.constant 1 : i32
      %add3A_351 = vector.broadcast %add3A_350 : i32 to vector<16xi32>
      %add3A_352 = arith.addi %mul3A_349, %add3A_351 : vector<16xi32>
      %scatter3A_353 = arith.constant 1 : i32
      %scatter3A_354 = arith.constant 0 : i32
      %scatter3A_355 = tpu.memref_slice %arg5[%scatter3A_353, %scatter3A_354] : memref<8x128xi32, #tpu.memory_space<vmem>> -> memref<1x128xi32, #tpu.memory_space<vmem>>
      %scatter3A_356 = tpu.memref_squeeze %scatter3A_355 : memref<1x128xi32, #tpu.memory_space<vmem>> -> memref<128xi32, #tpu.memory_space<vmem>>
      tpu.vector_store_idx %scatter3A_356[%add3A_352], %sub3A_343 : memref<128xi32, #tpu.memory_space<vmem>>[vector<16xi32>], vector<16xi32>,
      %get3A_357 = arith.constant 96 : index
      %get3A_358 = tpu.vector_load %arg6[%get3A_357] {strides = array<i32>} : memref<512xi32, #tpu.memory_space<vmem>>, vector<16xi32>,
      %add3A_359 = arith.addi %get3A_358, %get3A_358 : vector<16xi32>
      %ge3A_360 = arith.constant 507904 : i32
      %ge3A_361 = vector.broadcast %ge3A_360 : i32 to vector<16xi32>
      %ge3A_362 = arith.cmpi sge, %get3A_358, %ge3A_361 : vector<16xi32>
      %jit3A_363 = arith.constant 999423 : i32
      %jit3A_364 = arith.constant 0 : i32
      %broadcast_in_dim3A_365 = vector.broadcast %jit3A_363 : i32 to vector<16xi32>
      %broadcast_in_dim3A_366 = vector.broadcast %jit3A_364 : i32 to vector<16xi32>
      %select_n3A_367 = arith.select %ge3A_362, %broadcast_in_dim3A_365, %broadcast_in_dim3A_366 : vector<16xi1>, vector<16xi32>
      %sub3A_368 = arith.subi %add3A_359, %select_n3A_367 : vector<16xi32>
      %add3A_369 = arith.constant 32 : i32
      %add3A_370 = vector.broadcast %add3A_369 : i32 to vector<16xi32>
      %add3A_371 = arith.addi %add3A_370, %iota3A : vector<16xi32>
      %mul3A_372 = arith.constant 2 : i32
      %mul3A_373 = vector.broadcast %mul3A_372 : i32 to vector<16xi32>
      %mul3A_374 = arith.muli %mul3A_373, %add3A_371 : vector<16xi32>
      %add3A_375 = arith.constant 0 : i32
      %add3A_376 = vector.broadcast %add3A_375 : i32 to vector<16xi32>
      %add3A_377 = arith.addi %mul3A_374, %add3A_376 : vector<16xi32>
      %scatter3A_378 = arith.constant 1 : i32
      %scatter3A_379 = arith.constant 0 : i32
      %scatter3A_380 = tpu.memref_slice %arg5[%scatter3A_378, %scatter3A_379] : memref<8x128xi32, #tpu.memory_space<vmem>> -> memref<1x128xi32, #tpu.memory_space<vmem>>
      %scatter3A_381 = tpu.memref_squeeze %scatter3A_380 : memref<1x128xi32, #tpu.memory_space<vmem>> -> memref<128xi32, #tpu.memory_space<vmem>>
      tpu.vector_store_idx %scatter3A_381[%add3A_377], %sub3A_368 : memref<128xi32, #tpu.memory_space<vmem>>[vector<16xi32>], vector<16xi32>,
      %get3A_382 = arith.constant 96 : index
      %get3A_383 = tpu.vector_load %arg7[%get3A_382] {strides = array<i32>} : memref<512xi32, #tpu.memory_space<vmem>>, vector<16xi32>,
      %add3A_384 = arith.addi %get3A_383, %get3A_383 : vector<16xi32>
      %ge3A_385 = arith.constant 507904 : i32
      %ge3A_386 = vector.broadcast %ge3A_385 : i32 to vector<16xi32>
      %ge3A_387 = arith.cmpi sge, %get3A_383, %ge3A_386 : vector<16xi32>
      %jit3A_388 = arith.constant 999423 : i32
      %jit3A_389 = arith.constant 0 : i32
      %broadcast_in_dim3A_390 = vector.broadcast %jit3A_388 : i32 to vector<16xi32>
      %broadcast_in_dim3A_391 = vector.broadcast %jit3A_389 : i32 to vector<16xi32>
      %select_n3A_392 = arith.select %ge3A_387, %broadcast_in_dim3A_390, %broadcast_in_dim3A_391 : vector<16xi1>, vector<16xi32>
      %sub3A_393 = arith.subi %add3A_384, %select_n3A_392 : vector<16xi32>
      %add3A_394 = arith.constant 32 : i32
      %add3A_395 = vector.broadcast %add3A_394 : i32 to vector<16xi32>
      %add3A_396 = arith.addi %add3A_395, %iota3A : vector<16xi32>
      %mul3A_397 = arith.constant 2 : i32
      %mul3A_398 = vector.broadcast %mul3A_397 : i32 to vector<16xi32>
      %mul3A_399 = arith.muli %mul3A_398, %add3A_396 : vector<16xi32>
      %add3A_400 = arith.constant 1 : i32
      %add3A_401 = vector.broadcast %add3A_400 : i32 to vector<16xi32>
      %add3A_402 = arith.addi %mul3A_399, %add3A_401 : vector<16xi32>
      %scatter3A_403 = arith.constant 1 : i32
      %scatter3A_404 = arith.constant 0 : i32
      %scatter3A_405 = tpu.memref_slice %arg5[%scatter3A_403, %scatter3A_404] : memref<8x128xi32, #tpu.memory_space<vmem>> -> memref<1x128xi32, #tpu.memory_space<vmem>>
      %scatter3A_406 = tpu.memref_squeeze %scatter3A_405 : memref<1x128xi32, #tpu.memory_space<vmem>> -> memref<128xi32, #tpu.memory_space<vmem>>
      tpu.vector_store_idx %scatter3A_406[%add3A_402], %sub3A_393 : memref<128xi32, #tpu.memory_space<vmem>>[vector<16xi32>], vector<16xi32>,
      %get3A_407 = arith.constant 112 : index
      %get3A_408 = tpu.vector_load %arg6[%get3A_407] {strides = array<i32>} : memref<512xi32, #tpu.memory_space<vmem>>, vector<16xi32>,
      %add3A_409 = arith.addi %get3A_408, %get3A_408 : vector<16xi32>
      %ge3A_410 = arith.constant 507904 : i32
      %ge3A_411 = vector.broadcast %ge3A_410 : i32 to vector<16xi32>
      %ge3A_412 = arith.cmpi sge, %get3A_408, %ge3A_411 : vector<16xi32>
      %jit3A_413 = arith.constant 999423 : i32
      %jit3A_414 = arith.constant 0 : i32
      %broadcast_in_dim3A_415 = vector.broadcast %jit3A_413 : i32 to vector<16xi32>
      %broadcast_in_dim3A_416 = vector.broadcast %jit3A_414 : i32 to vector<16xi32>
      %select_n3A_417 = arith.select %ge3A_412, %broadcast_in_dim3A_415, %broadcast_in_dim3A_416 : vector<16xi1>, vector<16xi32>
      %sub3A_418 = arith.subi %add3A_409, %select_n3A_417 : vector<16xi32>
      %add3A_419 = arith.constant 48 : i32
      %add3A_420 = vector.broadcast %add3A_419 : i32 to vector<16xi32>
      %add3A_421 = arith.addi %add3A_420, %iota3A : vector<16xi32>
      %mul3A_422 = arith.constant 2 : i32
      %mul3A_423 = vector.broadcast %mul3A_422 : i32 to vector<16xi32>
      %mul3A_424 = arith.muli %mul3A_423, %add3A_421 : vector<16xi32>
      %add3A_425 = arith.constant 0 : i32
      %add3A_426 = vector.broadcast %add3A_425 : i32 to vector<16xi32>
      %add3A_427 = arith.addi %mul3A_424, %add3A_426 : vector<16xi32>
      %scatter3A_428 = arith.constant 1 : i32
      %scatter3A_429 = arith.constant 0 : i32
      %scatter3A_430 = tpu.memref_slice %arg5[%scatter3A_428, %scatter3A_429] : memref<8x128xi32, #tpu.memory_space<vmem>> -> memref<1x128xi32, #tpu.memory_space<vmem>>
      %scatter3A_431 = tpu.memref_squeeze %scatter3A_430 : memref<1x128xi32, #tpu.memory_space<vmem>> -> memref<128xi32, #tpu.memory_space<vmem>>
      tpu.vector_store_idx %scatter3A_431[%add3A_427], %sub3A_418 : memref<128xi32, #tpu.memory_space<vmem>>[vector<16xi32>], vector<16xi32>,
      %get3A_432 = arith.constant 112 : index
      %get3A_433 = tpu.vector_load %arg7[%get3A_432] {strides = array<i32>} : memref<512xi32, #tpu.memory_space<vmem>>, vector<16xi32>,
      %add3A_434 = arith.addi %get3A_433, %get3A_433 : vector<16xi32>
      %ge3A_435 = arith.constant 507904 : i32
      %ge3A_436 = vector.broadcast %ge3A_435 : i32 to vector<16xi32>
      %ge3A_437 = arith.cmpi sge, %get3A_433, %ge3A_436 : vector<16xi32>
      %jit3A_438 = arith.constant 999423 : i32
      %jit3A_439 = arith.constant 0 : i32
      %broadcast_in_dim3A_440 = vector.broadcast %jit3A_438 : i32 to vector<16xi32>
      %broadcast_in_dim3A_441 = vector.broadcast %jit3A_439 : i32 to vector<16xi32>
      %select_n3A_442 = arith.select %ge3A_437, %broadcast_in_dim3A_440, %broadcast_in_dim3A_441 : vector<16xi1>, vector<16xi32>
      %sub3A_443 = arith.subi %add3A_434, %select_n3A_442 : vector<16xi32>
      %add3A_444 = arith.constant 48 : i32
      %add3A_445 = vector.broadcast %add3A_444 : i32 to vector<16xi32>
      %add3A_446 = arith.addi %add3A_445, %iota3A : vector<16xi32>
      %mul3A_447 = arith.constant 2 : i32
      %mul3A_448 = vector.broadcast %mul3A_447 : i32 to vector<16xi32>
      %mul3A_449 = arith.muli %mul3A_448, %add3A_446 : vector<16xi32>
      %add3A_450 = arith.constant 1 : i32
      %add3A_451 = vector.broadcast %add3A_450 : i32 to vector<16xi32>
      %add3A_452 = arith.addi %mul3A_449, %add3A_451 : vector<16xi32>
      %scatter3A_453 = arith.constant 1 : i32
      %scatter3A_454 = arith.constant 0 : i32
      %scatter3A_455 = tpu.memref_slice %arg5[%scatter3A_453, %scatter3A_454] : memref<8x128xi32, #tpu.memory_space<vmem>> -> memref<1x128xi32, #tpu.memory_space<vmem>>
      %scatter3A_456 = tpu.memref_squeeze %scatter3A_455 : memref<1x128xi32, #tpu.memory_space<vmem>> -> memref<128xi32, #tpu.memory_space<vmem>>
      tpu.vector_store_idx %scatter3A_456[%add3A_452], %sub3A_443 : memref<128xi32, #tpu.memory_space<vmem>>[vector<16xi32>], vector<16xi32>,
      %get3A_457 = arith.constant 128 : index
      %get3A_458 = tpu.vector_load %arg6[%get3A_457] {strides = array<i32>} : memref<512xi32, #tpu.memory_space<vmem>>, vector<16xi32>,
      %add3A_459 = arith.addi %get3A_458, %get3A_458 : vector<16xi32>
      %ge3A_460 = arith.constant 507904 : i32
      %ge3A_461 = vector.broadcast %ge3A_460 : i32 to vector<16xi32>
      %ge3A_462 = arith.cmpi sge, %get3A_458, %ge3A_461 : vector<16xi32>
      %jit3A_463 = arith.constant 999423 : i32
      %jit3A_464 = arith.constant 0 : i32
      %broadcast_in_dim3A_465 = vector.broadcast %jit3A_463 : i32 to vector<16xi32>
      %broadcast_in_dim3A_466 = vector.broadcast %jit3A_464 : i32 to vector<16xi32>
      %select_n3A_467 = arith.select %ge3A_462, %broadcast_in_dim3A_465, %broadcast_in_dim3A_466 : vector<16xi1>, vector<16xi32>
      %sub3A_468 = arith.subi %add3A_459, %select_n3A_467 : vector<16xi32>
      %add3A_469 = arith.constant 0 : i32
      %add3A_470 = vector.broadcast %add3A_469 : i32 to vector<16xi32>
      %add3A_471 = arith.addi %add3A_470, %iota3A : vector<16xi32>
      %mul3A_472 = arith.constant 2 : i32
      %mul3A_473 = vector.broadcast %mul3A_472 : i32 to vector<16xi32>
      %mul3A_474 = arith.muli %mul3A_473, %add3A_471 : vector<16xi32>
      %add3A_475 = arith.constant 0 : i32
      %add3A_476 = vector.broadcast %add3A_475 : i32 to vector<16xi32>
      %add3A_477 = arith.addi %mul3A_474, %add3A_476 : vector<16xi32>
      %scatter3A_478 = arith.constant 2 : i32
      %scatter3A_479 = arith.constant 0 : i32
      %scatter3A_480 = tpu.memref_slice %arg5[%scatter3A_478, %scatter3A_479] : memref<8x128xi32, #tpu.memory_space<vmem>> -> memref<1x128xi32, #tpu.memory_space<vmem>>
      %scatter3A_481 = tpu.memref_squeeze %scatter3A_480 : memref<1x128xi32, #tpu.memory_space<vmem>> -> memref<128xi32, #tpu.memory_space<vmem>>
      tpu.vector_store_idx %scatter3A_481[%add3A_477], %sub3A_468 : memref<128xi32, #tpu.memory_space<vmem>>[vector<16xi32>], vector<16xi32>,
      %get3A_482 = arith.constant 128 : index
      %get3A_483 = tpu.vector_load %arg7[%get3A_482] {strides = array<i32>} : memref<512xi32, #tpu.memory_space<vmem>>, vector<16xi32>,
      %add3A_484 = arith.addi %get3A_483, %get3A_483 : vector<16xi32>
      %ge3A_485 = arith.constant 507904 : i32
      %ge3A_486 = vector.broadcast %ge3A_485 : i32 to vector<16xi32>
      %ge3A_487 = arith.cmpi sge, %get3A_483, %ge3A_486 : vector<16xi32>
      %jit3A_488 = arith.constant 999423 : i32
      %jit3A_489 = arith.constant 0 : i32
      %broadcast_in_dim3A_490 = vector.broadcast %jit3A_488 : i32 to vector<16xi32>
      %broadcast_in_dim3A_491 = vector.broadcast %jit3A_489 : i32 to vector<16xi32>
      %select_n3A_492 = arith.select %ge3A_487, %broadcast_in_dim3A_490, %broadcast_in_dim3A_491 : vector<16xi1>, vector<16xi32>
      %sub3A_493 = arith.subi %add3A_484, %select_n3A_492 : vector<16xi32>
      %add3A_494 = arith.constant 0 : i32
      %add3A_495 = vector.broadcast %add3A_494 : i32 to vector<16xi32>
      %add3A_496 = arith.addi %add3A_495, %iota3A : vector<16xi32>
      %mul3A_497 = arith.constant 2 : i32
      %mul3A_498 = vector.broadcast %mul3A_497 : i32 to vector<16xi32>
      %mul3A_499 = arith.muli %mul3A_498, %add3A_496 : vector<16xi32>
      %add3A_500 = arith.constant 1 : i32
      %add3A_501 = vector.broadcast %add3A_500 : i32 to vector<16xi32>
      %add3A_502 = arith.addi %mul3A_499, %add3A_501 : vector<16xi32>
      %scatter3A_503 = arith.constant 2 : i32
      %scatter3A_504 = arith.constant 0 : i32
      %scatter3A_505 = tpu.memref_slice %arg5[%scatter3A_503, %scatter3A_504] : memref<8x128xi32, #tpu.memory_space<vmem>> -> memref<1x128xi32, #tpu.memory_space<vmem>>
      %scatter3A_506 = tpu.memref_squeeze %scatter3A_505 : memref<1x128xi32, #tpu.memory_space<vmem>> -> memref<128xi32, #tpu.memory_space<vmem>>
      tpu.vector_store_idx %scatter3A_506[%add3A_502], %sub3A_493 : memref<128xi32, #tpu.memory_space<vmem>>[vector<16xi32>], vector<16xi32>,
      %get3A_507 = arith.constant 144 : index
      %get3A_508 = tpu.vector_load %arg6[%get3A_507] {strides = array<i32>} : memref<512xi32, #tpu.memory_space<vmem>>, vector<16xi32>,
      %add3A_509 = arith.addi %get3A_508, %get3A_508 : vector<16xi32>
      %ge3A_510 = arith.constant 507904 : i32
      %ge3A_511 = vector.broadcast %ge3A_510 : i32 to vector<16xi32>
      %ge3A_512 = arith.cmpi sge, %get3A_508, %ge3A_511 : vector<16xi32>
      %jit3A_513 = arith.constant 999423 : i32
      %jit3A_514 = arith.constant 0 : i32
      %broadcast_in_dim3A_515 = vector.broadcast %jit3A_513 : i32 to vector<16xi32>
      %broadcast_in_dim3A_516 = vector.broadcast %jit3A_514 : i32 to vector<16xi32>
      %select_n3A_517 = arith.select %ge3A_512, %broadcast_in_dim3A_515, %broadcast_in_dim3A_516 : vector<16xi1>, vector<16xi32>
      %sub3A_518 = arith.subi %add3A_509, %select_n3A_517 : vector<16xi32>
      %add3A_519 = arith.constant 16 : i32
      %add3A_520 = vector.broadcast %add3A_519 : i32 to vector<16xi32>
      %add3A_521 = arith.addi %add3A_520, %iota3A : vector<16xi32>
      %mul3A_522 = arith.constant 2 : i32
      %mul3A_523 = vector.broadcast %mul3A_522 : i32 to vector<16xi32>
      %mul3A_524 = arith.muli %mul3A_523, %add3A_521 : vector<16xi32>
      %add3A_525 = arith.constant 0 : i32
      %add3A_526 = vector.broadcast %add3A_525 : i32 to vector<16xi32>
      %add3A_527 = arith.addi %mul3A_524, %add3A_526 : vector<16xi32>
      %scatter3A_528 = arith.constant 2 : i32
      %scatter3A_529 = arith.constant 0 : i32
      %scatter3A_530 = tpu.memref_slice %arg5[%scatter3A_528, %scatter3A_529] : memref<8x128xi32, #tpu.memory_space<vmem>> -> memref<1x128xi32, #tpu.memory_space<vmem>>
      %scatter3A_531 = tpu.memref_squeeze %scatter3A_530 : memref<1x128xi32, #tpu.memory_space<vmem>> -> memref<128xi32, #tpu.memory_space<vmem>>
      tpu.vector_store_idx %scatter3A_531[%add3A_527], %sub3A_518 : memref<128xi32, #tpu.memory_space<vmem>>[vector<16xi32>], vector<16xi32>,
      %get3A_532 = arith.constant 144 : index
      %get3A_533 = tpu.vector_load %arg7[%get3A_532] {strides = array<i32>} : memref<512xi32, #tpu.memory_space<vmem>>, vector<16xi32>,
      %add3A_534 = arith.addi %get3A_533, %get3A_533 : vector<16xi32>
      %ge3A_535 = arith.constant 507904 : i32
      %ge3A_536 = vector.broadcast %ge3A_535 : i32 to vector<16xi32>
      %ge3A_537 = arith.cmpi sge, %get3A_533, %ge3A_536 : vector<16xi32>
      %jit3A_538 = arith.constant 999423 : i32
      %jit3A_539 = arith.constant 0 : i32
      %broadcast_in_dim3A_540 = vector.broadcast %jit3A_538 : i32 to vector<16xi32>
      %broadcast_in_dim3A_541 = vector.broadcast %jit3A_539 : i32 to vector<16xi32>
      %select_n3A_542 = arith.select %ge3A_537, %broadcast_in_dim3A_540, %broadcast_in_dim3A_541 : vector<16xi1>, vector<16xi32>
      %sub3A_543 = arith.subi %add3A_534, %select_n3A_542 : vector<16xi32>
      %add3A_544 = arith.constant 16 : i32
      %add3A_545 = vector.broadcast %add3A_544 : i32 to vector<16xi32>
      %add3A_546 = arith.addi %add3A_545, %iota3A : vector<16xi32>
      %mul3A_547 = arith.constant 2 : i32
      %mul3A_548 = vector.broadcast %mul3A_547 : i32 to vector<16xi32>
      %mul3A_549 = arith.muli %mul3A_548, %add3A_546 : vector<16xi32>
      %add3A_550 = arith.constant 1 : i32
      %add3A_551 = vector.broadcast %add3A_550 : i32 to vector<16xi32>
      %add3A_552 = arith.addi %mul3A_549, %add3A_551 : vector<16xi32>
      %scatter3A_553 = arith.constant 2 : i32
      %scatter3A_554 = arith.constant 0 : i32
      %scatter3A_555 = tpu.memref_slice %arg5[%scatter3A_553, %scatter3A_554] : memref<8x128xi32, #tpu.memory_space<vmem>> -> memref<1x128xi32, #tpu.memory_space<vmem>>
      %scatter3A_556 = tpu.memref_squeeze %scatter3A_555 : memref<1x128xi32, #tpu.memory_space<vmem>> -> memref<128xi32, #tpu.memory_space<vmem>>
      tpu.vector_store_idx %scatter3A_556[%add3A_552], %sub3A_543 : memref<128xi32, #tpu.memory_space<vmem>>[vector<16xi32>], vector<16xi32>,
      %get3A_557 = arith.constant 160 : index
      %get3A_558 = tpu.vector_load %arg6[%get3A_557] {strides = array<i32>} : memref<512xi32, #tpu.memory_space<vmem>>, vector<16xi32>,
      %add3A_559 = arith.addi %get3A_558, %get3A_558 : vector<16xi32>
      %ge3A_560 = arith.constant 507904 : i32
      %ge3A_561 = vector.broadcast %ge3A_560 : i32 to vector<16xi32>
      %ge3A_562 = arith.cmpi sge, %get3A_558, %ge3A_561 : vector<16xi32>
      %jit3A_563 = arith.constant 999423 : i32
      %jit3A_564 = arith.constant 0 : i32
      %broadcast_in_dim3A_565 = vector.broadcast %jit3A_563 : i32 to vector<16xi32>
      %broadcast_in_dim3A_566 = vector.broadcast %jit3A_564 : i32 to vector<16xi32>
      %select_n3A_567 = arith.select %ge3A_562, %broadcast_in_dim3A_565, %broadcast_in_dim3A_566 : vector<16xi1>, vector<16xi32>
      %sub3A_568 = arith.subi %add3A_559, %select_n3A_567 : vector<16xi32>
      %add3A_569 = arith.constant 32 : i32
      %add3A_570 = vector.broadcast %add3A_569 : i32 to vector<16xi32>
      %add3A_571 = arith.addi %add3A_570, %iota3A : vector<16xi32>
      %mul3A_572 = arith.constant 2 : i32
      %mul3A_573 = vector.broadcast %mul3A_572 : i32 to vector<16xi32>
      %mul3A_574 = arith.muli %mul3A_573, %add3A_571 : vector<16xi32>
      %add3A_575 = arith.constant 0 : i32
      %add3A_576 = vector.broadcast %add3A_575 : i32 to vector<16xi32>
      %add3A_577 = arith.addi %mul3A_574, %add3A_576 : vector<16xi32>
      %scatter3A_578 = arith.constant 2 : i32
      %scatter3A_579 = arith.constant 0 : i32
      %scatter3A_580 = tpu.memref_slice %arg5[%scatter3A_578, %scatter3A_579] : memref<8x128xi32, #tpu.memory_space<vmem>> -> memref<1x128xi32, #tpu.memory_space<vmem>>
      %scatter3A_581 = tpu.memref_squeeze %scatter3A_580 : memref<1x128xi32, #tpu.memory_space<vmem>> -> memref<128xi32, #tpu.memory_space<vmem>>
      tpu.vector_store_idx %scatter3A_581[%add3A_577], %sub3A_568 : memref<128xi32, #tpu.memory_space<vmem>>[vector<16xi32>], vector<16xi32>,
      %get3A_582 = arith.constant 160 : index
      %get3A_583 = tpu.vector_load %arg7[%get3A_582] {strides = array<i32>} : memref<512xi32, #tpu.memory_space<vmem>>, vector<16xi32>,
      %add3A_584 = arith.addi %get3A_583, %get3A_583 : vector<16xi32>
      %ge3A_585 = arith.constant 507904 : i32
      %ge3A_586 = vector.broadcast %ge3A_585 : i32 to vector<16xi32>
      %ge3A_587 = arith.cmpi sge, %get3A_583, %ge3A_586 : vector<16xi32>
      %jit3A_588 = arith.constant 999423 : i32
      %jit3A_589 = arith.constant 0 : i32
      %broadcast_in_dim3A_590 = vector.broadcast %jit3A_588 : i32 to vector<16xi32>
      %broadcast_in_dim3A_591 = vector.broadcast %jit3A_589 : i32 to vector<16xi32>
      %select_n3A_592 = arith.select %ge3A_587, %broadcast_in_dim3A_590, %broadcast_in_dim3A_591 : vector<16xi1>, vector<16xi32>
      %sub3A_593 = arith.subi %add3A_584, %select_n3A_592 : vector<16xi32>
      %add3A_594 = arith.constant 32 : i32
      %add3A_595 = vector.broadcast %add3A_594 : i32 to vector<16xi32>
      %add3A_596 = arith.addi %add3A_595, %iota3A : vector<16xi32>
      %mul3A_597 = arith.constant 2 : i32
      %mul3A_598 = vector.broadcast %mul3A_597 : i32 to vector<16xi32>
      %mul3A_599 = arith.muli %mul3A_598, %add3A_596 : vector<16xi32>
      %add3A_600 = arith.constant 1 : i32
      %add3A_601 = vector.broadcast %add3A_600 : i32 to vector<16xi32>
      %add3A_602 = arith.addi %mul3A_599, %add3A_601 : vector<16xi32>
      %scatter3A_603 = arith.constant 2 : i32
      %scatter3A_604 = arith.constant 0 : i32
      %scatter3A_605 = tpu.memref_slice %arg5[%scatter3A_603, %scatter3A_604] : memref<8x128xi32, #tpu.memory_space<vmem>> -> memref<1x128xi32, #tpu.memory_space<vmem>>
      %scatter3A_606 = tpu.memref_squeeze %scatter3A_605 : memref<1x128xi32, #tpu.memory_space<vmem>> -> memref<128xi32, #tpu.memory_space<vmem>>
      tpu.vector_store_idx %scatter3A_606[%add3A_602], %sub3A_593 : memref<128xi32, #tpu.memory_space<vmem>>[vector<16xi32>], vector<16xi32>,
      %get3A_607 = arith.constant 176 : index
      %get3A_608 = tpu.vector_load %arg6[%get3A_607] {strides = array<i32>} : memref<512xi32, #tpu.memory_space<vmem>>, vector<16xi32>,
      %add3A_609 = arith.addi %get3A_608, %get3A_608 : vector<16xi32>
      %ge3A_610 = arith.constant 507904 : i32
      %ge3A_611 = vector.broadcast %ge3A_610 : i32 to vector<16xi32>
      %ge3A_612 = arith.cmpi sge, %get3A_608, %ge3A_611 : vector<16xi32>
      %jit3A_613 = arith.constant 999423 : i32
      %jit3A_614 = arith.constant 0 : i32
      %broadcast_in_dim3A_615 = vector.broadcast %jit3A_613 : i32 to vector<16xi32>
      %broadcast_in_dim3A_616 = vector.broadcast %jit3A_614 : i32 to vector<16xi32>
      %select_n3A_617 = arith.select %ge3A_612, %broadcast_in_dim3A_615, %broadcast_in_dim3A_616 : vector<16xi1>, vector<16xi32>
      %sub3A_618 = arith.subi %add3A_609, %select_n3A_617 : vector<16xi32>
      %add3A_619 = arith.constant 48 : i32
      %add3A_620 = vector.broadcast %add3A_619 : i32 to vector<16xi32>
      %add3A_621 = arith.addi %add3A_620, %iota3A : vector<16xi32>
      %mul3A_622 = arith.constant 2 : i32
      %mul3A_623 = vector.broadcast %mul3A_622 : i32 to vector<16xi32>
      %mul3A_624 = arith.muli %mul3A_623, %add3A_621 : vector<16xi32>
      %add3A_625 = arith.constant 0 : i32
      %add3A_626 = vector.broadcast %add3A_625 : i32 to vector<16xi32>
      %add3A_627 = arith.addi %mul3A_624, %add3A_626 : vector<16xi32>
      %scatter3A_628 = arith.constant 2 : i32
      %scatter3A_629 = arith.constant 0 : i32
      %scatter3A_630 = tpu.memref_slice %arg5[%scatter3A_628, %scatter3A_629] : memref<8x128xi32, #tpu.memory_space<vmem>> -> memref<1x128xi32, #tpu.memory_space<vmem>>
      %scatter3A_631 = tpu.memref_squeeze %scatter3A_630 : memref<1x128xi32, #tpu.memory_space<vmem>> -> memref<128xi32, #tpu.memory_space<vmem>>
      tpu.vector_store_idx %scatter3A_631[%add3A_627], %sub3A_618 : memref<128xi32, #tpu.memory_space<vmem>>[vector<16xi32>], vector<16xi32>,
      %get3A_632 = arith.constant 176 : index
      %get3A_633 = tpu.vector_load %arg7[%get3A_632] {strides = array<i32>} : memref<512xi32, #tpu.memory_space<vmem>>, vector<16xi32>,
      %add3A_634 = arith.addi %get3A_633, %get3A_633 : vector<16xi32>
      %ge3A_635 = arith.constant 507904 : i32
      %ge3A_636 = vector.broadcast %ge3A_635 : i32 to vector<16xi32>
      %ge3A_637 = arith.cmpi sge, %get3A_633, %ge3A_636 : vector<16xi32>
      %jit3A_638 = arith.constant 999423 : i32
      %jit3A_639 = arith.constant 0 : i32
      %broadcast_in_dim3A_640 = vector.broadcast %jit3A_638 : i32 to vector<16xi32>
      %broadcast_in_dim3A_641 = vector.broadcast %jit3A_639 : i32 to vector<16xi32>
      %select_n3A_642 = arith.select %ge3A_637, %broadcast_in_dim3A_640, %broadcast_in_dim3A_641 : vector<16xi1>, vector<16xi32>
      %sub3A_643 = arith.subi %add3A_634, %select_n3A_642 : vector<16xi32>
      %add3A_644 = arith.constant 48 : i32
      %add3A_645 = vector.broadcast %add3A_644 : i32 to vector<16xi32>
      %add3A_646 = arith.addi %add3A_645, %iota3A : vector<16xi32>
      %mul3A_647 = arith.constant 2 : i32
      %mul3A_648 = vector.broadcast %mul3A_647 : i32 to vector<16xi32>
      %mul3A_649 = arith.muli %mul3A_648, %add3A_646 : vector<16xi32>
      %add3A_650 = arith.constant 1 : i32
      %add3A_651 = vector.broadcast %add3A_650 : i32 to vector<16xi32>
      %add3A_652 = arith.addi %mul3A_649, %add3A_651 : vector<16xi32>
      %scatter3A_653 = arith.constant 2 : i32
      %scatter3A_654 = arith.constant 0 : i32
      %scatter3A_655 = tpu.memref_slice %arg5[%scatter3A_653, %scatter3A_654] : memref<8x128xi32, #tpu.memory_space<vmem>> -> memref<1x128xi32, #tpu.memory_space<vmem>>
      %scatter3A_656 = tpu.memref_squeeze %scatter3A_655 : memref<1x128xi32, #tpu.memory_space<vmem>> -> memref<128xi32, #tpu.memory_space<vmem>>
      tpu.vector_store_idx %scatter3A_656[%add3A_652], %sub3A_643 : memref<128xi32, #tpu.memory_space<vmem>>[vector<16xi32>], vector<16xi32>,
      %get3A_657 = arith.constant 192 : index
      %get3A_658 = tpu.vector_load %arg6[%get3A_657] {strides = array<i32>} : memref<512xi32, #tpu.memory_space<vmem>>, vector<16xi32>,
      %add3A_659 = arith.addi %get3A_658, %get3A_658 : vector<16xi32>
      %ge3A_660 = arith.constant 507904 : i32
      %ge3A_661 = vector.broadcast %ge3A_660 : i32 to vector<16xi32>
      %ge3A_662 = arith.cmpi sge, %get3A_658, %ge3A_661 : vector<16xi32>
      %jit3A_663 = arith.constant 999423 : i32
      %jit3A_664 = arith.constant 0 : i32
      %broadcast_in_dim3A_665 = vector.broadcast %jit3A_663 : i32 to vector<16xi32>
      %broadcast_in_dim3A_666 = vector.broadcast %jit3A_664 : i32 to vector<16xi32>
      %select_n3A_667 = arith.select %ge3A_662, %broadcast_in_dim3A_665, %broadcast_in_dim3A_666 : vector<16xi1>, vector<16xi32>
      %sub3A_668 = arith.subi %add3A_659, %select_n3A_667 : vector<16xi32>
      %add3A_669 = arith.constant 0 : i32
      %add3A_670 = vector.broadcast %add3A_669 : i32 to vector<16xi32>
      %add3A_671 = arith.addi %add3A_670, %iota3A : vector<16xi32>
      %mul3A_672 = arith.constant 2 : i32
      %mul3A_673 = vector.broadcast %mul3A_672 : i32 to vector<16xi32>
      %mul3A_674 = arith.muli %mul3A_673, %add3A_671 : vector<16xi32>
      %add3A_675 = arith.constant 0 : i32
      %add3A_676 = vector.broadcast %add3A_675 : i32 to vector<16xi32>
      %add3A_677 = arith.addi %mul3A_674, %add3A_676 : vector<16xi32>
      %scatter3A_678 = arith.constant 3 : i32
      %scatter3A_679 = arith.constant 0 : i32
      %scatter3A_680 = tpu.memref_slice %arg5[%scatter3A_678, %scatter3A_679] : memref<8x128xi32, #tpu.memory_space<vmem>> -> memref<1x128xi32, #tpu.memory_space<vmem>>
      %scatter3A_681 = tpu.memref_squeeze %scatter3A_680 : memref<1x128xi32, #tpu.memory_space<vmem>> -> memref<128xi32, #tpu.memory_space<vmem>>
      tpu.vector_store_idx %scatter3A_681[%add3A_677], %sub3A_668 : memref<128xi32, #tpu.memory_space<vmem>>[vector<16xi32>], vector<16xi32>,
      %get3A_682 = arith.constant 192 : index
      %get3A_683 = tpu.vector_load %arg7[%get3A_682] {strides = array<i32>} : memref<512xi32, #tpu.memory_space<vmem>>, vector<16xi32>,
      %add3A_684 = arith.addi %get3A_683, %get3A_683 : vector<16xi32>
      %ge3A_685 = arith.constant 507904 : i32
      %ge3A_686 = vector.broadcast %ge3A_685 : i32 to vector<16xi32>
      %ge3A_687 = arith.cmpi sge, %get3A_683, %ge3A_686 : vector<16xi32>
      %jit3A_688 = arith.constant 999423 : i32
      %jit3A_689 = arith.constant 0 : i32
      %broadcast_in_dim3A_690 = vector.broadcast %jit3A_688 : i32 to vector<16xi32>
      %broadcast_in_dim3A_691 = vector.broadcast %jit3A_689 : i32 to vector<16xi32>
      %select_n3A_692 = arith.select %ge3A_687, %broadcast_in_dim3A_690, %broadcast_in_dim3A_691 : vector<16xi1>, vector<16xi32>
      %sub3A_693 = arith.subi %add3A_684, %select_n3A_692 : vector<16xi32>
      %add3A_694 = arith.constant 0 : i32
      %add3A_695 = vector.broadcast %add3A_694 : i32 to vector<16xi32>
      %add3A_696 = arith.addi %add3A_695, %iota3A : vector<16xi32>
      %mul3A_697 = arith.constant 2 : i32
      %mul3A_698 = vector.broadcast %mul3A_697 : i32 to vector<16xi32>
      %mul3A_699 = arith.muli %mul3A_698, %add3A_696 : vector<16xi32>
      %add3A_700 = arith.constant 1 : i32
      %add3A_701 = vector.broadcast %add3A_700 : i32 to vector<16xi32>
      %add3A_702 = arith.addi %mul3A_699, %add3A_701 : vector<16xi32>
      %scatter3A_703 = arith.constant 3 : i32
      %scatter3A_704 = arith.constant 0 : i32
      %scatter3A_705 = tpu.memref_slice %arg5[%scatter3A_703, %scatter3A_704] : memref<8x128xi32, #tpu.memory_space<vmem>> -> memref<1x128xi32, #tpu.memory_space<vmem>>
      %scatter3A_706 = tpu.memref_squeeze %scatter3A_705 : memref<1x128xi32, #tpu.memory_space<vmem>> -> memref<128xi32, #tpu.memory_space<vmem>>
      tpu.vector_store_idx %scatter3A_706[%add3A_702], %sub3A_693 : memref<128xi32, #tpu.memory_space<vmem>>[vector<16xi32>], vector<16xi32>,
      %get3A_707 = arith.constant 208 : index
      %get3A_708 = tpu.vector_load %arg6[%get3A_707] {strides = array<i32>} : memref<512xi32, #tpu.memory_space<vmem>>, vector<16xi32>,
      %add3A_709 = arith.addi %get3A_708, %get3A_708 : vector<16xi32>
      %ge3A_710 = arith.constant 507904 : i32
      %ge3A_711 = vector.broadcast %ge3A_710 : i32 to vector<16xi32>
      %ge3A_712 = arith.cmpi sge, %get3A_708, %ge3A_711 : vector<16xi32>
      %jit3A_713 = arith.constant 999423 : i32
      %jit3A_714 = arith.constant 0 : i32
      %broadcast_in_dim3A_715 = vector.broadcast %jit3A_713 : i32 to vector<16xi32>
      %broadcast_in_dim3A_716 = vector.broadcast %jit3A_714 : i32 to vector<16xi32>
      %select_n3A_717 = arith.select %ge3A_712, %broadcast_in_dim3A_715, %broadcast_in_dim3A_716 : vector<16xi1>, vector<16xi32>
      %sub3A_718 = arith.subi %add3A_709, %select_n3A_717 : vector<16xi32>
      %add3A_719 = arith.constant 16 : i32
      %add3A_720 = vector.broadcast %add3A_719 : i32 to vector<16xi32>
      %add3A_721 = arith.addi %add3A_720, %iota3A : vector<16xi32>
      %mul3A_722 = arith.constant 2 : i32
      %mul3A_723 = vector.broadcast %mul3A_722 : i32 to vector<16xi32>
      %mul3A_724 = arith.muli %mul3A_723, %add3A_721 : vector<16xi32>
      %add3A_725 = arith.constant 0 : i32
      %add3A_726 = vector.broadcast %add3A_725 : i32 to vector<16xi32>
      %add3A_727 = arith.addi %mul3A_724, %add3A_726 : vector<16xi32>
      %scatter3A_728 = arith.constant 3 : i32
      %scatter3A_729 = arith.constant 0 : i32
      %scatter3A_730 = tpu.memref_slice %arg5[%scatter3A_728, %scatter3A_729] : memref<8x128xi32, #tpu.memory_space<vmem>> -> memref<1x128xi32, #tpu.memory_space<vmem>>
      %scatter3A_731 = tpu.memref_squeeze %scatter3A_730 : memref<1x128xi32, #tpu.memory_space<vmem>> -> memref<128xi32, #tpu.memory_space<vmem>>
      tpu.vector_store_idx %scatter3A_731[%add3A_727], %sub3A_718 : memref<128xi32, #tpu.memory_space<vmem>>[vector<16xi32>], vector<16xi32>,
      %get3A_732 = arith.constant 208 : index
      %get3A_733 = tpu.vector_load %arg7[%get3A_732] {strides = array<i32>} : memref<512xi32, #tpu.memory_space<vmem>>, vector<16xi32>,
      %add3A_734 = arith.addi %get3A_733, %get3A_733 : vector<16xi32>
      %ge3A_735 = arith.constant 507904 : i32
      %ge3A_736 = vector.broadcast %ge3A_735 : i32 to vector<16xi32>
      %ge3A_737 = arith.cmpi sge, %get3A_733, %ge3A_736 : vector<16xi32>
      %jit3A_738 = arith.constant 999423 : i32
      %jit3A_739 = arith.constant 0 : i32
      %broadcast_in_dim3A_740 = vector.broadcast %jit3A_738 : i32 to vector<16xi32>
      %broadcast_in_dim3A_741 = vector.broadcast %jit3A_739 : i32 to vector<16xi32>
      %select_n3A_742 = arith.select %ge3A_737, %broadcast_in_dim3A_740, %broadcast_in_dim3A_741 : vector<16xi1>, vector<16xi32>
      %sub3A_743 = arith.subi %add3A_734, %select_n3A_742 : vector<16xi32>
      %add3A_744 = arith.constant 16 : i32
      %add3A_745 = vector.broadcast %add3A_744 : i32 to vector<16xi32>
      %add3A_746 = arith.addi %add3A_745, %iota3A : vector<16xi32>
      %mul3A_747 = arith.constant 2 : i32
      %mul3A_748 = vector.broadcast %mul3A_747 : i32 to vector<16xi32>
      %mul3A_749 = arith.muli %mul3A_748, %add3A_746 : vector<16xi32>
      %add3A_750 = arith.constant 1 : i32
      %add3A_751 = vector.broadcast %add3A_750 : i32 to vector<16xi32>
      %add3A_752 = arith.addi %mul3A_749, %add3A_751 : vector<16xi32>
      %scatter3A_753 = arith.constant 3 : i32
      %scatter3A_754 = arith.constant 0 : i32
      %scatter3A_755 = tpu.memref_slice %arg5[%scatter3A_753, %scatter3A_754] : memref<8x128xi32, #tpu.memory_space<vmem>> -> memref<1x128xi32, #tpu.memory_space<vmem>>
      %scatter3A_756 = tpu.memref_squeeze %scatter3A_755 : memref<1x128xi32, #tpu.memory_space<vmem>> -> memref<128xi32, #tpu.memory_space<vmem>>
      tpu.vector_store_idx %scatter3A_756[%add3A_752], %sub3A_743 : memref<128xi32, #tpu.memory_space<vmem>>[vector<16xi32>], vector<16xi32>,
      %get3A_757 = arith.constant 224 : index
      %get3A_758 = tpu.vector_load %arg6[%get3A_757] {strides = array<i32>} : memref<512xi32, #tpu.memory_space<vmem>>, vector<16xi32>,
      %add3A_759 = arith.addi %get3A_758, %get3A_758 : vector<16xi32>
      %ge3A_760 = arith.constant 507904 : i32
      %ge3A_761 = vector.broadcast %ge3A_760 : i32 to vector<16xi32>
      %ge3A_762 = arith.cmpi sge, %get3A_758, %ge3A_761 : vector<16xi32>
      %jit3A_763 = arith.constant 999423 : i32
      %jit3A_764 = arith.constant 0 : i32
      %broadcast_in_dim3A_765 = vector.broadcast %jit3A_763 : i32 to vector<16xi32>
      %broadcast_in_dim3A_766 = vector.broadcast %jit3A_764 : i32 to vector<16xi32>
      %select_n3A_767 = arith.select %ge3A_762, %broadcast_in_dim3A_765, %broadcast_in_dim3A_766 : vector<16xi1>, vector<16xi32>
      %sub3A_768 = arith.subi %add3A_759, %select_n3A_767 : vector<16xi32>
      %add3A_769 = arith.constant 32 : i32
      %add3A_770 = vector.broadcast %add3A_769 : i32 to vector<16xi32>
      %add3A_771 = arith.addi %add3A_770, %iota3A : vector<16xi32>
      %mul3A_772 = arith.constant 2 : i32
      %mul3A_773 = vector.broadcast %mul3A_772 : i32 to vector<16xi32>
      %mul3A_774 = arith.muli %mul3A_773, %add3A_771 : vector<16xi32>
      %add3A_775 = arith.constant 0 : i32
      %add3A_776 = vector.broadcast %add3A_775 : i32 to vector<16xi32>
      %add3A_777 = arith.addi %mul3A_774, %add3A_776 : vector<16xi32>
      %scatter3A_778 = arith.constant 3 : i32
      %scatter3A_779 = arith.constant 0 : i32
      %scatter3A_780 = tpu.memref_slice %arg5[%scatter3A_778, %scatter3A_779] : memref<8x128xi32, #tpu.memory_space<vmem>> -> memref<1x128xi32, #tpu.memory_space<vmem>>
      %scatter3A_781 = tpu.memref_squeeze %scatter3A_780 : memref<1x128xi32, #tpu.memory_space<vmem>> -> memref<128xi32, #tpu.memory_space<vmem>>
      tpu.vector_store_idx %scatter3A_781[%add3A_777], %sub3A_768 : memref<128xi32, #tpu.memory_space<vmem>>[vector<16xi32>], vector<16xi32>,
      %get3A_782 = arith.constant 224 : index
      %get3A_783 = tpu.vector_load %arg7[%get3A_782] {strides = array<i32>} : memref<512xi32, #tpu.memory_space<vmem>>, vector<16xi32>,
      %add3A_784 = arith.addi %get3A_783, %get3A_783 : vector<16xi32>
      %ge3A_785 = arith.constant 507904 : i32
      %ge3A_786 = vector.broadcast %ge3A_785 : i32 to vector<16xi32>
      %ge3A_787 = arith.cmpi sge, %get3A_783, %ge3A_786 : vector<16xi32>
      %jit3A_788 = arith.constant 999423 : i32
      %jit3A_789 = arith.constant 0 : i32
      %broadcast_in_dim3A_790 = vector.broadcast %jit3A_788 : i32 to vector<16xi32>
      %broadcast_in_dim3A_791 = vector.broadcast %jit3A_789 : i32 to vector<16xi32>
      %select_n3A_792 = arith.select %ge3A_787, %broadcast_in_dim3A_790, %broadcast_in_dim3A_791 : vector<16xi1>, vector<16xi32>
      %sub3A_793 = arith.subi %add3A_784, %select_n3A_792 : vector<16xi32>
      %add3A_794 = arith.constant 32 : i32
      %add3A_795 = vector.broadcast %add3A_794 : i32 to vector<16xi32>
      %add3A_796 = arith.addi %add3A_795, %iota3A : vector<16xi32>
      %mul3A_797 = arith.constant 2 : i32
      %mul3A_798 = vector.broadcast %mul3A_797 : i32 to vector<16xi32>
      %mul3A_799 = arith.muli %mul3A_798, %add3A_796 : vector<16xi32>
      %add3A_800 = arith.constant 1 : i32
      %add3A_801 = vector.broadcast %add3A_800 : i32 to vector<16xi32>
      %add3A_802 = arith.addi %mul3A_799, %add3A_801 : vector<16xi32>
      %scatter3A_803 = arith.constant 3 : i32
      %scatter3A_804 = arith.constant 0 : i32
      %scatter3A_805 = tpu.memref_slice %arg5[%scatter3A_803, %scatter3A_804] : memref<8x128xi32, #tpu.memory_space<vmem>> -> memref<1x128xi32, #tpu.memory_space<vmem>>
      %scatter3A_806 = tpu.memref_squeeze %scatter3A_805 : memref<1x128xi32, #tpu.memory_space<vmem>> -> memref<128xi32, #tpu.memory_space<vmem>>
      tpu.vector_store_idx %scatter3A_806[%add3A_802], %sub3A_793 : memref<128xi32, #tpu.memory_space<vmem>>[vector<16xi32>], vector<16xi32>,
      %get3A_807 = arith.constant 240 : index
      %get3A_808 = tpu.vector_load %arg6[%get3A_807] {strides = array<i32>} : memref<512xi32, #tpu.memory_space<vmem>>, vector<16xi32>,
      %add3A_809 = arith.addi %get3A_808, %get3A_808 : vector<16xi32>
      %ge3A_810 = arith.constant 507904 : i32
      %ge3A_811 = vector.broadcast %ge3A_810 : i32 to vector<16xi32>
      %ge3A_812 = arith.cmpi sge, %get3A_808, %ge3A_811 : vector<16xi32>
      %jit3A_813 = arith.constant 999423 : i32
      %jit3A_814 = arith.constant 0 : i32
      %broadcast_in_dim3A_815 = vector.broadcast %jit3A_813 : i32 to vector<16xi32>
      %broadcast_in_dim3A_816 = vector.broadcast %jit3A_814 : i32 to vector<16xi32>
      %select_n3A_817 = arith.select %ge3A_812, %broadcast_in_dim3A_815, %broadcast_in_dim3A_816 : vector<16xi1>, vector<16xi32>
      %sub3A_818 = arith.subi %add3A_809, %select_n3A_817 : vector<16xi32>
      %add3A_819 = arith.constant 48 : i32
      %add3A_820 = vector.broadcast %add3A_819 : i32 to vector<16xi32>
      %add3A_821 = arith.addi %add3A_820, %iota3A : vector<16xi32>
      %mul3A_822 = arith.constant 2 : i32
      %mul3A_823 = vector.broadcast %mul3A_822 : i32 to vector<16xi32>
      %mul3A_824 = arith.muli %mul3A_823, %add3A_821 : vector<16xi32>
      %add3A_825 = arith.constant 0 : i32
      %add3A_826 = vector.broadcast %add3A_825 : i32 to vector<16xi32>
      %add3A_827 = arith.addi %mul3A_824, %add3A_826 : vector<16xi32>
      %scatter3A_828 = arith.constant 3 : i32
      %scatter3A_829 = arith.constant 0 : i32
      %scatter3A_830 = tpu.memref_slice %arg5[%scatter3A_828, %scatter3A_829] : memref<8x128xi32, #tpu.memory_space<vmem>> -> memref<1x128xi32, #tpu.memory_space<vmem>>
      %scatter3A_831 = tpu.memref_squeeze %scatter3A_830 : memref<1x128xi32, #tpu.memory_space<vmem>> -> memref<128xi32, #tpu.memory_space<vmem>>
      tpu.vector_store_idx %scatter3A_831[%add3A_827], %sub3A_818 : memref<128xi32, #tpu.memory_space<vmem>>[vector<16xi32>], vector<16xi32>,
      %get3A_832 = arith.constant 240 : index
      %get3A_833 = tpu.vector_load %arg7[%get3A_832] {strides = array<i32>} : memref<512xi32, #tpu.memory_space<vmem>>, vector<16xi32>,
      %add3A_834 = arith.addi %get3A_833, %get3A_833 : vector<16xi32>
      %ge3A_835 = arith.constant 507904 : i32
      %ge3A_836 = vector.broadcast %ge3A_835 : i32 to vector<16xi32>
      %ge3A_837 = arith.cmpi sge, %get3A_833, %ge3A_836 : vector<16xi32>
      %jit3A_838 = arith.constant 999423 : i32
      %jit3A_839 = arith.constant 0 : i32
      %broadcast_in_dim3A_840 = vector.broadcast %jit3A_838 : i32 to vector<16xi32>
      %broadcast_in_dim3A_841 = vector.broadcast %jit3A_839 : i32 to vector<16xi32>
      %select_n3A_842 = arith.select %ge3A_837, %broadcast_in_dim3A_840, %broadcast_in_dim3A_841 : vector<16xi1>, vector<16xi32>
      %sub3A_843 = arith.subi %add3A_834, %select_n3A_842 : vector<16xi32>
      %add3A_844 = arith.constant 48 : i32
      %add3A_845 = vector.broadcast %add3A_844 : i32 to vector<16xi32>
      %add3A_846 = arith.addi %add3A_845, %iota3A : vector<16xi32>
      %mul3A_847 = arith.constant 2 : i32
      %mul3A_848 = vector.broadcast %mul3A_847 : i32 to vector<16xi32>
      %mul3A_849 = arith.muli %mul3A_848, %add3A_846 : vector<16xi32>
      %add3A_850 = arith.constant 1 : i32
      %add3A_851 = vector.broadcast %add3A_850 : i32 to vector<16xi32>
      %add3A_852 = arith.addi %mul3A_849, %add3A_851 : vector<16xi32>
      %scatter3A_853 = arith.constant 3 : i32
      %scatter3A_854 = arith.constant 0 : i32
      %scatter3A_855 = tpu.memref_slice %arg5[%scatter3A_853, %scatter3A_854] : memref<8x128xi32, #tpu.memory_space<vmem>> -> memref<1x128xi32, #tpu.memory_space<vmem>>
      %scatter3A_856 = tpu.memref_squeeze %scatter3A_855 : memref<1x128xi32, #tpu.memory_space<vmem>> -> memref<128xi32, #tpu.memory_space<vmem>>
      tpu.vector_store_idx %scatter3A_856[%add3A_852], %sub3A_843 : memref<128xi32, #tpu.memory_space<vmem>>[vector<16xi32>], vector<16xi32>,
      %get3A_857 = arith.constant 256 : index
      %get3A_858 = tpu.vector_load %arg6[%get3A_857] {strides = array<i32>} : memref<512xi32, #tpu.memory_space<vmem>>, vector<16xi32>,
      %add3A_859 = arith.addi %get3A_858, %get3A_858 : vector<16xi32>
      %ge3A_860 = arith.constant 507904 : i32
      %ge3A_861 = vector.broadcast %ge3A_860 : i32 to vector<16xi32>
      %ge3A_862 = arith.cmpi sge, %get3A_858, %ge3A_861 : vector<16xi32>
      %jit3A_863 = arith.constant 999423 : i32
      %jit3A_864 = arith.constant 0 : i32
      %broadcast_in_dim3A_865 = vector.broadcast %jit3A_863 : i32 to vector<16xi32>
      %broadcast_in_dim3A_866 = vector.broadcast %jit3A_864 : i32 to vector<16xi32>
      %select_n3A_867 = arith.select %ge3A_862, %broadcast_in_dim3A_865, %broadcast_in_dim3A_866 : vector<16xi1>, vector<16xi32>
      %sub3A_868 = arith.subi %add3A_859, %select_n3A_867 : vector<16xi32>
      %add3A_869 = arith.constant 0 : i32
      %add3A_870 = vector.broadcast %add3A_869 : i32 to vector<16xi32>
      %add3A_871 = arith.addi %add3A_870, %iota3A : vector<16xi32>
      %mul3A_872 = arith.constant 2 : i32
      %mul3A_873 = vector.broadcast %mul3A_872 : i32 to vector<16xi32>
      %mul3A_874 = arith.muli %mul3A_873, %add3A_871 : vector<16xi32>
      %add3A_875 = arith.constant 0 : i32
      %add3A_876 = vector.broadcast %add3A_875 : i32 to vector<16xi32>
      %add3A_877 = arith.addi %mul3A_874, %add3A_876 : vector<16xi32>
      %scatter3A_878 = arith.constant 4 : i32
      %scatter3A_879 = arith.constant 0 : i32
      %scatter3A_880 = tpu.memref_slice %arg5[%scatter3A_878, %scatter3A_879] : memref<8x128xi32, #tpu.memory_space<vmem>> -> memref<1x128xi32, #tpu.memory_space<vmem>>
      %scatter3A_881 = tpu.memref_squeeze %scatter3A_880 : memref<1x128xi32, #tpu.memory_space<vmem>> -> memref<128xi32, #tpu.memory_space<vmem>>
      tpu.vector_store_idx %scatter3A_881[%add3A_877], %sub3A_868 : memref<128xi32, #tpu.memory_space<vmem>>[vector<16xi32>], vector<16xi32>,
      %get3A_882 = arith.constant 256 : index
      %get3A_883 = tpu.vector_load %arg7[%get3A_882] {strides = array<i32>} : memref<512xi32, #tpu.memory_space<vmem>>, vector<16xi32>,
      %add3A_884 = arith.addi %get3A_883, %get3A_883 : vector<16xi32>
      %ge3A_885 = arith.constant 507904 : i32
      %ge3A_886 = vector.broadcast %ge3A_885 : i32 to vector<16xi32>
      %ge3A_887 = arith.cmpi sge, %get3A_883, %ge3A_886 : vector<16xi32>
      %jit3A_888 = arith.constant 999423 : i32
      %jit3A_889 = arith.constant 0 : i32
      %broadcast_in_dim3A_890 = vector.broadcast %jit3A_888 : i32 to vector<16xi32>
      %broadcast_in_dim3A_891 = vector.broadcast %jit3A_889 : i32 to vector<16xi32>
      %select_n3A_892 = arith.select %ge3A_887, %broadcast_in_dim3A_890, %broadcast_in_dim3A_891 : vector<16xi1>, vector<16xi32>
      %sub3A_893 = arith.subi %add3A_884, %select_n3A_892 : vector<16xi32>
      %add3A_894 = arith.constant 0 : i32
      %add3A_895 = vector.broadcast %add3A_894 : i32 to vector<16xi32>
      %add3A_896 = arith.addi %add3A_895, %iota3A : vector<16xi32>
      %mul3A_897 = arith.constant 2 : i32
      %mul3A_898 = vector.broadcast %mul3A_897 : i32 to vector<16xi32>
      %mul3A_899 = arith.muli %mul3A_898, %add3A_896 : vector<16xi32>
      %add3A_900 = arith.constant 1 : i32
      %add3A_901 = vector.broadcast %add3A_900 : i32 to vector<16xi32>
      %add3A_902 = arith.addi %mul3A_899, %add3A_901 : vector<16xi32>
      %scatter3A_903 = arith.constant 4 : i32
      %scatter3A_904 = arith.constant 0 : i32
      %scatter3A_905 = tpu.memref_slice %arg5[%scatter3A_903, %scatter3A_904] : memref<8x128xi32, #tpu.memory_space<vmem>> -> memref<1x128xi32, #tpu.memory_space<vmem>>
      %scatter3A_906 = tpu.memref_squeeze %scatter3A_905 : memref<1x128xi32, #tpu.memory_space<vmem>> -> memref<128xi32, #tpu.memory_space<vmem>>
      tpu.vector_store_idx %scatter3A_906[%add3A_902], %sub3A_893 : memref<128xi32, #tpu.memory_space<vmem>>[vector<16xi32>], vector<16xi32>,
      %get3A_907 = arith.constant 272 : index
      %get3A_908 = tpu.vector_load %arg6[%get3A_907] {strides = array<i32>} : memref<512xi32, #tpu.memory_space<vmem>>, vector<16xi32>,
      %add3A_909 = arith.addi %get3A_908, %get3A_908 : vector<16xi32>
      %ge3A_910 = arith.constant 507904 : i32
      %ge3A_911 = vector.broadcast %ge3A_910 : i32 to vector<16xi32>
      %ge3A_912 = arith.cmpi sge, %get3A_908, %ge3A_911 : vector<16xi32>
      %jit3A_913 = arith.constant 999423 : i32
      %jit3A_914 = arith.constant 0 : i32
      %broadcast_in_dim3A_915 = vector.broadcast %jit3A_913 : i32 to vector<16xi32>
      %broadcast_in_dim3A_916 = vector.broadcast %jit3A_914 : i32 to vector<16xi32>
      %select_n3A_917 = arith.select %ge3A_912, %broadcast_in_dim3A_915, %broadcast_in_dim3A_916 : vector<16xi1>, vector<16xi32>
      %sub3A_918 = arith.subi %add3A_909, %select_n3A_917 : vector<16xi32>
      %add3A_919 = arith.constant 16 : i32
      %add3A_920 = vector.broadcast %add3A_919 : i32 to vector<16xi32>
      %add3A_921 = arith.addi %add3A_920, %iota3A : vector<16xi32>
      %mul3A_922 = arith.constant 2 : i32
      %mul3A_923 = vector.broadcast %mul3A_922 : i32 to vector<16xi32>
      %mul3A_924 = arith.muli %mul3A_923, %add3A_921 : vector<16xi32>
      %add3A_925 = arith.constant 0 : i32
      %add3A_926 = vector.broadcast %add3A_925 : i32 to vector<16xi32>
      %add3A_927 = arith.addi %mul3A_924, %add3A_926 : vector<16xi32>
      %scatter3A_928 = arith.constant 4 : i32
      %scatter3A_929 = arith.constant 0 : i32
      %scatter3A_930 = tpu.memref_slice %arg5[%scatter3A_928, %scatter3A_929] : memref<8x128xi32, #tpu.memory_space<vmem>> -> memref<1x128xi32, #tpu.memory_space<vmem>>
      %scatter3A_931 = tpu.memref_squeeze %scatter3A_930 : memref<1x128xi32, #tpu.memory_space<vmem>> -> memref<128xi32, #tpu.memory_space<vmem>>
      tpu.vector_store_idx %scatter3A_931[%add3A_927], %sub3A_918 : memref<128xi32, #tpu.memory_space<vmem>>[vector<16xi32>], vector<16xi32>,
      %get3A_932 = arith.constant 272 : index
      %get3A_933 = tpu.vector_load %arg7[%get3A_932] {strides = array<i32>} : memref<512xi32, #tpu.memory_space<vmem>>, vector<16xi32>,
      %add3A_934 = arith.addi %get3A_933, %get3A_933 : vector<16xi32>
      %ge3A_935 = arith.constant 507904 : i32
      %ge3A_936 = vector.broadcast %ge3A_935 : i32 to vector<16xi32>
      %ge3A_937 = arith.cmpi sge, %get3A_933, %ge3A_936 : vector<16xi32>
      %jit3A_938 = arith.constant 999423 : i32
      %jit3A_939 = arith.constant 0 : i32
      %broadcast_in_dim3A_940 = vector.broadcast %jit3A_938 : i32 to vector<16xi32>
      %broadcast_in_dim3A_941 = vector.broadcast %jit3A_939 : i32 to vector<16xi32>
      %select_n3A_942 = arith.select %ge3A_937, %broadcast_in_dim3A_940, %broadcast_in_dim3A_941 : vector<16xi1>, vector<16xi32>
      %sub3A_943 = arith.subi %add3A_934, %select_n3A_942 : vector<16xi32>
      %add3A_944 = arith.constant 16 : i32
      %add3A_945 = vector.broadcast %add3A_944 : i32 to vector<16xi32>
      %add3A_946 = arith.addi %add3A_945, %iota3A : vector<16xi32>
      %mul3A_947 = arith.constant 2 : i32
      %mul3A_948 = vector.broadcast %mul3A_947 : i32 to vector<16xi32>
      %mul3A_949 = arith.muli %mul3A_948, %add3A_946 : vector<16xi32>
      %add3A_950 = arith.constant 1 : i32
      %add3A_951 = vector.broadcast %add3A_950 : i32 to vector<16xi32>
      %add3A_952 = arith.addi %mul3A_949, %add3A_951 : vector<16xi32>
      %scatter3A_953 = arith.constant 4 : i32
      %scatter3A_954 = arith.constant 0 : i32
      %scatter3A_955 = tpu.memref_slice %arg5[%scatter3A_953, %scatter3A_954] : memref<8x128xi32, #tpu.memory_space<vmem>> -> memref<1x128xi32, #tpu.memory_space<vmem>>
      %scatter3A_956 = tpu.memref_squeeze %scatter3A_955 : memref<1x128xi32, #tpu.memory_space<vmem>> -> memref<128xi32, #tpu.memory_space<vmem>>
      tpu.vector_store_idx %scatter3A_956[%add3A_952], %sub3A_943 : memref<128xi32, #tpu.memory_space<vmem>>[vector<16xi32>], vector<16xi32>,
      %get3A_957 = arith.constant 288 : index
      %get3A_958 = tpu.vector_load %arg6[%get3A_957] {strides = array<i32>} : memref<512xi32, #tpu.memory_space<vmem>>, vector<16xi32>,
      %add3A_959 = arith.addi %get3A_958, %get3A_958 : vector<16xi32>
      %ge3A_960 = arith.constant 507904 : i32
      %ge3A_961 = vector.broadcast %ge3A_960 : i32 to vector<16xi32>
      %ge3A_962 = arith.cmpi sge, %get3A_958, %ge3A_961 : vector<16xi32>
      %jit3A_963 = arith.constant 999423 : i32
      %jit3A_964 = arith.constant 0 : i32
      %broadcast_in_dim3A_965 = vector.broadcast %jit3A_963 : i32 to vector<16xi32>
      %broadcast_in_dim3A_966 = vector.broadcast %jit3A_964 : i32 to vector<16xi32>
      %select_n3A_967 = arith.select %ge3A_962, %broadcast_in_dim3A_965, %broadcast_in_dim3A_966 : vector<16xi1>, vector<16xi32>
      %sub3A_968 = arith.subi %add3A_959, %select_n3A_967 : vector<16xi32>
      %add3A_969 = arith.constant 32 : i32
      %add3A_970 = vector.broadcast %add3A_969 : i32 to vector<16xi32>
      %add3A_971 = arith.addi %add3A_970, %iota3A : vector<16xi32>
      %mul3A_972 = arith.constant 2 : i32
      %mul3A_973 = vector.broadcast %mul3A_972 : i32 to vector<16xi32>
      %mul3A_974 = arith.muli %mul3A_973, %add3A_971 : vector<16xi32>
      %add3A_975 = arith.constant 0 : i32
      %add3A_976 = vector.broadcast %add3A_975 : i32 to vector<16xi32>
      %add3A_977 = arith.addi %mul3A_974, %add3A_976 : vector<16xi32>
      %scatter3A_978 = arith.constant 4 : i32
      %scatter3A_979 = arith.constant 0 : i32
      %scatter3A_980 = tpu.memref_slice %arg5[%scatter3A_978, %scatter3A_979] : memref<8x128xi32, #tpu.memory_space<vmem>> -> memref<1x128xi32, #tpu.memory_space<vmem>>
      %scatter3A_981 = tpu.memref_squeeze %scatter3A_980 : memref<1x128xi32, #tpu.memory_space<vmem>> -> memref<128xi32, #tpu.memory_space<vmem>>
      tpu.vector_store_idx %scatter3A_981[%add3A_977], %sub3A_968 : memref<128xi32, #tpu.memory_space<vmem>>[vector<16xi32>], vector<16xi32>,
      %get3A_982 = arith.constant 288 : index
      %get3A_983 = tpu.vector_load %arg7[%get3A_982] {strides = array<i32>} : memref<512xi32, #tpu.memory_space<vmem>>, vector<16xi32>,
      %add3A_984 = arith.addi %get3A_983, %get3A_983 : vector<16xi32>
      %ge3A_985 = arith.constant 507904 : i32
      %ge3A_986 = vector.broadcast %ge3A_985 : i32 to vector<16xi32>
      %ge3A_987 = arith.cmpi sge, %get3A_983, %ge3A_986 : vector<16xi32>
      %jit3A_988 = arith.constant 999423 : i32
      %jit3A_989 = arith.constant 0 : i32
      %broadcast_in_dim3A_990 = vector.broadcast %jit3A_988 : i32 to vector<16xi32>
      %broadcast_in_dim3A_991 = vector.broadcast %jit3A_989 : i32 to vector<16xi32>
      %select_n3A_992 = arith.select %ge3A_987, %broadcast_in_dim3A_990, %broadcast_in_dim3A_991 : vector<16xi1>, vector<16xi32>
      %sub3A_993 = arith.subi %add3A_984, %select_n3A_992 : vector<16xi32>
      %add3A_994 = arith.constant 32 : i32
      %add3A_995 = vector.broadcast %add3A_994 : i32 to vector<16xi32>
      %add3A_996 = arith.addi %add3A_995, %iota3A : vector<16xi32>
      %mul3A_997 = arith.constant 2 : i32
      %mul3A_998 = vector.broadcast %mul3A_997 : i32 to vector<16xi32>
      %mul3A_999 = arith.muli %mul3A_998, %add3A_996 : vector<16xi32>
      %add3A_1000 = arith.constant 1 : i32
      %add3A_1001 = vector.broadcast %add3A_1000 : i32 to vector<16xi32>
      %add3A_1002 = arith.addi %mul3A_999, %add3A_1001 : vector<16xi32>
      %scatter3A_1003 = arith.constant 4 : i32
      %scatter3A_1004 = arith.constant 0 : i32
      %scatter3A_1005 = tpu.memref_slice %arg5[%scatter3A_1003, %scatter3A_1004] : memref<8x128xi32, #tpu.memory_space<vmem>> -> memref<1x128xi32, #tpu.memory_space<vmem>>
      %scatter3A_1006 = tpu.memref_squeeze %scatter3A_1005 : memref<1x128xi32, #tpu.memory_space<vmem>> -> memref<128xi32, #tpu.memory_space<vmem>>
      tpu.vector_store_idx %scatter3A_1006[%add3A_1002], %sub3A_993 : memref<128xi32, #tpu.memory_space<vmem>>[vector<16xi32>], vector<16xi32>,
      %get3A_1007 = arith.constant 304 : index
      %get3A_1008 = tpu.vector_load %arg6[%get3A_1007] {strides = array<i32>} : memref<512xi32, #tpu.memory_space<vmem>>, vector<16xi32>,
      %add3A_1009 = arith.addi %get3A_1008, %get3A_1008 : vector<16xi32>
      %ge3A_1010 = arith.constant 507904 : i32
      %ge3A_1011 = vector.broadcast %ge3A_1010 : i32 to vector<16xi32>
      %ge3A_1012 = arith.cmpi sge, %get3A_1008, %ge3A_1011 : vector<16xi32>
      %jit3A_1013 = arith.constant 999423 : i32
      %jit3A_1014 = arith.constant 0 : i32
      %broadcast_in_dim3A_1015 = vector.broadcast %jit3A_1013 : i32 to vector<16xi32>
      %broadcast_in_dim3A_1016 = vector.broadcast %jit3A_1014 : i32 to vector<16xi32>
      %select_n3A_1017 = arith.select %ge3A_1012, %broadcast_in_dim3A_1015, %broadcast_in_dim3A_1016 : vector<16xi1>, vector<16xi32>
      %sub3A_1018 = arith.subi %add3A_1009, %select_n3A_1017 : vector<16xi32>
      %add3A_1019 = arith.constant 48 : i32
      %add3A_1020 = vector.broadcast %add3A_1019 : i32 to vector<16xi32>
      %add3A_1021 = arith.addi %add3A_1020, %iota3A : vector<16xi32>
      %mul3A_1022 = arith.constant 2 : i32
      %mul3A_1023 = vector.broadcast %mul3A_1022 : i32 to vector<16xi32>
      %mul3A_1024 = arith.muli %mul3A_1023, %add3A_1021 : vector<16xi32>
      %add3A_1025 = arith.constant 0 : i32
      %add3A_1026 = vector.broadcast %add3A_1025 : i32 to vector<16xi32>
      %add3A_1027 = arith.addi %mul3A_1024, %add3A_1026 : vector<16xi32>
      %scatter3A_1028 = arith.constant 4 : i32
      %scatter3A_1029 = arith.constant 0 : i32
      %scatter3A_1030 = tpu.memref_slice %arg5[%scatter3A_1028, %scatter3A_1029] : memref<8x128xi32, #tpu.memory_space<vmem>> -> memref<1x128xi32, #tpu.memory_space<vmem>>
      %scatter3A_1031 = tpu.memref_squeeze %scatter3A_1030 : memref<1x128xi32, #tpu.memory_space<vmem>> -> memref<128xi32, #tpu.memory_space<vmem>>
      tpu.vector_store_idx %scatter3A_1031[%add3A_1027], %sub3A_1018 : memref<128xi32, #tpu.memory_space<vmem>>[vector<16xi32>], vector<16xi32>,
      %get3A_1032 = arith.constant 304 : index
      %get3A_1033 = tpu.vector_load %arg7[%get3A_1032] {strides = array<i32>} : memref<512xi32, #tpu.memory_space<vmem>>, vector<16xi32>,
      %add3A_1034 = arith.addi %get3A_1033, %get3A_1033 : vector<16xi32>
      %ge3A_1035 = arith.constant 507904 : i32
      %ge3A_1036 = vector.broadcast %ge3A_1035 : i32 to vector<16xi32>
      %ge3A_1037 = arith.cmpi sge, %get3A_1033, %ge3A_1036 : vector<16xi32>
      %jit3A_1038 = arith.constant 999423 : i32
      %jit3A_1039 = arith.constant 0 : i32
      %broadcast_in_dim3A_1040 = vector.broadcast %jit3A_1038 : i32 to vector<16xi32>
      %broadcast_in_dim3A_1041 = vector.broadcast %jit3A_1039 : i32 to vector<16xi32>
      %select_n3A_1042 = arith.select %ge3A_1037, %broadcast_in_dim3A_1040, %broadcast_in_dim3A_1041 : vector<16xi1>, vector<16xi32>
      %sub3A_1043 = arith.subi %add3A_1034, %select_n3A_1042 : vector<16xi32>
      %add3A_1044 = arith.constant 48 : i32
      %add3A_1045 = vector.broadcast %add3A_1044 : i32 to vector<16xi32>
      %add3A_1046 = arith.addi %add3A_1045, %iota3A : vector<16xi32>
      %mul3A_1047 = arith.constant 2 : i32
      %mul3A_1048 = vector.broadcast %mul3A_1047 : i32 to vector<16xi32>
      %mul3A_1049 = arith.muli %mul3A_1048, %add3A_1046 : vector<16xi32>
      %add3A_1050 = arith.constant 1 : i32
      %add3A_1051 = vector.broadcast %add3A_1050 : i32 to vector<16xi32>
      %add3A_1052 = arith.addi %mul3A_1049, %add3A_1051 : vector<16xi32>
      %scatter3A_1053 = arith.constant 4 : i32
      %scatter3A_1054 = arith.constant 0 : i32
      %scatter3A_1055 = tpu.memref_slice %arg5[%scatter3A_1053, %scatter3A_1054] : memref<8x128xi32, #tpu.memory_space<vmem>> -> memref<1x128xi32, #tpu.memory_space<vmem>>
      %scatter3A_1056 = tpu.memref_squeeze %scatter3A_1055 : memref<1x128xi32, #tpu.memory_space<vmem>> -> memref<128xi32, #tpu.memory_space<vmem>>
      tpu.vector_store_idx %scatter3A_1056[%add3A_1052], %sub3A_1043 : memref<128xi32, #tpu.memory_space<vmem>>[vector<16xi32>], vector<16xi32>,
      %get3A_1057 = arith.constant 320 : index
      %get3A_1058 = tpu.vector_load %arg6[%get3A_1057] {strides = array<i32>} : memref<512xi32, #tpu.memory_space<vmem>>, vector<16xi32>,
      %add3A_1059 = arith.addi %get3A_1058, %get3A_1058 : vector<16xi32>
      %ge3A_1060 = arith.constant 507904 : i32
      %ge3A_1061 = vector.broadcast %ge3A_1060 : i32 to vector<16xi32>
      %ge3A_1062 = arith.cmpi sge, %get3A_1058, %ge3A_1061 : vector<16xi32>
      %jit3A_1063 = arith.constant 999423 : i32
      %jit3A_1064 = arith.constant 0 : i32
      %broadcast_in_dim3A_1065 = vector.broadcast %jit3A_1063 : i32 to vector<16xi32>
      %broadcast_in_dim3A_1066 = vector.broadcast %jit3A_1064 : i32 to vector<16xi32>
      %select_n3A_1067 = arith.select %ge3A_1062, %broadcast_in_dim3A_1065, %broadcast_in_dim3A_1066 : vector<16xi1>, vector<16xi32>
      %sub3A_1068 = arith.subi %add3A_1059, %select_n3A_1067 : vector<16xi32>
      %add3A_1069 = arith.constant 0 : i32
      %add3A_1070 = vector.broadcast %add3A_1069 : i32 to vector<16xi32>
      %add3A_1071 = arith.addi %add3A_1070, %iota3A : vector<16xi32>
      %mul3A_1072 = arith.constant 2 : i32
      %mul3A_1073 = vector.broadcast %mul3A_1072 : i32 to vector<16xi32>
      %mul3A_1074 = arith.muli %mul3A_1073, %add3A_1071 : vector<16xi32>
      %add3A_1075 = arith.constant 0 : i32
      %add3A_1076 = vector.broadcast %add3A_1075 : i32 to vector<16xi32>
      %add3A_1077 = arith.addi %mul3A_1074, %add3A_1076 : vector<16xi32>
      %scatter3A_1078 = arith.constant 5 : i32
      %scatter3A_1079 = arith.constant 0 : i32
      %scatter3A_1080 = tpu.memref_slice %arg5[%scatter3A_1078, %scatter3A_1079] : memref<8x128xi32, #tpu.memory_space<vmem>> -> memref<1x128xi32, #tpu.memory_space<vmem>>
      %scatter3A_1081 = tpu.memref_squeeze %scatter3A_1080 : memref<1x128xi32, #tpu.memory_space<vmem>> -> memref<128xi32, #tpu.memory_space<vmem>>
      tpu.vector_store_idx %scatter3A_1081[%add3A_1077], %sub3A_1068 : memref<128xi32, #tpu.memory_space<vmem>>[vector<16xi32>], vector<16xi32>,
      %get3A_1082 = arith.constant 320 : index
      %get3A_1083 = tpu.vector_load %arg7[%get3A_1082] {strides = array<i32>} : memref<512xi32, #tpu.memory_space<vmem>>, vector<16xi32>,
      %add3A_1084 = arith.addi %get3A_1083, %get3A_1083 : vector<16xi32>
      %ge3A_1085 = arith.constant 507904 : i32
      %ge3A_1086 = vector.broadcast %ge3A_1085 : i32 to vector<16xi32>
      %ge3A_1087 = arith.cmpi sge, %get3A_1083, %ge3A_1086 : vector<16xi32>
      %jit3A_1088 = arith.constant 999423 : i32
      %jit3A_1089 = arith.constant 0 : i32
      %broadcast_in_dim3A_1090 = vector.broadcast %jit3A_1088 : i32 to vector<16xi32>
      %broadcast_in_dim3A_1091 = vector.broadcast %jit3A_1089 : i32 to vector<16xi32>
      %select_n3A_1092 = arith.select %ge3A_1087, %broadcast_in_dim3A_1090, %broadcast_in_dim3A_1091 : vector<16xi1>, vector<16xi32>
      %sub3A_1093 = arith.subi %add3A_1084, %select_n3A_1092 : vector<16xi32>
      %add3A_1094 = arith.constant 0 : i32
      %add3A_1095 = vector.broadcast %add3A_1094 : i32 to vector<16xi32>
      %add3A_1096 = arith.addi %add3A_1095, %iota3A : vector<16xi32>
      %mul3A_1097 = arith.constant 2 : i32
      %mul3A_1098 = vector.broadcast %mul3A_1097 : i32 to vector<16xi32>
      %mul3A_1099 = arith.muli %mul3A_1098, %add3A_1096 : vector<16xi32>
      %add3A_1100 = arith.constant 1 : i32
      %add3A_1101 = vector.broadcast %add3A_1100 : i32 to vector<16xi32>
      %add3A_1102 = arith.addi %mul3A_1099, %add3A_1101 : vector<16xi32>
      %scatter3A_1103 = arith.constant 5 : i32
      %scatter3A_1104 = arith.constant 0 : i32
      %scatter3A_1105 = tpu.memref_slice %arg5[%scatter3A_1103, %scatter3A_1104] : memref<8x128xi32, #tpu.memory_space<vmem>> -> memref<1x128xi32, #tpu.memory_space<vmem>>
      %scatter3A_1106 = tpu.memref_squeeze %scatter3A_1105 : memref<1x128xi32, #tpu.memory_space<vmem>> -> memref<128xi32, #tpu.memory_space<vmem>>
      tpu.vector_store_idx %scatter3A_1106[%add3A_1102], %sub3A_1093 : memref<128xi32, #tpu.memory_space<vmem>>[vector<16xi32>], vector<16xi32>,
      %get3A_1107 = arith.constant 336 : index
      %get3A_1108 = tpu.vector_load %arg6[%get3A_1107] {strides = array<i32>} : memref<512xi32, #tpu.memory_space<vmem>>, vector<16xi32>,
      %add3A_1109 = arith.addi %get3A_1108, %get3A_1108 : vector<16xi32>
      %ge3A_1110 = arith.constant 507904 : i32
      %ge3A_1111 = vector.broadcast %ge3A_1110 : i32 to vector<16xi32>
      %ge3A_1112 = arith.cmpi sge, %get3A_1108, %ge3A_1111 : vector<16xi32>
      %jit3A_1113 = arith.constant 999423 : i32
      %jit3A_1114 = arith.constant 0 : i32
      %broadcast_in_dim3A_1115 = vector.broadcast %jit3A_1113 : i32 to vector<16xi32>
      %broadcast_in_dim3A_1116 = vector.broadcast %jit3A_1114 : i32 to vector<16xi32>
      %select_n3A_1117 = arith.select %ge3A_1112, %broadcast_in_dim3A_1115, %broadcast_in_dim3A_1116 : vector<16xi1>, vector<16xi32>
      %sub3A_1118 = arith.subi %add3A_1109, %select_n3A_1117 : vector<16xi32>
      %add3A_1119 = arith.constant 16 : i32
      %add3A_1120 = vector.broadcast %add3A_1119 : i32 to vector<16xi32>
      %add3A_1121 = arith.addi %add3A_1120, %iota3A : vector<16xi32>
      %mul3A_1122 = arith.constant 2 : i32
      %mul3A_1123 = vector.broadcast %mul3A_1122 : i32 to vector<16xi32>
      %mul3A_1124 = arith.muli %mul3A_1123, %add3A_1121 : vector<16xi32>
      %add3A_1125 = arith.constant 0 : i32
      %add3A_1126 = vector.broadcast %add3A_1125 : i32 to vector<16xi32>
      %add3A_1127 = arith.addi %mul3A_1124, %add3A_1126 : vector<16xi32>
      %scatter3A_1128 = arith.constant 5 : i32
      %scatter3A_1129 = arith.constant 0 : i32
      %scatter3A_1130 = tpu.memref_slice %arg5[%scatter3A_1128, %scatter3A_1129] : memref<8x128xi32, #tpu.memory_space<vmem>> -> memref<1x128xi32, #tpu.memory_space<vmem>>
      %scatter3A_1131 = tpu.memref_squeeze %scatter3A_1130 : memref<1x128xi32, #tpu.memory_space<vmem>> -> memref<128xi32, #tpu.memory_space<vmem>>
      tpu.vector_store_idx %scatter3A_1131[%add3A_1127], %sub3A_1118 : memref<128xi32, #tpu.memory_space<vmem>>[vector<16xi32>], vector<16xi32>,
      %get3A_1132 = arith.constant 336 : index
      %get3A_1133 = tpu.vector_load %arg7[%get3A_1132] {strides = array<i32>} : memref<512xi32, #tpu.memory_space<vmem>>, vector<16xi32>,
      %add3A_1134 = arith.addi %get3A_1133, %get3A_1133 : vector<16xi32>
      %ge3A_1135 = arith.constant 507904 : i32
      %ge3A_1136 = vector.broadcast %ge3A_1135 : i32 to vector<16xi32>
      %ge3A_1137 = arith.cmpi sge, %get3A_1133, %ge3A_1136 : vector<16xi32>
      %jit3A_1138 = arith.constant 999423 : i32
      %jit3A_1139 = arith.constant 0 : i32
      %broadcast_in_dim3A_1140 = vector.broadcast %jit3A_1138 : i32 to vector<16xi32>
      %broadcast_in_dim3A_1141 = vector.broadcast %jit3A_1139 : i32 to vector<16xi32>
      %select_n3A_1142 = arith.select %ge3A_1137, %broadcast_in_dim3A_1140, %broadcast_in_dim3A_1141 : vector<16xi1>, vector<16xi32>
      %sub3A_1143 = arith.subi %add3A_1134, %select_n3A_1142 : vector<16xi32>
      %add3A_1144 = arith.constant 16 : i32
      %add3A_1145 = vector.broadcast %add3A_1144 : i32 to vector<16xi32>
      %add3A_1146 = arith.addi %add3A_1145, %iota3A : vector<16xi32>
      %mul3A_1147 = arith.constant 2 : i32
      %mul3A_1148 = vector.broadcast %mul3A_1147 : i32 to vector<16xi32>
      %mul3A_1149 = arith.muli %mul3A_1148, %add3A_1146 : vector<16xi32>
      %add3A_1150 = arith.constant 1 : i32
      %add3A_1151 = vector.broadcast %add3A_1150 : i32 to vector<16xi32>
      %add3A_1152 = arith.addi %mul3A_1149, %add3A_1151 : vector<16xi32>
      %scatter3A_1153 = arith.constant 5 : i32
      %scatter3A_1154 = arith.constant 0 : i32
      %scatter3A_1155 = tpu.memref_slice %arg5[%scatter3A_1153, %scatter3A_1154] : memref<8x128xi32, #tpu.memory_space<vmem>> -> memref<1x128xi32, #tpu.memory_space<vmem>>
      %scatter3A_1156 = tpu.memref_squeeze %scatter3A_1155 : memref<1x128xi32, #tpu.memory_space<vmem>> -> memref<128xi32, #tpu.memory_space<vmem>>
      tpu.vector_store_idx %scatter3A_1156[%add3A_1152], %sub3A_1143 : memref<128xi32, #tpu.memory_space<vmem>>[vector<16xi32>], vector<16xi32>,
      %get3A_1157 = arith.constant 352 : index
      %get3A_1158 = tpu.vector_load %arg6[%get3A_1157] {strides = array<i32>} : memref<512xi32, #tpu.memory_space<vmem>>, vector<16xi32>,
      %add3A_1159 = arith.addi %get3A_1158, %get3A_1158 : vector<16xi32>
      %ge3A_1160 = arith.constant 507904 : i32
      %ge3A_1161 = vector.broadcast %ge3A_1160 : i32 to vector<16xi32>
      %ge3A_1162 = arith.cmpi sge, %get3A_1158, %ge3A_1161 : vector<16xi32>
      %jit3A_1163 = arith.constant 999423 : i32
      %jit3A_1164 = arith.constant 0 : i32
      %broadcast_in_dim3A_1165 = vector.broadcast %jit3A_1163 : i32 to vector<16xi32>
      %broadcast_in_dim3A_1166 = vector.broadcast %jit3A_1164 : i32 to vector<16xi32>
      %select_n3A_1167 = arith.select %ge3A_1162, %broadcast_in_dim3A_1165, %broadcast_in_dim3A_1166 : vector<16xi1>, vector<16xi32>
      %sub3A_1168 = arith.subi %add3A_1159, %select_n3A_1167 : vector<16xi32>
      %add3A_1169 = arith.constant 32 : i32
      %add3A_1170 = vector.broadcast %add3A_1169 : i32 to vector<16xi32>
      %add3A_1171 = arith.addi %add3A_1170, %iota3A : vector<16xi32>
      %mul3A_1172 = arith.constant 2 : i32
      %mul3A_1173 = vector.broadcast %mul3A_1172 : i32 to vector<16xi32>
      %mul3A_1174 = arith.muli %mul3A_1173, %add3A_1171 : vector<16xi32>
      %add3A_1175 = arith.constant 0 : i32
      %add3A_1176 = vector.broadcast %add3A_1175 : i32 to vector<16xi32>
      %add3A_1177 = arith.addi %mul3A_1174, %add3A_1176 : vector<16xi32>
      %scatter3A_1178 = arith.constant 5 : i32
      %scatter3A_1179 = arith.constant 0 : i32
      %scatter3A_1180 = tpu.memref_slice %arg5[%scatter3A_1178, %scatter3A_1179] : memref<8x128xi32, #tpu.memory_space<vmem>> -> memref<1x128xi32, #tpu.memory_space<vmem>>
      %scatter3A_1181 = tpu.memref_squeeze %scatter3A_1180 : memref<1x128xi32, #tpu.memory_space<vmem>> -> memref<128xi32, #tpu.memory_space<vmem>>
      tpu.vector_store_idx %scatter3A_1181[%add3A_1177], %sub3A_1168 : memref<128xi32, #tpu.memory_space<vmem>>[vector<16xi32>], vector<16xi32>,
      %get3A_1182 = arith.constant 352 : index
      %get3A_1183 = tpu.vector_load %arg7[%get3A_1182] {strides = array<i32>} : memref<512xi32, #tpu.memory_space<vmem>>, vector<16xi32>,
      %add3A_1184 = arith.addi %get3A_1183, %get3A_1183 : vector<16xi32>
      %ge3A_1185 = arith.constant 507904 : i32
      %ge3A_1186 = vector.broadcast %ge3A_1185 : i32 to vector<16xi32>
      %ge3A_1187 = arith.cmpi sge, %get3A_1183, %ge3A_1186 : vector<16xi32>
      %jit3A_1188 = arith.constant 999423 : i32
      %jit3A_1189 = arith.constant 0 : i32
      %broadcast_in_dim3A_1190 = vector.broadcast %jit3A_1188 : i32 to vector<16xi32>
      %broadcast_in_dim3A_1191 = vector.broadcast %jit3A_1189 : i32 to vector<16xi32>
      %select_n3A_1192 = arith.select %ge3A_1187, %broadcast_in_dim3A_1190, %broadcast_in_dim3A_1191 : vector<16xi1>, vector<16xi32>
      %sub3A_1193 = arith.subi %add3A_1184, %select_n3A_1192 : vector<16xi32>
      %add3A_1194 = arith.constant 32 : i32
      %add3A_1195 = vector.broadcast %add3A_1194 : i32 to vector<16xi32>
      %add3A_1196 = arith.addi %add3A_1195, %iota3A : vector<16xi32>
      %mul3A_1197 = arith.constant 2 : i32
      %mul3A_1198 = vector.broadcast %mul3A_1197 : i32 to vector<16xi32>
      %mul3A_1199 = arith.muli %mul3A_1198, %add3A_1196 : vector<16xi32>
      %add3A_1200 = arith.constant 1 : i32
      %add3A_1201 = vector.broadcast %add3A_1200 : i32 to vector<16xi32>
      %add3A_1202 = arith.addi %mul3A_1199, %add3A_1201 : vector<16xi32>
      %scatter3A_1203 = arith.constant 5 : i32
      %scatter3A_1204 = arith.constant 0 : i32
      %scatter3A_1205 = tpu.memref_slice %arg5[%scatter3A_1203, %scatter3A_1204] : memref<8x128xi32, #tpu.memory_space<vmem>> -> memref<1x128xi32, #tpu.memory_space<vmem>>
      %scatter3A_1206 = tpu.memref_squeeze %scatter3A_1205 : memref<1x128xi32, #tpu.memory_space<vmem>> -> memref<128xi32, #tpu.memory_space<vmem>>
      tpu.vector_store_idx %scatter3A_1206[%add3A_1202], %sub3A_1193 : memref<128xi32, #tpu.memory_space<vmem>>[vector<16xi32>], vector<16xi32>,
      %get3A_1207 = arith.constant 368 : index
      %get3A_1208 = tpu.vector_load %arg6[%get3A_1207] {strides = array<i32>} : memref<512xi32, #tpu.memory_space<vmem>>, vector<16xi32>,
      %add3A_1209 = arith.addi %get3A_1208, %get3A_1208 : vector<16xi32>
      %ge3A_1210 = arith.constant 507904 : i32
      %ge3A_1211 = vector.broadcast %ge3A_1210 : i32 to vector<16xi32>
      %ge3A_1212 = arith.cmpi sge, %get3A_1208, %ge3A_1211 : vector<16xi32>
      %jit3A_1213 = arith.constant 999423 : i32
      %jit3A_1214 = arith.constant 0 : i32
      %broadcast_in_dim3A_1215 = vector.broadcast %jit3A_1213 : i32 to vector<16xi32>
      %broadcast_in_dim3A_1216 = vector.broadcast %jit3A_1214 : i32 to vector<16xi32>
      %select_n3A_1217 = arith.select %ge3A_1212, %broadcast_in_dim3A_1215, %broadcast_in_dim3A_1216 : vector<16xi1>, vector<16xi32>
      %sub3A_1218 = arith.subi %add3A_1209, %select_n3A_1217 : vector<16xi32>
      %add3A_1219 = arith.constant 48 : i32
      %add3A_1220 = vector.broadcast %add3A_1219 : i32 to vector<16xi32>
      %add3A_1221 = arith.addi %add3A_1220, %iota3A : vector<16xi32>
      %mul3A_1222 = arith.constant 2 : i32
      %mul3A_1223 = vector.broadcast %mul3A_1222 : i32 to vector<16xi32>
      %mul3A_1224 = arith.muli %mul3A_1223, %add3A_1221 : vector<16xi32>
      %add3A_1225 = arith.constant 0 : i32
      %add3A_1226 = vector.broadcast %add3A_1225 : i32 to vector<16xi32>
      %add3A_1227 = arith.addi %mul3A_1224, %add3A_1226 : vector<16xi32>
      %scatter3A_1228 = arith.constant 5 : i32
      %scatter3A_1229 = arith.constant 0 : i32
      %scatter3A_1230 = tpu.memref_slice %arg5[%scatter3A_1228, %scatter3A_1229] : memref<8x128xi32, #tpu.memory_space<vmem>> -> memref<1x128xi32, #tpu.memory_space<vmem>>
      %scatter3A_1231 = tpu.memref_squeeze %scatter3A_1230 : memref<1x128xi32, #tpu.memory_space<vmem>> -> memref<128xi32, #tpu.memory_space<vmem>>
      tpu.vector_store_idx %scatter3A_1231[%add3A_1227], %sub3A_1218 : memref<128xi32, #tpu.memory_space<vmem>>[vector<16xi32>], vector<16xi32>,
      %get3A_1232 = arith.constant 368 : index
      %get3A_1233 = tpu.vector_load %arg7[%get3A_1232] {strides = array<i32>} : memref<512xi32, #tpu.memory_space<vmem>>, vector<16xi32>,
      %add3A_1234 = arith.addi %get3A_1233, %get3A_1233 : vector<16xi32>
      %ge3A_1235 = arith.constant 507904 : i32
      %ge3A_1236 = vector.broadcast %ge3A_1235 : i32 to vector<16xi32>
      %ge3A_1237 = arith.cmpi sge, %get3A_1233, %ge3A_1236 : vector<16xi32>
      %jit3A_1238 = arith.constant 999423 : i32
      %jit3A_1239 = arith.constant 0 : i32
      %broadcast_in_dim3A_1240 = vector.broadcast %jit3A_1238 : i32 to vector<16xi32>
      %broadcast_in_dim3A_1241 = vector.broadcast %jit3A_1239 : i32 to vector<16xi32>
      %select_n3A_1242 = arith.select %ge3A_1237, %broadcast_in_dim3A_1240, %broadcast_in_dim3A_1241 : vector<16xi1>, vector<16xi32>
      %sub3A_1243 = arith.subi %add3A_1234, %select_n3A_1242 : vector<16xi32>
      %add3A_1244 = arith.constant 48 : i32
      %add3A_1245 = vector.broadcast %add3A_1244 : i32 to vector<16xi32>
      %add3A_1246 = arith.addi %add3A_1245, %iota3A : vector<16xi32>
      %mul3A_1247 = arith.constant 2 : i32
      %mul3A_1248 = vector.broadcast %mul3A_1247 : i32 to vector<16xi32>
      %mul3A_1249 = arith.muli %mul3A_1248, %add3A_1246 : vector<16xi32>
      %add3A_1250 = arith.constant 1 : i32
      %add3A_1251 = vector.broadcast %add3A_1250 : i32 to vector<16xi32>
      %add3A_1252 = arith.addi %mul3A_1249, %add3A_1251 : vector<16xi32>
      %scatter3A_1253 = arith.constant 5 : i32
      %scatter3A_1254 = arith.constant 0 : i32
      %scatter3A_1255 = tpu.memref_slice %arg5[%scatter3A_1253, %scatter3A_1254] : memref<8x128xi32, #tpu.memory_space<vmem>> -> memref<1x128xi32, #tpu.memory_space<vmem>>
      %scatter3A_1256 = tpu.memref_squeeze %scatter3A_1255 : memref<1x128xi32, #tpu.memory_space<vmem>> -> memref<128xi32, #tpu.memory_space<vmem>>
      tpu.vector_store_idx %scatter3A_1256[%add3A_1252], %sub3A_1243 : memref<128xi32, #tpu.memory_space<vmem>>[vector<16xi32>], vector<16xi32>,
      %get3A_1257 = arith.constant 384 : index
      %get3A_1258 = tpu.vector_load %arg6[%get3A_1257] {strides = array<i32>} : memref<512xi32, #tpu.memory_space<vmem>>, vector<16xi32>,
      %add3A_1259 = arith.addi %get3A_1258, %get3A_1258 : vector<16xi32>
      %ge3A_1260 = arith.constant 507904 : i32
      %ge3A_1261 = vector.broadcast %ge3A_1260 : i32 to vector<16xi32>
      %ge3A_1262 = arith.cmpi sge, %get3A_1258, %ge3A_1261 : vector<16xi32>
      %jit3A_1263 = arith.constant 999423 : i32
      %jit3A_1264 = arith.constant 0 : i32
      %broadcast_in_dim3A_1265 = vector.broadcast %jit3A_1263 : i32 to vector<16xi32>
      %broadcast_in_dim3A_1266 = vector.broadcast %jit3A_1264 : i32 to vector<16xi32>
      %select_n3A_1267 = arith.select %ge3A_1262, %broadcast_in_dim3A_1265, %broadcast_in_dim3A_1266 : vector<16xi1>, vector<16xi32>
      %sub3A_1268 = arith.subi %add3A_1259, %select_n3A_1267 : vector<16xi32>
      %add3A_1269 = arith.constant 0 : i32
      %add3A_1270 = vector.broadcast %add3A_1269 : i32 to vector<16xi32>
      %add3A_1271 = arith.addi %add3A_1270, %iota3A : vector<16xi32>
      %mul3A_1272 = arith.constant 2 : i32
      %mul3A_1273 = vector.broadcast %mul3A_1272 : i32 to vector<16xi32>
      %mul3A_1274 = arith.muli %mul3A_1273, %add3A_1271 : vector<16xi32>
      %add3A_1275 = arith.constant 0 : i32
      %add3A_1276 = vector.broadcast %add3A_1275 : i32 to vector<16xi32>
      %add3A_1277 = arith.addi %mul3A_1274, %add3A_1276 : vector<16xi32>
      %scatter3A_1278 = arith.constant 6 : i32
      %scatter3A_1279 = arith.constant 0 : i32
      %scatter3A_1280 = tpu.memref_slice %arg5[%scatter3A_1278, %scatter3A_1279] : memref<8x128xi32, #tpu.memory_space<vmem>> -> memref<1x128xi32, #tpu.memory_space<vmem>>
      %scatter3A_1281 = tpu.memref_squeeze %scatter3A_1280 : memref<1x128xi32, #tpu.memory_space<vmem>> -> memref<128xi32, #tpu.memory_space<vmem>>
      tpu.vector_store_idx %scatter3A_1281[%add3A_1277], %sub3A_1268 : memref<128xi32, #tpu.memory_space<vmem>>[vector<16xi32>], vector<16xi32>,
      %get3A_1282 = arith.constant 384 : index
      %get3A_1283 = tpu.vector_load %arg7[%get3A_1282] {strides = array<i32>} : memref<512xi32, #tpu.memory_space<vmem>>, vector<16xi32>,
      %add3A_1284 = arith.addi %get3A_1283, %get3A_1283 : vector<16xi32>
      %ge3A_1285 = arith.constant 507904 : i32
      %ge3A_1286 = vector.broadcast %ge3A_1285 : i32 to vector<16xi32>
      %ge3A_1287 = arith.cmpi sge, %get3A_1283, %ge3A_1286 : vector<16xi32>
      %jit3A_1288 = arith.constant 999423 : i32
      %jit3A_1289 = arith.constant 0 : i32
      %broadcast_in_dim3A_1290 = vector.broadcast %jit3A_1288 : i32 to vector<16xi32>
      %broadcast_in_dim3A_1291 = vector.broadcast %jit3A_1289 : i32 to vector<16xi32>
      %select_n3A_1292 = arith.select %ge3A_1287, %broadcast_in_dim3A_1290, %broadcast_in_dim3A_1291 : vector<16xi1>, vector<16xi32>
      %sub3A_1293 = arith.subi %add3A_1284, %select_n3A_1292 : vector<16xi32>
      %add3A_1294 = arith.constant 0 : i32
      %add3A_1295 = vector.broadcast %add3A_1294 : i32 to vector<16xi32>
      %add3A_1296 = arith.addi %add3A_1295, %iota3A : vector<16xi32>
      %mul3A_1297 = arith.constant 2 : i32
      %mul3A_1298 = vector.broadcast %mul3A_1297 : i32 to vector<16xi32>
      %mul3A_1299 = arith.muli %mul3A_1298, %add3A_1296 : vector<16xi32>
      %add3A_1300 = arith.constant 1 : i32
      %add3A_1301 = vector.broadcast %add3A_1300 : i32 to vector<16xi32>
      %add3A_1302 = arith.addi %mul3A_1299, %add3A_1301 : vector<16xi32>
      %scatter3A_1303 = arith.constant 6 : i32
      %scatter3A_1304 = arith.constant 0 : i32
      %scatter3A_1305 = tpu.memref_slice %arg5[%scatter3A_1303, %scatter3A_1304] : memref<8x128xi32, #tpu.memory_space<vmem>> -> memref<1x128xi32, #tpu.memory_space<vmem>>
      %scatter3A_1306 = tpu.memref_squeeze %scatter3A_1305 : memref<1x128xi32, #tpu.memory_space<vmem>> -> memref<128xi32, #tpu.memory_space<vmem>>
      tpu.vector_store_idx %scatter3A_1306[%add3A_1302], %sub3A_1293 : memref<128xi32, #tpu.memory_space<vmem>>[vector<16xi32>], vector<16xi32>,
      %get3A_1307 = arith.constant 400 : index
      %get3A_1308 = tpu.vector_load %arg6[%get3A_1307] {strides = array<i32>} : memref<512xi32, #tpu.memory_space<vmem>>, vector<16xi32>,
      %add3A_1309 = arith.addi %get3A_1308, %get3A_1308 : vector<16xi32>
      %ge3A_1310 = arith.constant 507904 : i32
      %ge3A_1311 = vector.broadcast %ge3A_1310 : i32 to vector<16xi32>
      %ge3A_1312 = arith.cmpi sge, %get3A_1308, %ge3A_1311 : vector<16xi32>
      %jit3A_1313 = arith.constant 999423 : i32
      %jit3A_1314 = arith.constant 0 : i32
      %broadcast_in_dim3A_1315 = vector.broadcast %jit3A_1313 : i32 to vector<16xi32>
      %broadcast_in_dim3A_1316 = vector.broadcast %jit3A_1314 : i32 to vector<16xi32>
      %select_n3A_1317 = arith.select %ge3A_1312, %broadcast_in_dim3A_1315, %broadcast_in_dim3A_1316 : vector<16xi1>, vector<16xi32>
      %sub3A_1318 = arith.subi %add3A_1309, %select_n3A_1317 : vector<16xi32>
      %add3A_1319 = arith.constant 16 : i32
      %add3A_1320 = vector.broadcast %add3A_1319 : i32 to vector<16xi32>
      %add3A_1321 = arith.addi %add3A_1320, %iota3A : vector<16xi32>
      %mul3A_1322 = arith.constant 2 : i32
      %mul3A_1323 = vector.broadcast %mul3A_1322 : i32 to vector<16xi32>
      %mul3A_1324 = arith.muli %mul3A_1323, %add3A_1321 : vector<16xi32>
      %add3A_1325 = arith.constant 0 : i32
      %add3A_1326 = vector.broadcast %add3A_1325 : i32 to vector<16xi32>
      %add3A_1327 = arith.addi %mul3A_1324, %add3A_1326 : vector<16xi32>
      %scatter3A_1328 = arith.constant 6 : i32
      %scatter3A_1329 = arith.constant 0 : i32
      %scatter3A_1330 = tpu.memref_slice %arg5[%scatter3A_1328, %scatter3A_1329] : memref<8x128xi32, #tpu.memory_space<vmem>> -> memref<1x128xi32, #tpu.memory_space<vmem>>
      %scatter3A_1331 = tpu.memref_squeeze %scatter3A_1330 : memref<1x128xi32, #tpu.memory_space<vmem>> -> memref<128xi32, #tpu.memory_space<vmem>>
      tpu.vector_store_idx %scatter3A_1331[%add3A_1327], %sub3A_1318 : memref<128xi32, #tpu.memory_space<vmem>>[vector<16xi32>], vector<16xi32>,
      %get3A_1332 = arith.constant 400 : index
      %get3A_1333 = tpu.vector_load %arg7[%get3A_1332] {strides = array<i32>} : memref<512xi32, #tpu.memory_space<vmem>>, vector<16xi32>,
      %add3A_1334 = arith.addi %get3A_1333, %get3A_1333 : vector<16xi32>
      %ge3A_1335 = arith.constant 507904 : i32
      %ge3A_1336 = vector.broadcast %ge3A_1335 : i32 to vector<16xi32>
      %ge3A_1337 = arith.cmpi sge, %get3A_1333, %ge3A_1336 : vector<16xi32>
      %jit3A_1338 = arith.constant 999423 : i32
      %jit3A_1339 = arith.constant 0 : i32
      %broadcast_in_dim3A_1340 = vector.broadcast %jit3A_1338 : i32 to vector<16xi32>
      %broadcast_in_dim3A_1341 = vector.broadcast %jit3A_1339 : i32 to vector<16xi32>
      %select_n3A_1342 = arith.select %ge3A_1337, %broadcast_in_dim3A_1340, %broadcast_in_dim3A_1341 : vector<16xi1>, vector<16xi32>
      %sub3A_1343 = arith.subi %add3A_1334, %select_n3A_1342 : vector<16xi32>
      %add3A_1344 = arith.constant 16 : i32
      %add3A_1345 = vector.broadcast %add3A_1344 : i32 to vector<16xi32>
      %add3A_1346 = arith.addi %add3A_1345, %iota3A : vector<16xi32>
      %mul3A_1347 = arith.constant 2 : i32
      %mul3A_1348 = vector.broadcast %mul3A_1347 : i32 to vector<16xi32>
      %mul3A_1349 = arith.muli %mul3A_1348, %add3A_1346 : vector<16xi32>
      %add3A_1350 = arith.constant 1 : i32
      %add3A_1351 = vector.broadcast %add3A_1350 : i32 to vector<16xi32>
      %add3A_1352 = arith.addi %mul3A_1349, %add3A_1351 : vector<16xi32>
      %scatter3A_1353 = arith.constant 6 : i32
      %scatter3A_1354 = arith.constant 0 : i32
      %scatter3A_1355 = tpu.memref_slice %arg5[%scatter3A_1353, %scatter3A_1354] : memref<8x128xi32, #tpu.memory_space<vmem>> -> memref<1x128xi32, #tpu.memory_space<vmem>>
      %scatter3A_1356 = tpu.memref_squeeze %scatter3A_1355 : memref<1x128xi32, #tpu.memory_space<vmem>> -> memref<128xi32, #tpu.memory_space<vmem>>
      tpu.vector_store_idx %scatter3A_1356[%add3A_1352], %sub3A_1343 : memref<128xi32, #tpu.memory_space<vmem>>[vector<16xi32>], vector<16xi32>,
      %get3A_1357 = arith.constant 416 : index
      %get3A_1358 = tpu.vector_load %arg6[%get3A_1357] {strides = array<i32>} : memref<512xi32, #tpu.memory_space<vmem>>, vector<16xi32>,
      %add3A_1359 = arith.addi %get3A_1358, %get3A_1358 : vector<16xi32>
      %ge3A_1360 = arith.constant 507904 : i32
      %ge3A_1361 = vector.broadcast %ge3A_1360 : i32 to vector<16xi32>
      %ge3A_1362 = arith.cmpi sge, %get3A_1358, %ge3A_1361 : vector<16xi32>
      %jit3A_1363 = arith.constant 999423 : i32
      %jit3A_1364 = arith.constant 0 : i32
      %broadcast_in_dim3A_1365 = vector.broadcast %jit3A_1363 : i32 to vector<16xi32>
      %broadcast_in_dim3A_1366 = vector.broadcast %jit3A_1364 : i32 to vector<16xi32>
      %select_n3A_1367 = arith.select %ge3A_1362, %broadcast_in_dim3A_1365, %broadcast_in_dim3A_1366 : vector<16xi1>, vector<16xi32>
      %sub3A_1368 = arith.subi %add3A_1359, %select_n3A_1367 : vector<16xi32>
      %add3A_1369 = arith.constant 32 : i32
      %add3A_1370 = vector.broadcast %add3A_1369 : i32 to vector<16xi32>
      %add3A_1371 = arith.addi %add3A_1370, %iota3A : vector<16xi32>
      %mul3A_1372 = arith.constant 2 : i32
      %mul3A_1373 = vector.broadcast %mul3A_1372 : i32 to vector<16xi32>
      %mul3A_1374 = arith.muli %mul3A_1373, %add3A_1371 : vector<16xi32>
      %add3A_1375 = arith.constant 0 : i32
      %add3A_1376 = vector.broadcast %add3A_1375 : i32 to vector<16xi32>
      %add3A_1377 = arith.addi %mul3A_1374, %add3A_1376 : vector<16xi32>
      %scatter3A_1378 = arith.constant 6 : i32
      %scatter3A_1379 = arith.constant 0 : i32
      %scatter3A_1380 = tpu.memref_slice %arg5[%scatter3A_1378, %scatter3A_1379] : memref<8x128xi32, #tpu.memory_space<vmem>> -> memref<1x128xi32, #tpu.memory_space<vmem>>
      %scatter3A_1381 = tpu.memref_squeeze %scatter3A_1380 : memref<1x128xi32, #tpu.memory_space<vmem>> -> memref<128xi32, #tpu.memory_space<vmem>>
      tpu.vector_store_idx %scatter3A_1381[%add3A_1377], %sub3A_1368 : memref<128xi32, #tpu.memory_space<vmem>>[vector<16xi32>], vector<16xi32>,
      %get3A_1382 = arith.constant 416 : index
      %get3A_1383 = tpu.vector_load %arg7[%get3A_1382] {strides = array<i32>} : memref<512xi32, #tpu.memory_space<vmem>>, vector<16xi32>,
      %add3A_1384 = arith.addi %get3A_1383, %get3A_1383 : vector<16xi32>
      %ge3A_1385 = arith.constant 507904 : i32
      %ge3A_1386 = vector.broadcast %ge3A_1385 : i32 to vector<16xi32>
      %ge3A_1387 = arith.cmpi sge, %get3A_1383, %ge3A_1386 : vector<16xi32>
      %jit3A_1388 = arith.constant 999423 : i32
      %jit3A_1389 = arith.constant 0 : i32
      %broadcast_in_dim3A_1390 = vector.broadcast %jit3A_1388 : i32 to vector<16xi32>
      %broadcast_in_dim3A_1391 = vector.broadcast %jit3A_1389 : i32 to vector<16xi32>
      %select_n3A_1392 = arith.select %ge3A_1387, %broadcast_in_dim3A_1390, %broadcast_in_dim3A_1391 : vector<16xi1>, vector<16xi32>
      %sub3A_1393 = arith.subi %add3A_1384, %select_n3A_1392 : vector<16xi32>
      %add3A_1394 = arith.constant 32 : i32
      %add3A_1395 = vector.broadcast %add3A_1394 : i32 to vector<16xi32>
      %add3A_1396 = arith.addi %add3A_1395, %iota3A : vector<16xi32>
      %mul3A_1397 = arith.constant 2 : i32
      %mul3A_1398 = vector.broadcast %mul3A_1397 : i32 to vector<16xi32>
      %mul3A_1399 = arith.muli %mul3A_1398, %add3A_1396 : vector<16xi32>
      %add3A_1400 = arith.constant 1 : i32
      %add3A_1401 = vector.broadcast %add3A_1400 : i32 to vector<16xi32>
      %add3A_1402 = arith.addi %mul3A_1399, %add3A_1401 : vector<16xi32>
      %scatter3A_1403 = arith.constant 6 : i32
      %scatter3A_1404 = arith.constant 0 : i32
      %scatter3A_1405 = tpu.memref_slice %arg5[%scatter3A_1403, %scatter3A_1404] : memref<8x128xi32, #tpu.memory_space<vmem>> -> memref<1x128xi32, #tpu.memory_space<vmem>>
      %scatter3A_1406 = tpu.memref_squeeze %scatter3A_1405 : memref<1x128xi32, #tpu.memory_space<vmem>> -> memref<128xi32, #tpu.memory_space<vmem>>
      tpu.vector_store_idx %scatter3A_1406[%add3A_1402], %sub3A_1393 : memref<128xi32, #tpu.memory_space<vmem>>[vector<16xi32>], vector<16xi32>,
      %get3A_1407 = arith.constant 432 : index
      %get3A_1408 = tpu.vector_load %arg6[%get3A_1407] {strides = array<i32>} : memref<512xi32, #tpu.memory_space<vmem>>, vector<16xi32>,
      %add3A_1409 = arith.addi %get3A_1408, %get3A_1408 : vector<16xi32>
      %ge3A_1410 = arith.constant 507904 : i32
      %ge3A_1411 = vector.broadcast %ge3A_1410 : i32 to vector<16xi32>
      %ge3A_1412 = arith.cmpi sge, %get3A_1408, %ge3A_1411 : vector<16xi32>
      %jit3A_1413 = arith.constant 999423 : i32
      %jit3A_1414 = arith.constant 0 : i32
      %broadcast_in_dim3A_1415 = vector.broadcast %jit3A_1413 : i32 to vector<16xi32>
      %broadcast_in_dim3A_1416 = vector.broadcast %jit3A_1414 : i32 to vector<16xi32>
      %select_n3A_1417 = arith.select %ge3A_1412, %broadcast_in_dim3A_1415, %broadcast_in_dim3A_1416 : vector<16xi1>, vector<16xi32>
      %sub3A_1418 = arith.subi %add3A_1409, %select_n3A_1417 : vector<16xi32>
      %add3A_1419 = arith.constant 48 : i32
      %add3A_1420 = vector.broadcast %add3A_1419 : i32 to vector<16xi32>
      %add3A_1421 = arith.addi %add3A_1420, %iota3A : vector<16xi32>
      %mul3A_1422 = arith.constant 2 : i32
      %mul3A_1423 = vector.broadcast %mul3A_1422 : i32 to vector<16xi32>
      %mul3A_1424 = arith.muli %mul3A_1423, %add3A_1421 : vector<16xi32>
      %add3A_1425 = arith.constant 0 : i32
      %add3A_1426 = vector.broadcast %add3A_1425 : i32 to vector<16xi32>
      %add3A_1427 = arith.addi %mul3A_1424, %add3A_1426 : vector<16xi32>
      %scatter3A_1428 = arith.constant 6 : i32
      %scatter3A_1429 = arith.constant 0 : i32
      %scatter3A_1430 = tpu.memref_slice %arg5[%scatter3A_1428, %scatter3A_1429] : memref<8x128xi32, #tpu.memory_space<vmem>> -> memref<1x128xi32, #tpu.memory_space<vmem>>
      %scatter3A_1431 = tpu.memref_squeeze %scatter3A_1430 : memref<1x128xi32, #tpu.memory_space<vmem>> -> memref<128xi32, #tpu.memory_space<vmem>>
      tpu.vector_store_idx %scatter3A_1431[%add3A_1427], %sub3A_1418 : memref<128xi32, #tpu.memory_space<vmem>>[vector<16xi32>], vector<16xi32>,
      %get3A_1432 = arith.constant 432 : index
      %get3A_1433 = tpu.vector_load %arg7[%get3A_1432] {strides = array<i32>} : memref<512xi32, #tpu.memory_space<vmem>>, vector<16xi32>,
      %add3A_1434 = arith.addi %get3A_1433, %get3A_1433 : vector<16xi32>
      %ge3A_1435 = arith.constant 507904 : i32
      %ge3A_1436 = vector.broadcast %ge3A_1435 : i32 to vector<16xi32>
      %ge3A_1437 = arith.cmpi sge, %get3A_1433, %ge3A_1436 : vector<16xi32>
      %jit3A_1438 = arith.constant 999423 : i32
      %jit3A_1439 = arith.constant 0 : i32
      %broadcast_in_dim3A_1440 = vector.broadcast %jit3A_1438 : i32 to vector<16xi32>
      %broadcast_in_dim3A_1441 = vector.broadcast %jit3A_1439 : i32 to vector<16xi32>
      %select_n3A_1442 = arith.select %ge3A_1437, %broadcast_in_dim3A_1440, %broadcast_in_dim3A_1441 : vector<16xi1>, vector<16xi32>
      %sub3A_1443 = arith.subi %add3A_1434, %select_n3A_1442 : vector<16xi32>
      %add3A_1444 = arith.constant 48 : i32
      %add3A_1445 = vector.broadcast %add3A_1444 : i32 to vector<16xi32>
      %add3A_1446 = arith.addi %add3A_1445, %iota3A : vector<16xi32>
      %mul3A_1447 = arith.constant 2 : i32
      %mul3A_1448 = vector.broadcast %mul3A_1447 : i32 to vector<16xi32>
      %mul3A_1449 = arith.muli %mul3A_1448, %add3A_1446 : vector<16xi32>
      %add3A_1450 = arith.constant 1 : i32
      %add3A_1451 = vector.broadcast %add3A_1450 : i32 to vector<16xi32>
      %add3A_1452 = arith.addi %mul3A_1449, %add3A_1451 : vector<16xi32>
      %scatter3A_1453 = arith.constant 6 : i32
      %scatter3A_1454 = arith.constant 0 : i32
      %scatter3A_1455 = tpu.memref_slice %arg5[%scatter3A_1453, %scatter3A_1454] : memref<8x128xi32, #tpu.memory_space<vmem>> -> memref<1x128xi32, #tpu.memory_space<vmem>>
      %scatter3A_1456 = tpu.memref_squeeze %scatter3A_1455 : memref<1x128xi32, #tpu.memory_space<vmem>> -> memref<128xi32, #tpu.memory_space<vmem>>
      tpu.vector_store_idx %scatter3A_1456[%add3A_1452], %sub3A_1443 : memref<128xi32, #tpu.memory_space<vmem>>[vector<16xi32>], vector<16xi32>,
      %get3A_1457 = arith.constant 448 : index
      %get3A_1458 = tpu.vector_load %arg6[%get3A_1457] {strides = array<i32>} : memref<512xi32, #tpu.memory_space<vmem>>, vector<16xi32>,
      %add3A_1459 = arith.addi %get3A_1458, %get3A_1458 : vector<16xi32>
      %ge3A_1460 = arith.constant 507904 : i32
      %ge3A_1461 = vector.broadcast %ge3A_1460 : i32 to vector<16xi32>
      %ge3A_1462 = arith.cmpi sge, %get3A_1458, %ge3A_1461 : vector<16xi32>
      %jit3A_1463 = arith.constant 999423 : i32
      %jit3A_1464 = arith.constant 0 : i32
      %broadcast_in_dim3A_1465 = vector.broadcast %jit3A_1463 : i32 to vector<16xi32>
      %broadcast_in_dim3A_1466 = vector.broadcast %jit3A_1464 : i32 to vector<16xi32>
      %select_n3A_1467 = arith.select %ge3A_1462, %broadcast_in_dim3A_1465, %broadcast_in_dim3A_1466 : vector<16xi1>, vector<16xi32>
      %sub3A_1468 = arith.subi %add3A_1459, %select_n3A_1467 : vector<16xi32>
      %add3A_1469 = arith.constant 0 : i32
      %add3A_1470 = vector.broadcast %add3A_1469 : i32 to vector<16xi32>
      %add3A_1471 = arith.addi %add3A_1470, %iota3A : vector<16xi32>
      %mul3A_1472 = arith.constant 2 : i32
      %mul3A_1473 = vector.broadcast %mul3A_1472 : i32 to vector<16xi32>
      %mul3A_1474 = arith.muli %mul3A_1473, %add3A_1471 : vector<16xi32>
      %add3A_1475 = arith.constant 0 : i32
      %add3A_1476 = vector.broadcast %add3A_1475 : i32 to vector<16xi32>
      %add3A_1477 = arith.addi %mul3A_1474, %add3A_1476 : vector<16xi32>
      %scatter3A_1478 = arith.constant 7 : i32
      %scatter3A_1479 = arith.constant 0 : i32
      %scatter3A_1480 = tpu.memref_slice %arg5[%scatter3A_1478, %scatter3A_1479] : memref<8x128xi32, #tpu.memory_space<vmem>> -> memref<1x128xi32, #tpu.memory_space<vmem>>
      %scatter3A_1481 = tpu.memref_squeeze %scatter3A_1480 : memref<1x128xi32, #tpu.memory_space<vmem>> -> memref<128xi32, #tpu.memory_space<vmem>>
      tpu.vector_store_idx %scatter3A_1481[%add3A_1477], %sub3A_1468 : memref<128xi32, #tpu.memory_space<vmem>>[vector<16xi32>], vector<16xi32>,
      %get3A_1482 = arith.constant 448 : index
      %get3A_1483 = tpu.vector_load %arg7[%get3A_1482] {strides = array<i32>} : memref<512xi32, #tpu.memory_space<vmem>>, vector<16xi32>,
      %add3A_1484 = arith.addi %get3A_1483, %get3A_1483 : vector<16xi32>
      %ge3A_1485 = arith.constant 507904 : i32
      %ge3A_1486 = vector.broadcast %ge3A_1485 : i32 to vector<16xi32>
      %ge3A_1487 = arith.cmpi sge, %get3A_1483, %ge3A_1486 : vector<16xi32>
      %jit3A_1488 = arith.constant 999423 : i32
      %jit3A_1489 = arith.constant 0 : i32
      %broadcast_in_dim3A_1490 = vector.broadcast %jit3A_1488 : i32 to vector<16xi32>
      %broadcast_in_dim3A_1491 = vector.broadcast %jit3A_1489 : i32 to vector<16xi32>
      %select_n3A_1492 = arith.select %ge3A_1487, %broadcast_in_dim3A_1490, %broadcast_in_dim3A_1491 : vector<16xi1>, vector<16xi32>
      %sub3A_1493 = arith.subi %add3A_1484, %select_n3A_1492 : vector<16xi32>
      %add3A_1494 = arith.constant 0 : i32
      %add3A_1495 = vector.broadcast %add3A_1494 : i32 to vector<16xi32>
      %add3A_1496 = arith.addi %add3A_1495, %iota3A : vector<16xi32>
      %mul3A_1497 = arith.constant 2 : i32
      %mul3A_1498 = vector.broadcast %mul3A_1497 : i32 to vector<16xi32>
      %mul3A_1499 = arith.muli %mul3A_1498, %add3A_1496 : vector<16xi32>
      %add3A_1500 = arith.constant 1 : i32
      %add3A_1501 = vector.broadcast %add3A_1500 : i32 to vector<16xi32>
      %add3A_1502 = arith.addi %mul3A_1499, %add3A_1501 : vector<16xi32>
      %scatter3A_1503 = arith.constant 7 : i32
      %scatter3A_1504 = arith.constant 0 : i32
      %scatter3A_1505 = tpu.memref_slice %arg5[%scatter3A_1503, %scatter3A_1504] : memref<8x128xi32, #tpu.memory_space<vmem>> -> memref<1x128xi32, #tpu.memory_space<vmem>>
      %scatter3A_1506 = tpu.memref_squeeze %scatter3A_1505 : memref<1x128xi32, #tpu.memory_space<vmem>> -> memref<128xi32, #tpu.memory_space<vmem>>
      tpu.vector_store_idx %scatter3A_1506[%add3A_1502], %sub3A_1493 : memref<128xi32, #tpu.memory_space<vmem>>[vector<16xi32>], vector<16xi32>,
      %get3A_1507 = arith.constant 464 : index
      %get3A_1508 = tpu.vector_load %arg6[%get3A_1507] {strides = array<i32>} : memref<512xi32, #tpu.memory_space<vmem>>, vector<16xi32>,
      %add3A_1509 = arith.addi %get3A_1508, %get3A_1508 : vector<16xi32>
      %ge3A_1510 = arith.constant 507904 : i32
      %ge3A_1511 = vector.broadcast %ge3A_1510 : i32 to vector<16xi32>
      %ge3A_1512 = arith.cmpi sge, %get3A_1508, %ge3A_1511 : vector<16xi32>
      %jit3A_1513 = arith.constant 999423 : i32
      %jit3A_1514 = arith.constant 0 : i32
      %broadcast_in_dim3A_1515 = vector.broadcast %jit3A_1513 : i32 to vector<16xi32>
      %broadcast_in_dim3A_1516 = vector.broadcast %jit3A_1514 : i32 to vector<16xi32>
      %select_n3A_1517 = arith.select %ge3A_1512, %broadcast_in_dim3A_1515, %broadcast_in_dim3A_1516 : vector<16xi1>, vector<16xi32>
      %sub3A_1518 = arith.subi %add3A_1509, %select_n3A_1517 : vector<16xi32>
      %add3A_1519 = arith.constant 16 : i32
      %add3A_1520 = vector.broadcast %add3A_1519 : i32 to vector<16xi32>
      %add3A_1521 = arith.addi %add3A_1520, %iota3A : vector<16xi32>
      %mul3A_1522 = arith.constant 2 : i32
      %mul3A_1523 = vector.broadcast %mul3A_1522 : i32 to vector<16xi32>
      %mul3A_1524 = arith.muli %mul3A_1523, %add3A_1521 : vector<16xi32>
      %add3A_1525 = arith.constant 0 : i32
      %add3A_1526 = vector.broadcast %add3A_1525 : i32 to vector<16xi32>
      %add3A_1527 = arith.addi %mul3A_1524, %add3A_1526 : vector<16xi32>
      %scatter3A_1528 = arith.constant 7 : i32
      %scatter3A_1529 = arith.constant 0 : i32
      %scatter3A_1530 = tpu.memref_slice %arg5[%scatter3A_1528, %scatter3A_1529] : memref<8x128xi32, #tpu.memory_space<vmem>> -> memref<1x128xi32, #tpu.memory_space<vmem>>
      %scatter3A_1531 = tpu.memref_squeeze %scatter3A_1530 : memref<1x128xi32, #tpu.memory_space<vmem>> -> memref<128xi32, #tpu.memory_space<vmem>>
      tpu.vector_store_idx %scatter3A_1531[%add3A_1527], %sub3A_1518 : memref<128xi32, #tpu.memory_space<vmem>>[vector<16xi32>], vector<16xi32>,
      %get3A_1532 = arith.constant 464 : index
      %get3A_1533 = tpu.vector_load %arg7[%get3A_1532] {strides = array<i32>} : memref<512xi32, #tpu.memory_space<vmem>>, vector<16xi32>,
      %add3A_1534 = arith.addi %get3A_1533, %get3A_1533 : vector<16xi32>
      %ge3A_1535 = arith.constant 507904 : i32
      %ge3A_1536 = vector.broadcast %ge3A_1535 : i32 to vector<16xi32>
      %ge3A_1537 = arith.cmpi sge, %get3A_1533, %ge3A_1536 : vector<16xi32>
      %jit3A_1538 = arith.constant 999423 : i32
      %jit3A_1539 = arith.constant 0 : i32
      %broadcast_in_dim3A_1540 = vector.broadcast %jit3A_1538 : i32 to vector<16xi32>
      %broadcast_in_dim3A_1541 = vector.broadcast %jit3A_1539 : i32 to vector<16xi32>
      %select_n3A_1542 = arith.select %ge3A_1537, %broadcast_in_dim3A_1540, %broadcast_in_dim3A_1541 : vector<16xi1>, vector<16xi32>
      %sub3A_1543 = arith.subi %add3A_1534, %select_n3A_1542 : vector<16xi32>
      %add3A_1544 = arith.constant 16 : i32
      %add3A_1545 = vector.broadcast %add3A_1544 : i32 to vector<16xi32>
      %add3A_1546 = arith.addi %add3A_1545, %iota3A : vector<16xi32>
      %mul3A_1547 = arith.constant 2 : i32
      %mul3A_1548 = vector.broadcast %mul3A_1547 : i32 to vector<16xi32>
      %mul3A_1549 = arith.muli %mul3A_1548, %add3A_1546 : vector<16xi32>
      %add3A_1550 = arith.constant 1 : i32
      %add3A_1551 = vector.broadcast %add3A_1550 : i32 to vector<16xi32>
      %add3A_1552 = arith.addi %mul3A_1549, %add3A_1551 : vector<16xi32>
      %scatter3A_1553 = arith.constant 7 : i32
      %scatter3A_1554 = arith.constant 0 : i32
      %scatter3A_1555 = tpu.memref_slice %arg5[%scatter3A_1553, %scatter3A_1554] : memref<8x128xi32, #tpu.memory_space<vmem>> -> memref<1x128xi32, #tpu.memory_space<vmem>>
      %scatter3A_1556 = tpu.memref_squeeze %scatter3A_1555 : memref<1x128xi32, #tpu.memory_space<vmem>> -> memref<128xi32, #tpu.memory_space<vmem>>
      tpu.vector_store_idx %scatter3A_1556[%add3A_1552], %sub3A_1543 : memref<128xi32, #tpu.memory_space<vmem>>[vector<16xi32>], vector<16xi32>,
      %get3A_1557 = arith.constant 480 : index
      %get3A_1558 = tpu.vector_load %arg6[%get3A_1557] {strides = array<i32>} : memref<512xi32, #tpu.memory_space<vmem>>, vector<16xi32>,
      %add3A_1559 = arith.addi %get3A_1558, %get3A_1558 : vector<16xi32>
      %ge3A_1560 = arith.constant 507904 : i32
      %ge3A_1561 = vector.broadcast %ge3A_1560 : i32 to vector<16xi32>
      %ge3A_1562 = arith.cmpi sge, %get3A_1558, %ge3A_1561 : vector<16xi32>
      %jit3A_1563 = arith.constant 999423 : i32
      %jit3A_1564 = arith.constant 0 : i32
      %broadcast_in_dim3A_1565 = vector.broadcast %jit3A_1563 : i32 to vector<16xi32>
      %broadcast_in_dim3A_1566 = vector.broadcast %jit3A_1564 : i32 to vector<16xi32>
      %select_n3A_1567 = arith.select %ge3A_1562, %broadcast_in_dim3A_1565, %broadcast_in_dim3A_1566 : vector<16xi1>, vector<16xi32>
      %sub3A_1568 = arith.subi %add3A_1559, %select_n3A_1567 : vector<16xi32>
      %add3A_1569 = arith.constant 32 : i32
      %add3A_1570 = vector.broadcast %add3A_1569 : i32 to vector<16xi32>
      %add3A_1571 = arith.addi %add3A_1570, %iota3A : vector<16xi32>
      %mul3A_1572 = arith.constant 2 : i32
      %mul3A_1573 = vector.broadcast %mul3A_1572 : i32 to vector<16xi32>
      %mul3A_1574 = arith.muli %mul3A_1573, %add3A_1571 : vector<16xi32>
      %add3A_1575 = arith.constant 0 : i32
      %add3A_1576 = vector.broadcast %add3A_1575 : i32 to vector<16xi32>
      %add3A_1577 = arith.addi %mul3A_1574, %add3A_1576 : vector<16xi32>
      %scatter3A_1578 = arith.constant 7 : i32
      %scatter3A_1579 = arith.constant 0 : i32
      %scatter3A_1580 = tpu.memref_slice %arg5[%scatter3A_1578, %scatter3A_1579] : memref<8x128xi32, #tpu.memory_space<vmem>> -> memref<1x128xi32, #tpu.memory_space<vmem>>
      %scatter3A_1581 = tpu.memref_squeeze %scatter3A_1580 : memref<1x128xi32, #tpu.memory_space<vmem>> -> memref<128xi32, #tpu.memory_space<vmem>>
      tpu.vector_store_idx %scatter3A_1581[%add3A_1577], %sub3A_1568 : memref<128xi32, #tpu.memory_space<vmem>>[vector<16xi32>], vector<16xi32>,
      %get3A_1582 = arith.constant 480 : index
      %get3A_1583 = tpu.vector_load %arg7[%get3A_1582] {strides = array<i32>} : memref<512xi32, #tpu.memory_space<vmem>>, vector<16xi32>,
      %add3A_1584 = arith.addi %get3A_1583, %get3A_1583 : vector<16xi32>
      %ge3A_1585 = arith.constant 507904 : i32
      %ge3A_1586 = vector.broadcast %ge3A_1585 : i32 to vector<16xi32>
      %ge3A_1587 = arith.cmpi sge, %get3A_1583, %ge3A_1586 : vector<16xi32>
      %jit3A_1588 = arith.constant 999423 : i32
      %jit3A_1589 = arith.constant 0 : i32
      %broadcast_in_dim3A_1590 = vector.broadcast %jit3A_1588 : i32 to vector<16xi32>
      %broadcast_in_dim3A_1591 = vector.broadcast %jit3A_1589 : i32 to vector<16xi32>
      %select_n3A_1592 = arith.select %ge3A_1587, %broadcast_in_dim3A_1590, %broadcast_in_dim3A_1591 : vector<16xi1>, vector<16xi32>
      %sub3A_1593 = arith.subi %add3A_1584, %select_n3A_1592 : vector<16xi32>
      %add3A_1594 = arith.constant 32 : i32
      %add3A_1595 = vector.broadcast %add3A_1594 : i32 to vector<16xi32>
      %add3A_1596 = arith.addi %add3A_1595, %iota3A : vector<16xi32>
      %mul3A_1597 = arith.constant 2 : i32
      %mul3A_1598 = vector.broadcast %mul3A_1597 : i32 to vector<16xi32>
      %mul3A_1599 = arith.muli %mul3A_1598, %add3A_1596 : vector<16xi32>
      %add3A_1600 = arith.constant 1 : i32
      %add3A_1601 = vector.broadcast %add3A_1600 : i32 to vector<16xi32>
      %add3A_1602 = arith.addi %mul3A_1599, %add3A_1601 : vector<16xi32>
      %scatter3A_1603 = arith.constant 7 : i32
      %scatter3A_1604 = arith.constant 0 : i32
      %scatter3A_1605 = tpu.memref_slice %arg5[%scatter3A_1603, %scatter3A_1604] : memref<8x128xi32, #tpu.memory_space<vmem>> -> memref<1x128xi32, #tpu.memory_space<vmem>>
      %scatter3A_1606 = tpu.memref_squeeze %scatter3A_1605 : memref<1x128xi32, #tpu.memory_space<vmem>> -> memref<128xi32, #tpu.memory_space<vmem>>
      tpu.vector_store_idx %scatter3A_1606[%add3A_1602], %sub3A_1593 : memref<128xi32, #tpu.memory_space<vmem>>[vector<16xi32>], vector<16xi32>,
      %get3A_1607 = arith.constant 496 : index
      %get3A_1608 = tpu.vector_load %arg6[%get3A_1607] {strides = array<i32>} : memref<512xi32, #tpu.memory_space<vmem>>, vector<16xi32>,
      %add3A_1609 = arith.addi %get3A_1608, %get3A_1608 : vector<16xi32>
      %ge3A_1610 = arith.constant 507904 : i32
      %ge3A_1611 = vector.broadcast %ge3A_1610 : i32 to vector<16xi32>
      %ge3A_1612 = arith.cmpi sge, %get3A_1608, %ge3A_1611 : vector<16xi32>
      %jit3A_1613 = arith.constant 999423 : i32
      %jit3A_1614 = arith.constant 0 : i32
      %broadcast_in_dim3A_1615 = vector.broadcast %jit3A_1613 : i32 to vector<16xi32>
      %broadcast_in_dim3A_1616 = vector.broadcast %jit3A_1614 : i32 to vector<16xi32>
      %select_n3A_1617 = arith.select %ge3A_1612, %broadcast_in_dim3A_1615, %broadcast_in_dim3A_1616 : vector<16xi1>, vector<16xi32>
      %sub3A_1618 = arith.subi %add3A_1609, %select_n3A_1617 : vector<16xi32>
      %add3A_1619 = arith.constant 48 : i32
      %add3A_1620 = vector.broadcast %add3A_1619 : i32 to vector<16xi32>
      %add3A_1621 = arith.addi %add3A_1620, %iota3A : vector<16xi32>
      %mul3A_1622 = arith.constant 2 : i32
      %mul3A_1623 = vector.broadcast %mul3A_1622 : i32 to vector<16xi32>
      %mul3A_1624 = arith.muli %mul3A_1623, %add3A_1621 : vector<16xi32>
      %add3A_1625 = arith.constant 0 : i32
      %add3A_1626 = vector.broadcast %add3A_1625 : i32 to vector<16xi32>
      %add3A_1627 = arith.addi %mul3A_1624, %add3A_1626 : vector<16xi32>
      %scatter3A_1628 = arith.constant 7 : i32
      %scatter3A_1629 = arith.constant 0 : i32
      %scatter3A_1630 = tpu.memref_slice %arg5[%scatter3A_1628, %scatter3A_1629] : memref<8x128xi32, #tpu.memory_space<vmem>> -> memref<1x128xi32, #tpu.memory_space<vmem>>
      %scatter3A_1631 = tpu.memref_squeeze %scatter3A_1630 : memref<1x128xi32, #tpu.memory_space<vmem>> -> memref<128xi32, #tpu.memory_space<vmem>>
      tpu.vector_store_idx %scatter3A_1631[%add3A_1627], %sub3A_1618 : memref<128xi32, #tpu.memory_space<vmem>>[vector<16xi32>], vector<16xi32>,
      %get3A_1632 = arith.constant 496 : index
      %get3A_1633 = tpu.vector_load %arg7[%get3A_1632] {strides = array<i32>} : memref<512xi32, #tpu.memory_space<vmem>>, vector<16xi32>,
      %add3A_1634 = arith.addi %get3A_1633, %get3A_1633 : vector<16xi32>
      %ge3A_1635 = arith.constant 507904 : i32
      %ge3A_1636 = vector.broadcast %ge3A_1635 : i32 to vector<16xi32>
      %ge3A_1637 = arith.cmpi sge, %get3A_1633, %ge3A_1636 : vector<16xi32>
      %jit3A_1638 = arith.constant 999423 : i32
      %jit3A_1639 = arith.constant 0 : i32
      %broadcast_in_dim3A_1640 = vector.broadcast %jit3A_1638 : i32 to vector<16xi32>
      %broadcast_in_dim3A_1641 = vector.broadcast %jit3A_1639 : i32 to vector<16xi32>
      %select_n3A_1642 = arith.select %ge3A_1637, %broadcast_in_dim3A_1640, %broadcast_in_dim3A_1641 : vector<16xi1>, vector<16xi32>
      %sub3A_1643 = arith.subi %add3A_1634, %select_n3A_1642 : vector<16xi32>
      %add3A_1644 = arith.constant 48 : i32
      %add3A_1645 = vector.broadcast %add3A_1644 : i32 to vector<16xi32>
      %add3A_1646 = arith.addi %add3A_1645, %iota3A : vector<16xi32>
      %mul3A_1647 = arith.constant 2 : i32
      %mul3A_1648 = vector.broadcast %mul3A_1647 : i32 to vector<16xi32>
      %mul3A_1649 = arith.muli %mul3A_1648, %add3A_1646 : vector<16xi32>
      %add3A_1650 = arith.constant 1 : i32
      %add3A_1651 = vector.broadcast %add3A_1650 : i32 to vector<16xi32>
      %add3A_1652 = arith.addi %mul3A_1649, %add3A_1651 : vector<16xi32>
      %scatter3A_1653 = arith.constant 7 : i32
      %scatter3A_1654 = arith.constant 0 : i32
      %scatter3A_1655 = tpu.memref_slice %arg5[%scatter3A_1653, %scatter3A_1654] : memref<8x128xi32, #tpu.memory_space<vmem>> -> memref<1x128xi32, #tpu.memory_space<vmem>>
      %scatter3A_1656 = tpu.memref_squeeze %scatter3A_1655 : memref<1x128xi32, #tpu.memory_space<vmem>> -> memref<128xi32, #tpu.memory_space<vmem>>
      tpu.vector_store_idx %scatter3A_1656[%add3A_1652], %sub3A_1643 : memref<128xi32, #tpu.memory_space<vmem>>[vector<16xi32>], vector<16xi32>,
      %gt3A = arith.constant 0 : i32
      %gt3A_1657 = arith.cmpi sgt, %scan3A_18, %gt3A : i32
      %convert_element_type3A = arith.extui %gt3A_1657 : i1 to i32
      %cond3A = arith.constant 0 : i32
      %cond3A_1658 = arith.cmpi ne, %convert_element_type3A, %cond3A : i32
      scf.if %cond3A_1658 {
        %sub3A_1858 = arith.constant 1 : i32
        %sub3A_1859 = arith.subi %add3A_21, %sub3A_1858 : i32
        %mul3A_1860 = arith.constant 8 : i32
        %mul3A_1861 = arith.muli %sub3A_1859, %mul3A_1860 : i32
        %dma_wait3A_1862 = arith.constant 0 : i32
        %dma_wait3A_1863 = arith.constant 0 : i32
        %dma_wait3A_1864 = tpu.memref_slice %arg4[%mul3A_1861, %dma_wait3A_1862, %dma_wait3A_1863] : memref<6400x128x64xf32, #tpu.memory_space<hbm>> -> memref<8x128x64xf32, #tpu.memory_space<hbm>>
        %dma_wait3A_1865 = arith.constant 0 : i32
        %dma_wait3A_1866 = arith.constant 0 : i32
        %dma_wait3A_1867 = tpu.memref_slice %arg4[%mul3A_1861, %dma_wait3A_1865, %dma_wait3A_1866] : memref<6400x128x64xf32, #tpu.memory_space<hbm>> -> memref<8x128x64xf32, #tpu.memory_space<hbm>>
        tpu.wait_dma2 semaphore(%arg10 : memref<!tpu.dma_semaphore, #tpu.memory_space<semaphore_mem>>) src(%arg8 : memref<8x128x64xf32, #tpu.memory_space<vmem>>) dst(%dma_wait3A_1867 : memref<8x128x64xf32, #tpu.memory_space<hbm>>)
      } else {
      }
      %dma_start3A = arith.constant 0 : i32
      %dma_start3A_1659 = arith.constant 0 : i32
      %dma_start3A_1660 = arith.constant 0 : i32
      %dma_start3A_1661 = arith.constant 0 : i32
      %dma_start3A_1662 = tpu.memref_slice %arg8[%dma_start3A_1659, %dma_start3A_1660, %dma_start3A_1661] : memref<8x128x64xf32, #tpu.memory_space<vmem>> -> memref<1x128x64xf32, #tpu.memory_space<vmem>>
      %dma_start3A_1663 = tpu.memref_squeeze %dma_start3A_1662 : memref<1x128x64xf32, #tpu.memory_space<vmem>> -> memref<128x64xf32, #tpu.memory_space<vmem>>
      %dma_start3A_1664 = arith.constant 0 : i32
      %dma_start3A_1665 = tpu.memref_slice %arg5[%dma_start3A, %dma_start3A_1664] : memref<8x128xi32, #tpu.memory_space<vmem>> -> memref<1x128xi32, #tpu.memory_space<vmem>>
      %dma_start3A_1666 = tpu.memref_squeeze %dma_start3A_1665 : memref<1x128xi32, #tpu.memory_space<vmem>> -> memref<128xi32, #tpu.memory_space<vmem>>
      %dma_start3A_1667 = arith.constant 0 : i32
      %dma_start3A_1668 = arith.constant 0 : i32
      %dma_start3A_1669 = tpu.memref_slice %arg2[%dma_start3A_1667, %dma_start3A_1668] : memref<1015808x64xf32, #tpu.memory_space<hbm>> -> memref<1015808x64xf32, #tpu.memory_space<hbm>>
      tpu.enqueue_indirect_dma source(%dma_start3A_1669 : memref<1015808x64xf32, #tpu.memory_space<hbm>>) target(%dma_start3A_1663 : memref<128x64xf32, #tpu.memory_space<vmem>>) offsets(%dma_start3A_1666 : memref<128xi32, #tpu.memory_space<vmem>>) semaphore(%arg9 : memref<!tpu.dma_semaphore, #tpu.memory_space<semaphore_mem>>)
      %dma_start3A_1670 = arith.constant 1 : i32
      %dma_start3A_1671 = arith.constant 1 : i32
      %dma_start3A_1672 = arith.constant 0 : i32
      %dma_start3A_1673 = arith.constant 0 : i32
      %dma_start3A_1674 = tpu.memref_slice %arg8[%dma_start3A_1671, %dma_start3A_1672, %dma_start3A_1673] : memref<8x128x64xf32, #tpu.memory_space<vmem>> -> memref<1x128x64xf32, #tpu.memory_space<vmem>>
      %dma_start3A_1675 = tpu.memref_squeeze %dma_start3A_1674 : memref<1x128x64xf32, #tpu.memory_space<vmem>> -> memref<128x64xf32, #tpu.memory_space<vmem>>
      %dma_start3A_1676 = arith.constant 0 : i32
      %dma_start3A_1677 = tpu.memref_slice %arg5[%dma_start3A_1670, %dma_start3A_1676] : memref<8x128xi32, #tpu.memory_space<vmem>> -> memref<1x128xi32, #tpu.memory_space<vmem>>
      %dma_start3A_1678 = tpu.memref_squeeze %dma_start3A_1677 : memref<1x128xi32, #tpu.memory_space<vmem>> -> memref<128xi32, #tpu.memory_space<vmem>>
      %dma_start3A_1679 = arith.constant 0 : i32
      %dma_start3A_1680 = arith.constant 0 : i32
      %dma_start3A_1681 = tpu.memref_slice %arg2[%dma_start3A_1679, %dma_start3A_1680] : memref<1015808x64xf32, #tpu.memory_space<hbm>> -> memref<1015808x64xf32, #tpu.memory_space<hbm>>
      tpu.enqueue_indirect_dma source(%dma_start3A_1681 : memref<1015808x64xf32, #tpu.memory_space<hbm>>) target(%dma_start3A_1675 : memref<128x64xf32, #tpu.memory_space<vmem>>) offsets(%dma_start3A_1678 : memref<128xi32, #tpu.memory_space<vmem>>) semaphore(%arg9 : memref<!tpu.dma_semaphore, #tpu.memory_space<semaphore_mem>>)
      %dma_start3A_1682 = arith.constant 2 : i32
      %dma_start3A_1683 = arith.constant 2 : i32
      %dma_start3A_1684 = arith.constant 0 : i32
      %dma_start3A_1685 = arith.constant 0 : i32
      %dma_start3A_1686 = tpu.memref_slice %arg8[%dma_start3A_1683, %dma_start3A_1684, %dma_start3A_1685] : memref<8x128x64xf32, #tpu.memory_space<vmem>> -> memref<1x128x64xf32, #tpu.memory_space<vmem>>
      %dma_start3A_1687 = tpu.memref_squeeze %dma_start3A_1686 : memref<1x128x64xf32, #tpu.memory_space<vmem>> -> memref<128x64xf32, #tpu.memory_space<vmem>>
      %dma_start3A_1688 = arith.constant 0 : i32
      %dma_start3A_1689 = tpu.memref_slice %arg5[%dma_start3A_1682, %dma_start3A_1688] : memref<8x128xi32, #tpu.memory_space<vmem>> -> memref<1x128xi32, #tpu.memory_space<vmem>>
      %dma_start3A_1690 = tpu.memref_squeeze %dma_start3A_1689 : memref<1x128xi32, #tpu.memory_space<vmem>> -> memref<128xi32, #tpu.memory_space<vmem>>
      %dma_start3A_1691 = arith.constant 0 : i32
      %dma_start3A_1692 = arith.constant 0 : i32
      %dma_start3A_1693 = tpu.memref_slice %arg2[%dma_start3A_1691, %dma_start3A_1692] : memref<1015808x64xf32, #tpu.memory_space<hbm>> -> memref<1015808x64xf32, #tpu.memory_space<hbm>>
      tpu.enqueue_indirect_dma source(%dma_start3A_1693 : memref<1015808x64xf32, #tpu.memory_space<hbm>>) target(%dma_start3A_1687 : memref<128x64xf32, #tpu.memory_space<vmem>>) offsets(%dma_start3A_1690 : memref<128xi32, #tpu.memory_space<vmem>>) semaphore(%arg9 : memref<!tpu.dma_semaphore, #tpu.memory_space<semaphore_mem>>)
      %dma_start3A_1694 = arith.constant 3 : i32
      %dma_start3A_1695 = arith.constant 3 : i32
      %dma_start3A_1696 = arith.constant 0 : i32
      %dma_start3A_1697 = arith.constant 0 : i32
      %dma_start3A_1698 = tpu.memref_slice %arg8[%dma_start3A_1695, %dma_start3A_1696, %dma_start3A_1697] : memref<8x128x64xf32, #tpu.memory_space<vmem>> -> memref<1x128x64xf32, #tpu.memory_space<vmem>>
      %dma_start3A_1699 = tpu.memref_squeeze %dma_start3A_1698 : memref<1x128x64xf32, #tpu.memory_space<vmem>> -> memref<128x64xf32, #tpu.memory_space<vmem>>
      %dma_start3A_1700 = arith.constant 0 : i32
      %dma_start3A_1701 = tpu.memref_slice %arg5[%dma_start3A_1694, %dma_start3A_1700] : memref<8x128xi32, #tpu.memory_space<vmem>> -> memref<1x128xi32, #tpu.memory_space<vmem>>
      %dma_start3A_1702 = tpu.memref_squeeze %dma_start3A_1701 : memref<1x128xi32, #tpu.memory_space<vmem>> -> memref<128xi32, #tpu.memory_space<vmem>>
      %dma_start3A_1703 = arith.constant 0 : i32
      %dma_start3A_1704 = arith.constant 0 : i32
      %dma_start3A_1705 = tpu.memref_slice %arg2[%dma_start3A_1703, %dma_start3A_1704] : memref<1015808x64xf32, #tpu.memory_space<hbm>> -> memref<1015808x64xf32, #tpu.memory_space<hbm>>
      tpu.enqueue_indirect_dma source(%dma_start3A_1705 : memref<1015808x64xf32, #tpu.memory_space<hbm>>) target(%dma_start3A_1699 : memref<128x64xf32, #tpu.memory_space<vmem>>) offsets(%dma_start3A_1702 : memref<128xi32, #tpu.memory_space<vmem>>) semaphore(%arg9 : memref<!tpu.dma_semaphore, #tpu.memory_space<semaphore_mem>>)
      %dma_start3A_1706 = arith.constant 4 : i32
      %dma_start3A_1707 = arith.constant 4 : i32
      %dma_start3A_1708 = arith.constant 0 : i32
      %dma_start3A_1709 = arith.constant 0 : i32
      %dma_start3A_1710 = tpu.memref_slice %arg8[%dma_start3A_1707, %dma_start3A_1708, %dma_start3A_1709] : memref<8x128x64xf32, #tpu.memory_space<vmem>> -> memref<1x128x64xf32, #tpu.memory_space<vmem>>
      %dma_start3A_1711 = tpu.memref_squeeze %dma_start3A_1710 : memref<1x128x64xf32, #tpu.memory_space<vmem>> -> memref<128x64xf32, #tpu.memory_space<vmem>>
      %dma_start3A_1712 = arith.constant 0 : i32
      %dma_start3A_1713 = tpu.memref_slice %arg5[%dma_start3A_1706, %dma_start3A_1712] : memref<8x128xi32, #tpu.memory_space<vmem>> -> memref<1x128xi32, #tpu.memory_space<vmem>>
      %dma_start3A_1714 = tpu.memref_squeeze %dma_start3A_1713 : memref<1x128xi32, #tpu.memory_space<vmem>> -> memref<128xi32, #tpu.memory_space<vmem>>
      %dma_start3A_1715 = arith.constant 0 : i32
      %dma_start3A_1716 = arith.constant 0 : i32
      %dma_start3A_1717 = tpu.memref_slice %arg2[%dma_start3A_1715, %dma_start3A_1716] : memref<1015808x64xf32, #tpu.memory_space<hbm>> -> memref<1015808x64xf32, #tpu.memory_space<hbm>>
      tpu.enqueue_indirect_dma source(%dma_start3A_1717 : memref<1015808x64xf32, #tpu.memory_space<hbm>>) target(%dma_start3A_1711 : memref<128x64xf32, #tpu.memory_space<vmem>>) offsets(%dma_start3A_1714 : memref<128xi32, #tpu.memory_space<vmem>>) semaphore(%arg9 : memref<!tpu.dma_semaphore, #tpu.memory_space<semaphore_mem>>)
      %dma_start3A_1718 = arith.constant 5 : i32
      %dma_start3A_1719 = arith.constant 5 : i32
      %dma_start3A_1720 = arith.constant 0 : i32
      %dma_start3A_1721 = arith.constant 0 : i32
      %dma_start3A_1722 = tpu.memref_slice %arg8[%dma_start3A_1719, %dma_start3A_1720, %dma_start3A_1721] : memref<8x128x64xf32, #tpu.memory_space<vmem>> -> memref<1x128x64xf32, #tpu.memory_space<vmem>>
      %dma_start3A_1723 = tpu.memref_squeeze %dma_start3A_1722 : memref<1x128x64xf32, #tpu.memory_space<vmem>> -> memref<128x64xf32, #tpu.memory_space<vmem>>
      %dma_start3A_1724 = arith.constant 0 : i32
      %dma_start3A_1725 = tpu.memref_slice %arg5[%dma_start3A_1718, %dma_start3A_1724] : memref<8x128xi32, #tpu.memory_space<vmem>> -> memref<1x128xi32, #tpu.memory_space<vmem>>
      %dma_start3A_1726 = tpu.memref_squeeze %dma_start3A_1725 : memref<1x128xi32, #tpu.memory_space<vmem>> -> memref<128xi32, #tpu.memory_space<vmem>>
      %dma_start3A_1727 = arith.constant 0 : i32
      %dma_start3A_1728 = arith.constant 0 : i32
      %dma_start3A_1729 = tpu.memref_slice %arg2[%dma_start3A_1727, %dma_start3A_1728] : memref<1015808x64xf32, #tpu.memory_space<hbm>> -> memref<1015808x64xf32, #tpu.memory_space<hbm>>
      tpu.enqueue_indirect_dma source(%dma_start3A_1729 : memref<1015808x64xf32, #tpu.memory_space<hbm>>) target(%dma_start3A_1723 : memref<128x64xf32, #tpu.memory_space<vmem>>) offsets(%dma_start3A_1726 : memref<128xi32, #tpu.memory_space<vmem>>) semaphore(%arg9 : memref<!tpu.dma_semaphore, #tpu.memory_space<semaphore_mem>>)
      %dma_start3A_1730 = arith.constant 6 : i32
      %dma_start3A_1731 = arith.constant 6 : i32
      %dma_start3A_1732 = arith.constant 0 : i32
      %dma_start3A_1733 = arith.constant 0 : i32
      %dma_start3A_1734 = tpu.memref_slice %arg8[%dma_start3A_1731, %dma_start3A_1732, %dma_start3A_1733] : memref<8x128x64xf32, #tpu.memory_space<vmem>> -> memref<1x128x64xf32, #tpu.memory_space<vmem>>
      %dma_start3A_1735 = tpu.memref_squeeze %dma_start3A_1734 : memref<1x128x64xf32, #tpu.memory_space<vmem>> -> memref<128x64xf32, #tpu.memory_space<vmem>>
      %dma_start3A_1736 = arith.constant 0 : i32
      %dma_start3A_1737 = tpu.memref_slice %arg5[%dma_start3A_1730, %dma_start3A_1736] : memref<8x128xi32, #tpu.memory_space<vmem>> -> memref<1x128xi32, #tpu.memory_space<vmem>>
      %dma_start3A_1738 = tpu.memref_squeeze %dma_start3A_1737 : memref<1x128xi32, #tpu.memory_space<vmem>> -> memref<128xi32, #tpu.memory_space<vmem>>
      %dma_start3A_1739 = arith.constant 0 : i32
      %dma_start3A_1740 = arith.constant 0 : i32
      %dma_start3A_1741 = tpu.memref_slice %arg2[%dma_start3A_1739, %dma_start3A_1740] : memref<1015808x64xf32, #tpu.memory_space<hbm>> -> memref<1015808x64xf32, #tpu.memory_space<hbm>>
      tpu.enqueue_indirect_dma source(%dma_start3A_1741 : memref<1015808x64xf32, #tpu.memory_space<hbm>>) target(%dma_start3A_1735 : memref<128x64xf32, #tpu.memory_space<vmem>>) offsets(%dma_start3A_1738 : memref<128xi32, #tpu.memory_space<vmem>>) semaphore(%arg9 : memref<!tpu.dma_semaphore, #tpu.memory_space<semaphore_mem>>)
      %dma_start3A_1742 = arith.constant 7 : i32
      %dma_start3A_1743 = arith.constant 7 : i32
      %dma_start3A_1744 = arith.constant 0 : i32
      %dma_start3A_1745 = arith.constant 0 : i32
      %dma_start3A_1746 = tpu.memref_slice %arg8[%dma_start3A_1743, %dma_start3A_1744, %dma_start3A_1745] : memref<8x128x64xf32, #tpu.memory_space<vmem>> -> memref<1x128x64xf32, #tpu.memory_space<vmem>>
      %dma_start3A_1747 = tpu.memref_squeeze %dma_start3A_1746 : memref<1x128x64xf32, #tpu.memory_space<vmem>> -> memref<128x64xf32, #tpu.memory_space<vmem>>
      %dma_start3A_1748 = arith.constant 0 : i32
      %dma_start3A_1749 = tpu.memref_slice %arg5[%dma_start3A_1742, %dma_start3A_1748] : memref<8x128xi32, #tpu.memory_space<vmem>> -> memref<1x128xi32, #tpu.memory_space<vmem>>
      %dma_start3A_1750 = tpu.memref_squeeze %dma_start3A_1749 : memref<1x128xi32, #tpu.memory_space<vmem>> -> memref<128xi32, #tpu.memory_space<vmem>>
      %dma_start3A_1751 = arith.constant 0 : i32
      %dma_start3A_1752 = arith.constant 0 : i32
      %dma_start3A_1753 = tpu.memref_slice %arg2[%dma_start3A_1751, %dma_start3A_1752] : memref<1015808x64xf32, #tpu.memory_space<hbm>> -> memref<1015808x64xf32, #tpu.memory_space<hbm>>
      tpu.enqueue_indirect_dma source(%dma_start3A_1753 : memref<1015808x64xf32, #tpu.memory_space<hbm>>) target(%dma_start3A_1747 : memref<128x64xf32, #tpu.memory_space<vmem>>) offsets(%dma_start3A_1750 : memref<128xi32, #tpu.memory_space<vmem>>) semaphore(%arg9 : memref<!tpu.dma_semaphore, #tpu.memory_space<semaphore_mem>>)
      %dma_wait3A_1754 = arith.constant 0 : i32
      %dma_wait3A_1755 = arith.constant 0 : i32
      %dma_wait3A_1756 = arith.constant 0 : i32
      %dma_wait3A_1757 = arith.constant 0 : i32
      %dma_wait3A_1758 = tpu.memref_slice %arg8[%dma_wait3A_1755, %dma_wait3A_1756, %dma_wait3A_1757] : memref<8x128x64xf32, #tpu.memory_space<vmem>> -> memref<1x128x64xf32, #tpu.memory_space<vmem>>
      %dma_wait3A_1759 = tpu.memref_squeeze %dma_wait3A_1758 : memref<1x128x64xf32, #tpu.memory_space<vmem>> -> memref<128x64xf32, #tpu.memory_space<vmem>>
      %dma_wait3A_1760 = arith.constant 0 : i32
      %dma_wait3A_1761 = tpu.memref_slice %arg5[%dma_wait3A_1754, %dma_wait3A_1760] : memref<8x128xi32, #tpu.memory_space<vmem>> -> memref<1x128xi32, #tpu.memory_space<vmem>>
      %dma_wait3A_1762 = tpu.memref_squeeze %dma_wait3A_1761 : memref<1x128xi32, #tpu.memory_space<vmem>> -> memref<128xi32, #tpu.memory_space<vmem>>
      %dma_wait3A_1763 = arith.constant 0 : i32
      %dma_wait3A_1764 = arith.constant 0 : i32
      %dma_wait3A_1765 = tpu.memref_slice %arg2[%dma_wait3A_1763, %dma_wait3A_1764] : memref<1015808x64xf32, #tpu.memory_space<hbm>> -> memref<1015808x64xf32, #tpu.memory_space<hbm>>
      tpu.wait_indirect_dma semaphore(%arg9 : memref<!tpu.dma_semaphore, #tpu.memory_space<semaphore_mem>>) src(%dma_wait3A_1765 : memref<1015808x64xf32, #tpu.memory_space<hbm>>) dst(%dma_wait3A_1759 : memref<128x64xf32, #tpu.memory_space<vmem>>)
      %dma_wait3A_1766 = arith.constant 1 : i32
      %dma_wait3A_1767 = arith.constant 1 : i32
      %dma_wait3A_1768 = arith.constant 0 : i32
      %dma_wait3A_1769 = arith.constant 0 : i32
      %dma_wait3A_1770 = tpu.memref_slice %arg8[%dma_wait3A_1767, %dma_wait3A_1768, %dma_wait3A_1769] : memref<8x128x64xf32, #tpu.memory_space<vmem>> -> memref<1x128x64xf32, #tpu.memory_space<vmem>>
      %dma_wait3A_1771 = tpu.memref_squeeze %dma_wait3A_1770 : memref<1x128x64xf32, #tpu.memory_space<vmem>> -> memref<128x64xf32, #tpu.memory_space<vmem>>
      %dma_wait3A_1772 = arith.constant 0 : i32
      %dma_wait3A_1773 = tpu.memref_slice %arg5[%dma_wait3A_1766, %dma_wait3A_1772] : memref<8x128xi32, #tpu.memory_space<vmem>> -> memref<1x128xi32, #tpu.memory_space<vmem>>
      %dma_wait3A_1774 = tpu.memref_squeeze %dma_wait3A_1773 : memref<1x128xi32, #tpu.memory_space<vmem>> -> memref<128xi32, #tpu.memory_space<vmem>>
      %dma_wait3A_1775 = arith.constant 0 : i32
      %dma_wait3A_1776 = arith.constant 0 : i32
      %dma_wait3A_1777 = tpu.memref_slice %arg2[%dma_wait3A_1775, %dma_wait3A_1776] : memref<1015808x64xf32, #tpu.memory_space<hbm>> -> memref<1015808x64xf32, #tpu.memory_space<hbm>>
      tpu.wait_indirect_dma semaphore(%arg9 : memref<!tpu.dma_semaphore, #tpu.memory_space<semaphore_mem>>) src(%dma_wait3A_1777 : memref<1015808x64xf32, #tpu.memory_space<hbm>>) dst(%dma_wait3A_1771 : memref<128x64xf32, #tpu.memory_space<vmem>>)
      %dma_wait3A_1778 = arith.constant 2 : i32
      %dma_wait3A_1779 = arith.constant 2 : i32
      %dma_wait3A_1780 = arith.constant 0 : i32
      %dma_wait3A_1781 = arith.constant 0 : i32
      %dma_wait3A_1782 = tpu.memref_slice %arg8[%dma_wait3A_1779, %dma_wait3A_1780, %dma_wait3A_1781] : memref<8x128x64xf32, #tpu.memory_space<vmem>> -> memref<1x128x64xf32, #tpu.memory_space<vmem>>
      %dma_wait3A_1783 = tpu.memref_squeeze %dma_wait3A_1782 : memref<1x128x64xf32, #tpu.memory_space<vmem>> -> memref<128x64xf32, #tpu.memory_space<vmem>>
      %dma_wait3A_1784 = arith.constant 0 : i32
      %dma_wait3A_1785 = tpu.memref_slice %arg5[%dma_wait3A_1778, %dma_wait3A_1784] : memref<8x128xi32, #tpu.memory_space<vmem>> -> memref<1x128xi32, #tpu.memory_space<vmem>>
      %dma_wait3A_1786 = tpu.memref_squeeze %dma_wait3A_1785 : memref<1x128xi32, #tpu.memory_space<vmem>> -> memref<128xi32, #tpu.memory_space<vmem>>
      %dma_wait3A_1787 = arith.constant 0 : i32
      %dma_wait3A_1788 = arith.constant 0 : i32
      %dma_wait3A_1789 = tpu.memref_slice %arg2[%dma_wait3A_1787, %dma_wait3A_1788] : memref<1015808x64xf32, #tpu.memory_space<hbm>> -> memref<1015808x64xf32, #tpu.memory_space<hbm>>
      tpu.wait_indirect_dma semaphore(%arg9 : memref<!tpu.dma_semaphore, #tpu.memory_space<semaphore_mem>>) src(%dma_wait3A_1789 : memref<1015808x64xf32, #tpu.memory_space<hbm>>) dst(%dma_wait3A_1783 : memref<128x64xf32, #tpu.memory_space<vmem>>)
      %dma_wait3A_1790 = arith.constant 3 : i32
      %dma_wait3A_1791 = arith.constant 3 : i32
      %dma_wait3A_1792 = arith.constant 0 : i32
      %dma_wait3A_1793 = arith.constant 0 : i32
      %dma_wait3A_1794 = tpu.memref_slice %arg8[%dma_wait3A_1791, %dma_wait3A_1792, %dma_wait3A_1793] : memref<8x128x64xf32, #tpu.memory_space<vmem>> -> memref<1x128x64xf32, #tpu.memory_space<vmem>>
      %dma_wait3A_1795 = tpu.memref_squeeze %dma_wait3A_1794 : memref<1x128x64xf32, #tpu.memory_space<vmem>> -> memref<128x64xf32, #tpu.memory_space<vmem>>
      %dma_wait3A_1796 = arith.constant 0 : i32
      %dma_wait3A_1797 = tpu.memref_slice %arg5[%dma_wait3A_1790, %dma_wait3A_1796] : memref<8x128xi32, #tpu.memory_space<vmem>> -> memref<1x128xi32, #tpu.memory_space<vmem>>
      %dma_wait3A_1798 = tpu.memref_squeeze %dma_wait3A_1797 : memref<1x128xi32, #tpu.memory_space<vmem>> -> memref<128xi32, #tpu.memory_space<vmem>>
      %dma_wait3A_1799 = arith.constant 0 : i32
      %dma_wait3A_1800 = arith.constant 0 : i32
      %dma_wait3A_1801 = tpu.memref_slice %arg2[%dma_wait3A_1799, %dma_wait3A_1800] : memref<1015808x64xf32, #tpu.memory_space<hbm>> -> memref<1015808x64xf32, #tpu.memory_space<hbm>>
      tpu.wait_indirect_dma semaphore(%arg9 : memref<!tpu.dma_semaphore, #tpu.memory_space<semaphore_mem>>) src(%dma_wait3A_1801 : memref<1015808x64xf32, #tpu.memory_space<hbm>>) dst(%dma_wait3A_1795 : memref<128x64xf32, #tpu.memory_space<vmem>>)
      %dma_wait3A_1802 = arith.constant 4 : i32
      %dma_wait3A_1803 = arith.constant 4 : i32
      %dma_wait3A_1804 = arith.constant 0 : i32
      %dma_wait3A_1805 = arith.constant 0 : i32
      %dma_wait3A_1806 = tpu.memref_slice %arg8[%dma_wait3A_1803, %dma_wait3A_1804, %dma_wait3A_1805] : memref<8x128x64xf32, #tpu.memory_space<vmem>> -> memref<1x128x64xf32, #tpu.memory_space<vmem>>
      %dma_wait3A_1807 = tpu.memref_squeeze %dma_wait3A_1806 : memref<1x128x64xf32, #tpu.memory_space<vmem>> -> memref<128x64xf32, #tpu.memory_space<vmem>>
      %dma_wait3A_1808 = arith.constant 0 : i32
      %dma_wait3A_1809 = tpu.memref_slice %arg5[%dma_wait3A_1802, %dma_wait3A_1808] : memref<8x128xi32, #tpu.memory_space<vmem>> -> memref<1x128xi32, #tpu.memory_space<vmem>>
      %dma_wait3A_1810 = tpu.memref_squeeze %dma_wait3A_1809 : memref<1x128xi32, #tpu.memory_space<vmem>> -> memref<128xi32, #tpu.memory_space<vmem>>
      %dma_wait3A_1811 = arith.constant 0 : i32
      %dma_wait3A_1812 = arith.constant 0 : i32
      %dma_wait3A_1813 = tpu.memref_slice %arg2[%dma_wait3A_1811, %dma_wait3A_1812] : memref<1015808x64xf32, #tpu.memory_space<hbm>> -> memref<1015808x64xf32, #tpu.memory_space<hbm>>
      tpu.wait_indirect_dma semaphore(%arg9 : memref<!tpu.dma_semaphore, #tpu.memory_space<semaphore_mem>>) src(%dma_wait3A_1813 : memref<1015808x64xf32, #tpu.memory_space<hbm>>) dst(%dma_wait3A_1807 : memref<128x64xf32, #tpu.memory_space<vmem>>)
      %dma_wait3A_1814 = arith.constant 5 : i32
      %dma_wait3A_1815 = arith.constant 5 : i32
      %dma_wait3A_1816 = arith.constant 0 : i32
      %dma_wait3A_1817 = arith.constant 0 : i32
      %dma_wait3A_1818 = tpu.memref_slice %arg8[%dma_wait3A_1815, %dma_wait3A_1816, %dma_wait3A_1817] : memref<8x128x64xf32, #tpu.memory_space<vmem>> -> memref<1x128x64xf32, #tpu.memory_space<vmem>>
      %dma_wait3A_1819 = tpu.memref_squeeze %dma_wait3A_1818 : memref<1x128x64xf32, #tpu.memory_space<vmem>> -> memref<128x64xf32, #tpu.memory_space<vmem>>
      %dma_wait3A_1820 = arith.constant 0 : i32
      %dma_wait3A_1821 = tpu.memref_slice %arg5[%dma_wait3A_1814, %dma_wait3A_1820] : memref<8x128xi32, #tpu.memory_space<vmem>> -> memref<1x128xi32, #tpu.memory_space<vmem>>
      %dma_wait3A_1822 = tpu.memref_squeeze %dma_wait3A_1821 : memref<1x128xi32, #tpu.memory_space<vmem>> -> memref<128xi32, #tpu.memory_space<vmem>>
      %dma_wait3A_1823 = arith.constant 0 : i32
      %dma_wait3A_1824 = arith.constant 0 : i32
      %dma_wait3A_1825 = tpu.memref_slice %arg2[%dma_wait3A_1823, %dma_wait3A_1824] : memref<1015808x64xf32, #tpu.memory_space<hbm>> -> memref<1015808x64xf32, #tpu.memory_space<hbm>>
      tpu.wait_indirect_dma semaphore(%arg9 : memref<!tpu.dma_semaphore, #tpu.memory_space<semaphore_mem>>) src(%dma_wait3A_1825 : memref<1015808x64xf32, #tpu.memory_space<hbm>>) dst(%dma_wait3A_1819 : memref<128x64xf32, #tpu.memory_space<vmem>>)
      %dma_wait3A_1826 = arith.constant 6 : i32
      %dma_wait3A_1827 = arith.constant 6 : i32
      %dma_wait3A_1828 = arith.constant 0 : i32
      %dma_wait3A_1829 = arith.constant 0 : i32
      %dma_wait3A_1830 = tpu.memref_slice %arg8[%dma_wait3A_1827, %dma_wait3A_1828, %dma_wait3A_1829] : memref<8x128x64xf32, #tpu.memory_space<vmem>> -> memref<1x128x64xf32, #tpu.memory_space<vmem>>
      %dma_wait3A_1831 = tpu.memref_squeeze %dma_wait3A_1830 : memref<1x128x64xf32, #tpu.memory_space<vmem>> -> memref<128x64xf32, #tpu.memory_space<vmem>>
      %dma_wait3A_1832 = arith.constant 0 : i32
      %dma_wait3A_1833 = tpu.memref_slice %arg5[%dma_wait3A_1826, %dma_wait3A_1832] : memref<8x128xi32, #tpu.memory_space<vmem>> -> memref<1x128xi32, #tpu.memory_space<vmem>>
      %dma_wait3A_1834 = tpu.memref_squeeze %dma_wait3A_1833 : memref<1x128xi32, #tpu.memory_space<vmem>> -> memref<128xi32, #tpu.memory_space<vmem>>
      %dma_wait3A_1835 = arith.constant 0 : i32
      %dma_wait3A_1836 = arith.constant 0 : i32
      %dma_wait3A_1837 = tpu.memref_slice %arg2[%dma_wait3A_1835, %dma_wait3A_1836] : memref<1015808x64xf32, #tpu.memory_space<hbm>> -> memref<1015808x64xf32, #tpu.memory_space<hbm>>
      tpu.wait_indirect_dma semaphore(%arg9 : memref<!tpu.dma_semaphore, #tpu.memory_space<semaphore_mem>>) src(%dma_wait3A_1837 : memref<1015808x64xf32, #tpu.memory_space<hbm>>) dst(%dma_wait3A_1831 : memref<128x64xf32, #tpu.memory_space<vmem>>)
      %dma_wait3A_1838 = arith.constant 7 : i32
      %dma_wait3A_1839 = arith.constant 7 : i32
      %dma_wait3A_1840 = arith.constant 0 : i32
      %dma_wait3A_1841 = arith.constant 0 : i32
      %dma_wait3A_1842 = tpu.memref_slice %arg8[%dma_wait3A_1839, %dma_wait3A_1840, %dma_wait3A_1841] : memref<8x128x64xf32, #tpu.memory_space<vmem>> -> memref<1x128x64xf32, #tpu.memory_space<vmem>>
      %dma_wait3A_1843 = tpu.memref_squeeze %dma_wait3A_1842 : memref<1x128x64xf32, #tpu.memory_space<vmem>> -> memref<128x64xf32, #tpu.memory_space<vmem>>
      %dma_wait3A_1844 = arith.constant 0 : i32
      %dma_wait3A_1845 = tpu.memref_slice %arg5[%dma_wait3A_1838, %dma_wait3A_1844] : memref<8x128xi32, #tpu.memory_space<vmem>> -> memref<1x128xi32, #tpu.memory_space<vmem>>
      %dma_wait3A_1846 = tpu.memref_squeeze %dma_wait3A_1845 : memref<1x128xi32, #tpu.memory_space<vmem>> -> memref<128xi32, #tpu.memory_space<vmem>>
      %dma_wait3A_1847 = arith.constant 0 : i32
      %dma_wait3A_1848 = arith.constant 0 : i32
      %dma_wait3A_1849 = tpu.memref_slice %arg2[%dma_wait3A_1847, %dma_wait3A_1848] : memref<1015808x64xf32, #tpu.memory_space<hbm>> -> memref<1015808x64xf32, #tpu.memory_space<hbm>>
      tpu.wait_indirect_dma semaphore(%arg9 : memref<!tpu.dma_semaphore, #tpu.memory_space<semaphore_mem>>) src(%dma_wait3A_1849 : memref<1015808x64xf32, #tpu.memory_space<hbm>>) dst(%dma_wait3A_1843 : memref<128x64xf32, #tpu.memory_space<vmem>>)
      %mul3A_1850 = arith.constant 8 : i32
      %mul3A_1851 = arith.muli %add3A_21, %mul3A_1850 : i32
      %dma_start3A_1852 = arith.constant 0 : i32
      %dma_start3A_1853 = arith.constant 0 : i32
      %dma_start3A_1854 = tpu.memref_slice %arg4[%mul3A_1851, %dma_start3A_1852, %dma_start3A_1853] : memref<6400x128x64xf32, #tpu.memory_space<hbm>> -> memref<8x128x64xf32, #tpu.memory_space<hbm>>
      %dma_start3A_1855 = arith.constant 0 : i32
      %dma_start3A_1856 = arith.constant 0 : i32
      %dma_start3A_1857 = tpu.memref_slice %arg4[%mul3A_1851, %dma_start3A_1855, %dma_start3A_1856] : memref<6400x128x64xf32, #tpu.memory_space<hbm>> -> memref<8x128x64xf32, #tpu.memory_space<hbm>>
      tpu.enqueue_dma source(%arg8 : memref<8x128x64xf32, #tpu.memory_space<vmem>>) target(%dma_start3A_1857 : memref<8x128x64xf32, #tpu.memory_space<hbm>>) target_semaphore(%arg10 : memref<!tpu.dma_semaphore, #tpu.memory_space<semaphore_mem>>)
    }
    %scan3A_5 = arith.constant 25 : i32
    %mul3A_6 = arith.constant 25 : i32
    %mul3A_7 = arith.muli %add3A, %mul3A_6 : i32
    %add3A_8 = arith.constant 25 : i32
    %add3A_9 = arith.addi %mul3A_7, %add3A_8 : i32
    %sub3A = arith.constant 1 : i32
    %sub3A_10 = arith.subi %add3A_9, %sub3A : i32
    %mul3A_11 = arith.constant 8 : i32
    %mul3A_12 = arith.muli %sub3A_10, %mul3A_11 : i32
    %dma_wait3A = arith.constant 0 : i32
    %dma_wait3A_13 = arith.constant 0 : i32
    %dma_wait3A_14 = tpu.memref_slice %arg4[%mul3A_12, %dma_wait3A, %dma_wait3A_13] : memref<6400x128x64xf32, #tpu.memory_space<hbm>> -> memref<8x128x64xf32, #tpu.memory_space<hbm>>
    %dma_wait3A_15 = arith.constant 0 : i32
    %dma_wait3A_16 = arith.constant 0 : i32
    %dma_wait3A_17 = tpu.memref_slice %arg4[%mul3A_12, %dma_wait3A_15, %dma_wait3A_16] : memref<6400x128x64xf32, #tpu.memory_space<hbm>> -> memref<8x128x64xf32, #tpu.memory_space<hbm>>
    tpu.wait_dma2 semaphore(%arg10 : memref<!tpu.dma_semaphore, #tpu.memory_space<semaphore_mem>>) src(%arg8 : memref<8x128x64xf32, #tpu.memory_space<vmem>>) dst(%dma_wait3A_17 : memref<8x128x64xf32, #tpu.memory_space<hbm>>)
    return
  }
}

module attributes {stable_mosaic.version = 14 : i64} {
  func.func @_table_body(%arg0: i32, %arg1: memref<64x8192xf32, #tpu.memory_space<vmem>>, %arg2: memref<64x8192xf32, #tpu.memory_space<vmem>>, %arg3: memref<16x8192xf32, #tpu.memory_space<vmem>>, %arg4: memref<16x8192xf32, #tpu.memory_space<vmem>>, %arg5: memref<64x16xf32, #tpu.memory_space<vmem>>, %arg6: memref<8192x128xf32, #tpu.memory_space<vmem>>, %arg7: memref<64x8xf32, #tpu.memory_space<vmem>>) attributes {dimension_semantics = [#tpu.dimension_semantics<arbitrary>], iteration_bounds = array<i64: 62>, scalar_prefetch = 0 : i64, scratch_operands = 0 : i64, tpu.core_type = #tpu.core_type<tc>, window_params = [{transform_indices = @transform_0, window_bounds = array<i64: 64, 8192>}, {transform_indices = @transform_1, window_bounds = array<i64: 64, 8192>}, {transform_indices = @transform_2, window_bounds = array<i64: 16, 8192>}, {transform_indices = @transform_3, window_bounds = array<i64: 16, 8192>}, {pipeline_mode = #tpu.pipeline_mode<synchronous>, transform_indices = @transform_4, window_bounds = array<i64: 64, 16>}, {transform_indices = @transform_5, window_bounds = array<i64: 8192, 128>}, {pipeline_mode = #tpu.pipeline_mode<synchronous>, transform_indices = @transform_6, window_bounds = array<i64: 64, 8>}]} {
    %get3A = arith.constant 0 : index
    %get3A_0 = arith.constant 0 : index
    %get3A_1 = vector.load %arg1[%get3A, %get3A_0] : memref<64x8192xf32, #tpu.memory_space<vmem>>, vector<64x8192xf32>
    %get3A_2 = arith.constant 0 : index
    %get3A_3 = arith.constant 0 : index
    %get3A_4 = vector.load %arg5[%get3A_2, %get3A_3] : memref<64x16xf32, #tpu.memory_space<vmem>>, vector<64x16xf32>
    %get3A_5 = arith.constant 0 : index
    %get3A_6 = arith.constant 0 : index
    %get3A_7 = vector.load %arg3[%get3A_5, %get3A_6] : memref<16x8192xf32, #tpu.memory_space<vmem>>, vector<16x8192xf32>
    %dot_general3A = arith.constant dense<0.000000e+00> : vector<64x8192xf32>
    %dot_general3A_8 = tpu.matmul %get3A_4, %get3A_7, %dot_general3A {dimension_numbers = #tpu.dot_dimension_numbers<[1], [0], [0], [1], [0, 0, 1, 1], [], []>, transpose_lhs_hint = false} : vector<64x16xf32>, vector<16x8192xf32>, vector<64x8192xf32> -> vector<64x8192xf32>
    %mul3A = arith.constant 1.000000e+00 : f32
    %mul3A_9 = vector.broadcast %mul3A : f32 to vector<64x8192xf32>
    %mul3A_10 = arith.mulf %dot_general3A_8, %mul3A_9 : vector<64x8192xf32>
    %add3A = arith.addf %get3A_1, %mul3A_10 : vector<64x8192xf32>
    %get3A_11 = arith.constant 0 : index
    %get3A_12 = arith.constant 0 : index
    %get3A_13 = vector.load %arg2[%get3A_11, %get3A_12] : memref<64x8192xf32, #tpu.memory_space<vmem>>, vector<64x8192xf32>
    %get3A_14 = arith.constant 0 : index
    %get3A_15 = arith.constant 0 : index
    %get3A_16 = vector.load %arg5[%get3A_14, %get3A_15] : memref<64x16xf32, #tpu.memory_space<vmem>>, vector<64x16xf32>
    %get3A_17 = arith.constant 0 : index
    %get3A_18 = arith.constant 0 : index
    %get3A_19 = vector.load %arg4[%get3A_17, %get3A_18] : memref<16x8192xf32, #tpu.memory_space<vmem>>, vector<16x8192xf32>
    %dot_general3A_20 = arith.constant dense<0.000000e+00> : vector<64x8192xf32>
    %dot_general3A_21 = tpu.matmul %get3A_16, %get3A_19, %dot_general3A_20 {dimension_numbers = #tpu.dot_dimension_numbers<[1], [0], [0], [1], [0, 0, 1, 1], [], []>, transpose_lhs_hint = false} : vector<64x16xf32>, vector<16x8192xf32>, vector<64x8192xf32> -> vector<64x8192xf32>
    %mul3A_22 = arith.constant 1.000000e+00 : f32
    %mul3A_23 = vector.broadcast %mul3A_22 : f32 to vector<64x8192xf32>
    %mul3A_24 = arith.mulf %dot_general3A_21, %mul3A_23 : vector<64x8192xf32>
    %add3A_25 = arith.addf %get3A_13, %mul3A_24 : vector<64x8192xf32>
    %concatenate3A = tpu.concatenate %add3A, %add3A_25 in 0 : vector<64x8192xf32>, vector<64x8192xf32> -> vector<128x8192xf32>
    %transpose3A = tpu.transpose %concatenate3A, [1, 0] : vector<128x8192xf32> -> vector<8192x128xf32>
    %swap3A = arith.constant 0 : index
    %swap3A_26 = arith.constant 0 : index
    %swap3A_27 = vector.load %arg6[%swap3A, %swap3A_26] : memref<8192x128xf32, #tpu.memory_space<vmem>>, vector<8192x128xf32>
    tpu.vector_store %arg6[%swap3A, %swap3A_26], %transpose3A {strides = array<i32>} : memref<8192x128xf32, #tpu.memory_space<vmem>>, vector<8192x128xf32>,
    %add3A_28 = arith.constant 61 : i32
    %add3A_29 = arith.addi %add3A_28, %arg0 : i32
    %mul3A_30 = arith.constant 8192 : i32
    %mul3A_31 = arith.muli %add3A_29, %mul3A_30 : i32
    %iota3A = tpu.iota {dimensions = array<i32: 1>} : vector<64x8192xi32>
    %add3A_32 = vector.broadcast %mul3A_31 : i32 to vector<64x8192xi32>
    %add3A_33 = arith.addi %add3A_32, %iota3A : vector<64x8192xi32>
    %mul3A_34 = arith.mulf %add3A, %add3A : vector<64x8192xf32>
    %ge3A = arith.constant 507904 : i32
    %ge3A_35 = vector.broadcast %ge3A : i32 to vector<64x8192xi32>
    %ge3A_36 = arith.cmpi sge, %add3A_33, %ge3A_35 : vector<64x8192xi32>
    %lt3A = arith.constant 1000000 : i32
    %lt3A_37 = vector.broadcast %lt3A : i32 to vector<64x8192xi32>
    %lt3A_38 = arith.cmpi slt, %add3A_33, %lt3A_37 : vector<64x8192xi32>
    %and3A = arith.andi %ge3A_36, %lt3A_38 : vector<64x8192xi1>
    %mul3A_39 = arith.mulf %add3A_25, %add3A_25 : vector<64x8192xf32>
    %jit3A = arith.constant 0.000000e+00 : f32
    %broadcast_in_dim3A = vector.broadcast %jit3A : f32 to vector<64x8192xf32>
    %select_n3A = arith.select %and3A, %mul3A_39, %broadcast_in_dim3A : vector<64x8192xi1>, vector<64x8192xf32>
    %add3A_40 = arith.addf %mul3A_34, %select_n3A : vector<64x8192xf32>
    %reduce_sum3A = arith.constant dense<0.000000e+00> : vector<64xf32>
    %reduce_sum3A_41 = vector.multi_reduction <add>, %add3A_40, %reduce_sum3A [1] : vector<64x8192xf32> to vector<64xf32>
    %broadcast_in_dim3A_42 = vector.shape_cast %reduce_sum3A_41 : vector<64xf32> to vector<64x1xf32>
    %broadcast_in_dim3A_43 = vector.shape_cast %broadcast_in_dim3A_42 : vector<64x1xf32> to vector<64x1xf32>
    %broadcast_in_dim3A_44 = vector.broadcast %broadcast_in_dim3A_43 : vector<64x1xf32> to vector<64x8xf32>
    %eq3A = arith.constant 0 : i32
    %eq3A_45 = arith.cmpi eq, %arg0, %eq3A : i32
    %convert_element_type3A = arith.extui %eq3A_45 : i1 to i32
    %cond3A = arith.constant 0 : i32
    %cond3A_46 = arith.cmpi ne, %convert_element_type3A, %cond3A : i32
    scf.if %cond3A_46 {
      %swap3A_51 = arith.constant 0 : index
      %swap3A_52 = arith.constant 0 : index
      %swap3A_53 = vector.load %arg7[%swap3A_51, %swap3A_52] : memref<64x8xf32, #tpu.memory_space<vmem>>, vector<64x8xf32>
      tpu.vector_store %arg7[%swap3A_51, %swap3A_52], %broadcast_in_dim3A_44 {strides = array<i32>} : memref<64x8xf32, #tpu.memory_space<vmem>>, vector<64x8xf32>,
    } else {
    }
    %gt3A = arith.constant 0 : i32
    %gt3A_47 = arith.cmpi sgt, %arg0, %gt3A : i32
    %convert_element_type3A_48 = arith.extui %gt3A_47 : i1 to i32
    %cond3A_49 = arith.constant 0 : i32
    %cond3A_50 = arith.cmpi ne, %convert_element_type3A_48, %cond3A_49 : i32
    scf.if %cond3A_50 {
      %get3A_51 = arith.constant 0 : index
      %get3A_52 = arith.constant 0 : index
      %get3A_53 = vector.load %arg7[%get3A_51, %get3A_52] : memref<64x8xf32, #tpu.memory_space<vmem>>, vector<64x8xf32>
      %add3A_54 = arith.addf %get3A_53, %broadcast_in_dim3A_44 : vector<64x8xf32>
      %swap3A_55 = arith.constant 0 : index
      %swap3A_56 = arith.constant 0 : index
      %swap3A_57 = vector.load %arg7[%swap3A_55, %swap3A_56] : memref<64x8xf32, #tpu.memory_space<vmem>>, vector<64x8xf32>
      tpu.vector_store %arg7[%swap3A_55, %swap3A_56], %add3A_54 {strides = array<i32>} : memref<64x8xf32, #tpu.memory_space<vmem>>, vector<64x8xf32>,
    } else {
    }
    return
  }
  func.func @transform_0(%arg0: i32) -> (i32, i32) {
    %c0_i32 = arith.constant 0 : i32
    %c0_i32_0 = arith.constant 0 : i32
    return %c0_i32, %arg0 : i32, i32
  }
  func.func @transform_1(%arg0: i32) -> (i32, i32) {
    %add3A = arith.constant 123 : i32
    %add3A_0 = arith.addi %arg0, %add3A : i32
    %sub3A = arith.constant 62 : i32
    %sub3A_1 = arith.subi %add3A_0, %sub3A : i32
    %c0_i32 = arith.constant 0 : i32
    %c0_i32_2 = arith.constant 0 : i32
    return %c0_i32, %sub3A_1 : i32, i32
  }
  func.func @transform_2(%arg0: i32) -> (i32, i32) {
    %c0_i32 = arith.constant 0 : i32
    %c0_i32_0 = arith.constant 0 : i32
    return %c0_i32, %arg0 : i32, i32
  }
  func.func @transform_3(%arg0: i32) -> (i32, i32) {
    %add3A = arith.constant 123 : i32
    %add3A_0 = arith.addi %arg0, %add3A : i32
    %sub3A = arith.constant 62 : i32
    %sub3A_1 = arith.subi %add3A_0, %sub3A : i32
    %c0_i32 = arith.constant 0 : i32
    %c0_i32_2 = arith.constant 0 : i32
    return %c0_i32, %sub3A_1 : i32, i32
  }
  func.func @transform_4(%arg0: i32) -> (i32, i32) {
    %c0_i32 = arith.constant 0 : i32
    %c0_i32_0 = arith.constant 0 : i32
    %c0_i32_1 = arith.constant 0 : i32
    return %c0_i32, %c0_i32_0 : i32, i32
  }
  func.func @transform_5(%arg0: i32) -> (i32, i32) {
    %c0_i32 = arith.constant 0 : i32
    %c0_i32_0 = arith.constant 0 : i32
    return %arg0, %c0_i32 : i32, i32
  }
  func.func @transform_6(%arg0: i32) -> (i32, i32) {
    %c0_i32 = arith.constant 0 : i32
    %c0_i32_0 = arith.constant 0 : i32
    %c0_i32_1 = arith.constant 0 : i32
    return %c0_i32, %c0_i32_0 : i32, i32
  }
}

module attributes {stable_mosaic.version = 14 : i64} {
  func.func @_trans_body(%arg0: i32, %arg1: i32, %arg2: memref<8192x128xf32, #tpu.memory_space<vmem>>, %arg3: memref<64x8xf32, #tpu.memory_space<vmem>>, %arg4: memref<64x1xf32, #tpu.memory_space<vmem>>, %arg5: memref<128x8192xf32, #tpu.memory_space<vmem>>) attributes {dimension_semantics = [#tpu.dimension_semantics<arbitrary>, #tpu.dimension_semantics<arbitrary>], iteration_bounds = array<i64: 25, 2>, scalar_prefetch = 0 : i64, scratch_operands = 0 : i64, tpu.core_type = #tpu.core_type<tc>, window_params = [{transform_indices = @transform_0, window_bounds = array<i64: 8192, 128>}, {pipeline_mode = #tpu.pipeline_mode<synchronous>, transform_indices = @transform_1, window_bounds = array<i64: 64, 8>}, {pipeline_mode = #tpu.pipeline_mode<synchronous>, transform_indices = @transform_2, window_bounds = array<i64: 64, 1>}, {transform_indices = @transform_3, window_bounds = array<i64: 128, 8192>}]} {
    %get3A = arith.constant 0 : index
    %get3A_0 = arith.constant 0 : index
    %get3A_1 = vector.load %arg4[%get3A, %get3A_0] : memref<64x1xf32, #tpu.memory_space<vmem>>, vector<64x1xf32>
    %get3A_2 = arith.constant 0 : index
    %get3A_3 = arith.constant 0 : index
    %get3A_4 = vector.load %arg3[%get3A_2, %get3A_3] : memref<64x8xf32, #tpu.memory_space<vmem>>, vector<64x1xf32>
    %sqrt3A = math.sqrt %get3A_4 : vector<64x1xf32>
    %mul3A = arith.mulf %get3A_1, %sqrt3A : vector<64x1xf32>
    %concatenate3A = tpu.concatenate %mul3A, %mul3A in 0 : vector<64x1xf32>, vector<64x1xf32> -> vector<128x1xf32>
    %get3A_5 = arith.constant 0 : index
    %get3A_6 = arith.constant 0 : index
    %get3A_7 = vector.load %arg2[%get3A_5, %get3A_6] : memref<8192x128xf32, #tpu.memory_space<vmem>>, vector<8192x128xf32>
    %transpose3A = tpu.transpose %get3A_7, [1, 0] : vector<8192x128xf32> -> vector<128x8192xf32>
    %mul3A_8 = vector.broadcast %concatenate3A : vector<128x1xf32> to vector<128x8192xf32>
    %mul3A_9 = arith.mulf %transpose3A, %mul3A_8 : vector<128x8192xf32>
    %swap3A = arith.constant 0 : index
    %swap3A_10 = arith.constant 0 : index
    %swap3A_11 = vector.load %arg5[%swap3A, %swap3A_10] : memref<128x8192xf32, #tpu.memory_space<vmem>>, vector<128x8192xf32>
    tpu.vector_store %arg5[%swap3A, %swap3A_10], %mul3A_9 {strides = array<i32>} : memref<128x8192xf32, #tpu.memory_space<vmem>>, vector<128x8192xf32>,
    return
  }
  func.func @transform_0(%arg0: i32, %arg1: i32) -> (i32, i32) {
    %mul3A = arith.constant 2 : i32
    %mul3A_0 = arith.muli %mul3A, %arg0 : i32
    %add3A = arith.addi %mul3A_0, %arg1 : i32
    %c0_i32 = arith.constant 0 : i32
    %c0_i32_1 = arith.constant 0 : i32
    return %add3A, %c0_i32 : i32, i32
  }
  func.func @transform_1(%arg0: i32, %arg1: i32) -> (i32, i32) {
    %c0_i32 = arith.constant 0 : i32
    %c0_i32_0 = arith.constant 0 : i32
    %c0_i32_1 = arith.constant 0 : i32
    return %c0_i32, %c0_i32_0 : i32, i32
  }
  func.func @transform_2(%arg0: i32, %arg1: i32) -> (i32, i32) {
    %c0_i32 = arith.constant 0 : i32
    %c0_i32_0 = arith.constant 0 : i32
    %c0_i32_1 = arith.constant 0 : i32
    return %c0_i32, %c0_i32_0 : i32, i32
  }
  func.func @transform_3(%arg0: i32, %arg1: i32) -> (i32, i32) {
    %c0_i32 = arith.constant 0 : i32
    return %arg0, %arg1 : i32, i32
  }
}

</mosaic_0001>

<sc_bundles>
// kernel: kernel.5.cloned.1.call-start
scs
__scs_entry_jumppad:
0x0: {  	(pc) =	sbr.rel $0x88, $3  }
0x1: {  	(tag) =	ssettag $0x0;
	lr =	simm.s32 $0x1  }
0x2: {  	[smem:$0x3F9C] =	sst lr;
	_ =	strace $0xD0000000  }
0x3: {  	_ = 	snop  }
0x4: {  	_ = 	snop  }
0x5: {  	_ = 	snop  }
0x6: {  	_ = 	snop  }
0x7: {  	_ = 	snop  }
__scs_overlays_trampoline_lowered:
0x8: {  	[smem:$0x3FAB] =	sst s0  }
0x9: {  	[smem:$0x3FAC] =	sst s1  }
0xa: {  	[smem:$0x3FAD] =	sst s2  }
0xb: {  	[smem:$0x3FAE] =	sst s3  }
0xc: {  	[smem:$0x3FAF] =	sst s4  }
0xd: {  	[smem:$0x3FB0] =	sst s5  }
0xe: {  	[smem:$0x3FB1] =	sst s6  }
0xf: {  	[smem:$0x3FB2] =	sst s7  }
0x10: {  	[smem:$0x3FB3] =	sst s8  }
0x11: {  	[smem:$0x3FB4] =	sst s9;
	s0 =	simm.s32 @!p0 $0x0  }
0x12: {  	s1 =	sld [smem:$0x3F9A];
	s0 =	simm.s32 @p0 $0x1  }
0x13: {  	[smem:$0x3FB5] =	sst s0;
	s0 =	simm.s32 @!p1 $0x0  }
0x14: {  	s2 =	sld [smem:$0x3F99];
	s0 =	simm.s32 @p1 $0x1  }
0x15: {  	[smem:$0x3FB6] =	sst s0;
	s0 =	simm.s32 @!p2 $0x0  }
0x16: {  	s3 =	sld [smem:$0x3FDB];
	s0 =	simm.s32 @p2 $0x1  }
0x17: {  	s4 =	simm.s32 $0x1BF5;
	[smem:$0x3FB8] =	sst s0  }
0x18: {  	s0 =	sld [smem:$0x3F9B];
	_ =	swait.ge [sflag:s4], $0x0  }
0x19: {  	s7 =	sld [smem:$0x3F9C]  }
0x1a: {  	s8 =	sadd.s32 $0xFFFFE003, lr  }
0x1b: {  	s9 =	sadd.s32 $0xFFFFFEF7, lr;
	s5 =	simm.s32 $0xFFFFFFFF;
	p2 =	slt.u32 s8, $0xFFFFF086  }
0x1c: {  	p1 =	slt.u32 s9, $0xF7A;
	s5 =	simm.s32 @!p2 $0x0  }
0x1d: {  	s5 =	simm.s32 @p1 $0x1;
	p0 =	seq.s32 s7, s2  }
0x1e: {  	s7 =	smul.u32 @!p0 $0xF7A, s2;
	p2 =	seq.s32 @!p0 s5, $0x0  }
0x1f: {  	s9 =	smul.u32 $0xF7A, s1;
	s8 =	simm.s32 @!p0 $0x1BF5;
	p2 =	por !p2, p0  }
0x20: {  	[sflag:s8] =	ssyncset.s32 @!p0 $0xFFFFF086;
	s6 =	sadd.s32 @!p0 s3, s7;
	s7 =	simm.s32 @!p0 $0x108  }
0x21: {  	s3 =	sadd.s32 s3, s9;
	s6 =	sadd.s32 @!p0 $0x88, s6;
	s7 =	simm.s32 @p2 $0x1082  }
0x22: {  	[simem:s7], [sflag:s8] =	dma.local @!p0 [hbm:s6], $0xF7A  }
0x23: {  	s9 =	sor.u32 $0xD0000000, s2;
	s6 =	simm.s32 $0x108;
	_ =	swait.ge @!p0 [sflag:s8], $0x0  }
0x24: {  	s3 =	sadd.s32 $0x88, s3;
	s6 =	simm.s32 @!p1 $0x1082;
	[sflag:s4] =	ssyncset.s32 $0xFFFFF086  }
0x25: {  	[simem:s6], [sflag:s4] =	dma.local [hbm:s3], $0xF7A  }
0x26: {  	[smem:$0x3F9C] =	sst s1;
	(tag) =	ssettag s2;
	_ =	strace s9  }
0x27: {  	s1 =	sld [smem:$0x3FAC]  }
0x28: {  	s2 =	sld [smem:$0x3FAD]  }
0x29: {  	s4 =	sld [smem:$0x3FAF]  }
0x2a: {  	p0 =	seq.s32 s5, $0x0;
	s5 =	sld [smem:$0x3FB0]  }
0x2b: {  	s6 =	sld [smem:$0x3FB1]  }
0x2c: {  	s7 =	sld [smem:$0x3FB2]  }
0x2d: {  	s3 =	simm.s32 $0x108;
	s8 =	sld [smem:$0x3FB3]  }
0x2e: {  	s3 =	simm.s32 @!p0 $0x1082;
	s9 =	sld [smem:$0x3FB4]  }
0x2f: {  	lr =	sadd.s32 s0, s3;
	s0 =	sld [smem:$0x3FAB]  }
0x30: {  	s3 =	sld [smem:$0x3FAE]  }
0x31: {  	[smem:$0x3FB7] =	sst s10  }
0x32: {  	s10 =	sld [smem:$0x3FB5];
	_ =	sdelay $0x3  }
0x33: {  	p0 =	seq.s32 s10, $0x1;
	s10 =	sld [smem:$0x3FB7];
	_ =	sdelay $0x3  }
0x34: {  	[smem:$0x3FB7] =	sst s10  }
0x35: {  	s10 =	sld [smem:$0x3FB6];
	_ =	sdelay $0x3  }
0x36: {  	p1 =	seq.s32 s10, $0x1;
	s10 =	sld [smem:$0x3FB7];
	_ =	sdelay $0x3  }
0x37: {  	[smem:$0x3FB7] =	sst s10  }
0x38: {  	s10 =	sld [smem:$0x3FB8]  }
0x39: {  	_ = 	snop;
	(pc) =	sbr.ind lr, $3  }
0x3a: {  	_ = 	snop  }
0x3b: {  	_ = 	snop  }
0x3c: {  	p2 =	seq.s32 s10, $0x1;
	s10 =	sld [smem:$0x3FB7]  }
0x3d: {  	_ =	shalt  }
0x3e: {  	_ =	shalt  }
0x3f: {  	_ =	shalt  }
0x40: {  	_ =	shalt  }
0x41: {  	_ =	shalt  }
0x42: {  	_ =	shalt  }
0x43: {  	_ =	shalt  }
0x44: {  	_ =	shalt  }
0x45: {  	_ =	shalt  }
0x46: {  	_ =	shalt  }
0x47: {  	_ =	shalt  }
0x48: {  	_ =	shalt  }
0x49: {  	_ =	shalt  }
0x4a: {  	_ =	shalt  }
0x4b: {  	_ =	shalt  }
0x4c: {  	_ =	shalt  }
0x4d: {  	_ =	shalt  }
0x4e: {  	_ =	shalt  }
0x4f: {  	_ =	shalt  }
0x50: {  	_ =	shalt  }
0x51: {  	_ =	shalt  }
0x52: {  	_ =	shalt  }
0x53: {  	_ =	shalt  }
0x54: {  	_ =	shalt  }
0x55: {  	_ =	shalt  }
0x56: {  	_ =	shalt  }
0x57: {  	_ =	shalt  }
0x58: {  	_ =	shalt  }
0x59: {  	_ =	shalt  }
0x5a: {  	_ =	shalt  }
0x5b: {  	_ =	shalt  }
0x5c: {  	_ =	shalt  }
0x5d: {  	_ =	shalt  }
0x5e: {  	_ =	shalt  }
0x5f: {  	_ =	shalt  }
0x60: {  	_ =	shalt  }
0x61: {  	_ =	shalt  }
0x62: {  	_ =	shalt  }
0x63: {  	_ =	shalt  }
0x64: {  	_ =	shalt  }
0x65: {  	_ =	shalt  }
0x66: {  	_ =	shalt  }
0x67: {  	_ =	shalt  }
0x68: {  	_ =	shalt  }
0x69: {  	_ =	shalt  }
0x6a: {  	_ =	shalt  }
0x6b: {  	_ =	shalt  }
0x6c: {  	_ =	shalt  }
0x6d: {  	_ =	shalt  }
0x6e: {  	_ =	shalt  }
0x6f: {  	_ =	shalt  }
0x70: {  	_ =	shalt  }
0x71: {  	_ =	shalt  }
0x72: {  	_ =	shalt  }
0x73: {  	_ =	shalt  }
0x74: {  	_ =	shalt  }
0x75: {  	_ =	shalt  }
0x76: {  	_ =	shalt  }
0x77: {  	_ =	shalt  }
0x78: {  	_ =	shalt  }
0x79: {  	_ =	shalt  }
0x7a: {  	_ =	shalt  }
0x7b: {  	_ =	shalt  }
0x7c: {  	_ =	shalt  }
0x7d: {  	_ =	shalt  }
0x7e: {  	_ =	shalt  }
0x7f: {  	_ =	shalt  }
0x80: {  	_ =	shalt  }
0x81: {  	_ =	shalt  }
0x82: {  	_ =	shalt  }
0x83: {  	_ =	shalt  }
0x84: {  	_ =	shalt  }
0x85: {  	_ =	shalt  }
0x86: {  	_ =	shalt  }
0x87: {  	_ =	shalt  }
.Lfunc_end0:
.L_simem_size_0:
called_computation_lowered:
.L_overlay_start_0:
0x88: {  	s2 =	sld [smem:$0x3FD9]  }
0x89: {  	s3 =	sld [smem:$0x3FFE];
	_ =	sdelay $0x1  }
0x8a: {  	s1 =	srdreg.scid  }
0x8b: {  	s0 =	sand.u32 $0x1, s1  }
0x8c: {  	s17 =	sshll.u32 s0, $0xA;
	s2 =	sadd.s32 s3, s2  }
0x8d: {  	s2 =	sadd.s32 s2, s17  }
0x8e: {  	[smem:$0x3FC3] =	sst s2  }
0x8f: {  	_ = 	snop  }
0x90: {  	s2 =	sld [smem:$0x3FD0];
	(tm) =	ssettm $0x1  }
0x91: {  	s18 =	sld [smem:$0x3FFB];
	_ =	sdelay $0x3  }
0x92: {  	_ =	strace s18  }
0x93: {  	s3 =	sld [smem:$0x3FFC];
	_ =	sdelay $0x3  }
0x94: {  	_ =	strace s3  }
0x95: {  	s3 =	sld [smem:$0x3FFD];
	_ =	sdelay $0x3  }
0x96: {  	_ =	strace s3  }
0x97: {  	_ =	strace $0x8FFFFFFF  }
0x98: {  	s19 =	sld [smem:$0x3FDB];
	_ =	sdelay $0x1  }
0x99: {  	s4 =	simm.s32 $_scs_section_size  }
0x9a: {  	s5 =	simm.s32 $_size__tile_overlayer_lowered;
	s6 =	simm.s32 $_tile_overlayer_lowered  }
0x9b: {  	s22 =	simm.s32 $0x1BFF;
	s21 =	sshll.u32 s6, $0x1;
	s3 =	sadd.s32 s4, s19  }
0x9c: {  	s7 =	simm.s32 $0x0;
	s20 =	sshll.u32 s5, $0x1;
	s5 =	sadd.s32 s21, s3  }
0x9d: {  	[timem:s7], [sflag:s22] =	dma.local [hbm:s5], s20  }
0x9e: {  	_ =	swait.ge [sflag:s22], s20  }
0x9f: {  	s4 =	ssub.s32 $0x0, s20;
	[sflag:s22] =	ssyncset.done $0x0  }
0xa0: {  	[sflag:s22] =	ssyncadd.s32 s4;
	_ =	sdelay $0x1  }
0xa1: {  	s23 =	simm.s32 $0x1B8B  }
0xa2: {  	_ =	swait.ge [sflag:s23], $0x1  }
0xa3: {  	[sflag:s23] =	ssyncset.done $0x0  }
0xa4: {  	s25 =	simm.s32 $0x1B8E;
	s24 =	sld [smem:$0x3FFE];
	[sflag:s23] =	ssyncadd.s32 $0xFFFFFFFF  }
0xa5: {  	s26 =	simm.s32 $execute0_lowered;
	[smem:$0x3FD2] =	sst s25  }
0xa6: {  	s5 =	sshll.u32 s26, $0x1;
	_ =	strace $0x80000046;
	[dreg:$0x1] =	wrdreg $0xFFFFFFFF  }
0xa7: {  	s28 =	simm.s32 $_size_execute0_lowered;
	s3 =	sadd.s32 s3, s5;
	[dreg:$0x0] =	wrdreg $0x0  }
0xa8: {  	s5 =	sshll.u32 s28, $0x1;
	[dreg:$0x2] =	wrdreg s3  }
0xa9: {  	[dreg:$0x3] =	wrdreg s5  }
0xaa: {  	[dreg:$0x4] =	wrdreg $0xC0  }
0xab: {  	_ =	task [dreg:s7], $0x5FFFF  }
0xac: {  	[dreg:$0x1] =	wrdreg $0xFFFFFFFF  }
0xad: {  	[dreg:$0x0] =	wrdreg $0x60  }
0xae: {  	[dreg:$0x2] =	wrdreg s24  }
0xaf: {  	[dreg:$0x3] =	wrdreg s2  }
0xb0: {  	[dreg:$0x4] =	wrdreg $0x9  }
0xb1: {  	_ =	task.clear_ibuf [dreg:s7], $0x5FFFF;
	_ =	strace $0x90000046  }
0xb2: {  	s29 =	simm.s32 $0x9;
	_ =	strace $0x80000048  }
0xb3: {  	_ =	swait.ge [sflag:s29], $0x1  }
0xb4: {  	[sflag:s29] =	ssyncadd.s32 $0xFFFFFFFF  }
0xb5: {  	_ =	strace $0x90000048  }
0xb6: {  	_ =	sfence  }
0xb7: {  	s30 =	sld [smem:$0x0];
	_ =	sdelay $0x2  }
0xb8: {  	s31 =	sshll.u32 s1, $0xD;
	s1 =	sshrl.u32 s1, $0x2  }
0xb9: {  	s3 =	sand.u32 $0x4000, s31;
	s1 =	sadd.s32 s1, s30  }
0xba: {  	s0 =	sor.u32 s3, s0;
	s1 =	sshll.u32 s1, $0x11  }
0xbb: {  	s0 =	sor.u32 s1, s0  }
0xbc: {  	s0 =	sadd.s32 $0x8F2B, s0  }
0xbd: {  	[sflag:s0] =	ssyncadd.remote.s32 $0x1  }
0xbe: {  	_ =	sfence.sel $0xFFFF  }
0xbf: {  	[dreg:$0x0] =	wrdreg $0xFFFFFFFF;
	(pc) =	sbr.abs _section_cstart, $3  }
0xc0: {  	[dreg:$0x1] =	wrdreg $0xFFFFFFFF  }
0xc1: {  	_ =	task.clear_ibuf [dreg:s7], $0x2FFFF;
	_ =	strace $0x9FFFFFFF  }
0xc2: {  	(tm) =	ssettm $0x7FFFFFFF  }
0xc3: {  	_ =	shalt  }
tec
execute0_lowered:
.L_overlay_start_1:
0x0: {  	(tag) =	ssettag $0x1  }
0x1: {  	s5 =	rddreg [dreg:$0x0]  }
0x2: {  	s2 =	rddreg [dreg:$0x1];
	s1 =	stileid.u32  }
0x3: {  	s3 =	simm.s32 $0x0;
	s4 =	srdreg.scid;
	s30 =	simm.s32 $0x400  }
0x4: {  	s31 =	simm.s32 $0x600;
	s14 =	simm.s32 $0x300;
	s17 =	simm.s32 $0x2800  }
0x5: {  	s15 =	simm.s32 $0x380;
	s16 =	simm.s32 $0x800;
	s18 =	simm.s32 $0x6800  }
0x6: {  	s19 =	simm.s32 $0x8800;
	s20 =	simm.s32 $0xA800;
	s21 =	simm.s32 $0xC800  }
0x7: {  	s22 =	simm.s32 $0xE800;
	s23 =	simm.s32 $0x1;
	s24 =	simm.s32 $0x2  }
0x8: {  	s25 =	simm.s32 $0x0;
	s6 =	smul.u32 $0x64000, s1;
	[smem:$0x7FF] =	sst s3  }
0x9: {  	s7 =	sand.u32 $0x1, s4;
	s8 =	smul.u32 $0x1900, s1;
	s12 =	sadd.s32 $0x800, s2  }
0xa: {  	s11 =	smul.u32 $0xC80, s1;
	_ =	strace $0x80000047;
	[dreg:$0x3] =	wrdreg s12  }
0xb: {  	s4 =	sadd.s32 $0xC00, s5;
	s9 =	smul.u32 $0xC80, s7;
	[dreg:$0x5] =	wrdreg s30  }
0xc: {  	s26 =	ssub.s32 $0x2, s7;
	s13 =	smul.u32 $0x640, s7;
	[dreg:$0x6] =	wrdreg s31  }
0xd: {  	v0 =	vlaneseq.u32;
	s7 =	smul.u32 $0x32000, s7;
	s12 =	simm.s32 $0x200;
	[dreg:$0x7] =	wrdreg s17  }
0xe: {  	v0 =	vmul.u32 $0x2, v0;
	s17 =	simm.s32 $0x4800;
	s10 =	sadd.s32 s6, s5;
	s28 =	sshrl.u32 s26, $0x1  }
0xf: {  	s5 =	ssub.s32 s26, s28;
	s6 =	sadd.s32 s9, s8;
	s29 =	sadd.s32 s13, s11  }
0x10: {  	v1 =	vimm.s32 $0x0;
	v2 =	vor.u32 $0x1, v0;
	s7 =	sadd.s32 s7, s10;
	s8 =	simm.s32 $0x3;
	s9 =	simm.s32 $0x80  }
0x11: {  	v3 =	vor.u32 $0x20, v0;
	v4 =	vor.u32 $0x21, v0;
	v5 =	vor.u32 $0x40, v0;
	s10 =	simm.s32 $0x100;
	s11 =	simm.s32 $0x180;
	s13 =	simm.s32 $0x280  }
0x12: {  	v6 =	vor.u32 $0x41, v0;
	v7 =	vor.u32 $0x60, v0;
	v8 =	vor.u32 $0x61, v0;
	s5 =	smax.u32 s5, $0x1;
	[dreg:$0x4] =	wrdreg s29;
	s7 =	sadd.s32 $0x7C1000, s7  }
.LBB2_1:
0x13: {  	s26 =	smov.u32 s7;
	s28 =	smov.u32 s6;
	s29 =	simm.s32 $0x0  }
.LBB2_2:
0x14: {  	s30 =	rddreg [dreg:$0x4]  }
0x15: {  	s30 =	sadd.s32 s29, s30  }
0x16: {  	s31 =	sand.u32 $0xFFFF000, s28;
	s30 =	sand.u32 $0x7C0, s30  }
0x17: {  	s30 =	sor.u32 s30, s31  }
0x18: {  	s0 =	rddreg [dreg:$0x5];
	s31 =	sadd.s32 s2, s30  }
0x19: {  	[tilespmem:s0], [sflag:$0x3] =	stream.linear.gather [hbm4b:s31+s3], $0x200, $0x38;
	[tilespmem:$0x10800] =	vst v63  }
0x1a: {  	_ =	swait.ge [sflag:s8], $0x200  }
0x1b: {  	s0 =	rddreg [dreg:$0x3];
	[sflag:s8] =	ssyncset.done $0x0  }
0x1c: {  	s31 =	rddreg [dreg:$0x6];
	[sflag:s8] =	ssyncadd.s32 $0xFFFFFE00;
	s0 =	sadd.s32 s30, s0  }
0x1d: {  	[tilespmem:s31], [sflag:$0x3] =	stream.linear.gather [hbm4b:s0+s3], $0x200, $0x38;
	[tilespmem:$0x10800] =	vst v63  }
0x1e: {  	_ =	swait.ge [sflag:s8], $0x200  }
0x1f: {  	[sflag:s8] =	ssyncset.done $0x0  }
0x20: {  	[sflag:s8] =	ssyncadd.s32 $0xFFFFFE00  }
0x21: {  	v9 =	vld [tilespmem:$0x400];
	_ =	sdelay $0x4  }
0x22: {  	vm0 =	vgt.s32 v9, $0x7BFFF  }
0x23: {  	v9 =	vshll.u32 v9, $0x1;
	v10 =	vsel vm0, $0xFFF0C001, v1  }
0x24: {  	v9 =	vadd.s32 v9, v10  }
0x25: {  	[tilespmem:v0+s3+$0x0] =	vst.idx.msk $0xffff, v9  }
0x26: {  	v9 =	vld [tilespmem:$0x600];
	_ =	sdelay $0x4  }
0x27: {  	vm13 =	vgt.s32 v9, $0x7BFFF  }
0x28: {  	v9 =	vshll.u32 v9, $0x1;
	v10 =	vsel vm13, $0xFFF0C001, v1  }
0x29: {  	v9 =	vadd.s32 v9, v10  }
0x2a: {  	[tilespmem:v2+s3+$0x0] =	vst.idx.msk $0xffff, v9  }
0x2b: {  	v9 =	vld [tilespmem:$0x410];
	_ =	sdelay $0x4  }
0x2c: {  	vm14 =	vgt.s32 v9, $0x7BFFF  }
0x2d: {  	v9 =	vshll.u32 v9, $0x1;
	v10 =	vsel vm14, $0xFFF0C001, v1  }
0x2e: {  	v9 =	vadd.s32 v9, v10  }
0x2f: {  	[tilespmem:v3+s3+$0x0] =	vst.idx.msk $0xffff, v9  }
0x30: {  	v9 =	vld [tilespmem:$0x610];
	_ =	sdelay $0x4  }
0x31: {  	vm15 =	vgt.s32 v9, $0x7BFFF  }
0x32: {  	v9 =	vshll.u32 v9, $0x1;
	v10 =	vsel vm15, $0xFFF0C001, v1  }
0x33: {  	v9 =	vadd.s32 v9, v10  }
0x34: {  	[tilespmem:v4+s3+$0x0] =	vst.idx.msk $0xffff, v9  }
0x35: {  	v9 =	vld [tilespmem:$0x420];
	_ =	sdelay $0x4  }
0x36: {  	vm4 =	vgt.s32 v9, $0x7BFFF  }
0x37: {  	v9 =	vshll.u32 v9, $0x1;
	v10 =	vsel vm4, $0xFFF0C001, v1  }
0x38: {  	v9 =	vadd.s32 v9, v10  }
0x39: {  	[tilespmem:v5+s3+$0x0] =	vst.idx.msk $0xffff, v9  }
0x3a: {  	v9 =	vld [tilespmem:$0x620];
	_ =	sdelay $0x4  }
0x3b: {  	vm5 =	vgt.s32 v9, $0x7BFFF  }
0x3c: {  	v9 =	vshll.u32 v9, $0x1;
	v10 =	vsel vm5, $0xFFF0C001, v1  }
0x3d: {  	v9 =	vadd.s32 v9, v10  }
0x3e: {  	[tilespmem:v6+s3+$0x0] =	vst.idx.msk $0xffff, v9  }
0x3f: {  	v9 =	vld [tilespmem:$0x430];
	_ =	sdelay $0x4  }
0x40: {  	vm6 =	vgt.s32 v9, $0x7BFFF  }
0x41: {  	v9 =	vshll.u32 v9, $0x1;
	v10 =	vsel vm6, $0xFFF0C001, v1  }
0x42: {  	v9 =	vadd.s32 v9, v10  }
0x43: {  	[tilespmem:v7+s3+$0x0] =	vst.idx.msk $0xffff, v9  }
0x44: {  	v9 =	vld [tilespmem:$0x630];
	_ =	sdelay $0x4  }
0x45: {  	vm7 =	vgt.s32 v9, $0x7BFFF  }
0x46: {  	v9 =	vshll.u32 v9, $0x1;
	v10 =	vsel vm7, $0xFFF0C001, v1  }
0x47: {  	v9 =	vadd.s32 v9, v10  }
0x48: {  	[tilespmem:v8+s3+$0x0] =	vst.idx.msk $0xffff, v9  }
0x49: {  	v9 =	vld [tilespmem:$0x440];
	_ =	sdelay $0x4  }
0x4a: {  	vm8 =	vgt.s32 v9, $0x7BFFF  }
0x4b: {  	v9 =	vshll.u32 v9, $0x1;
	v10 =	vsel vm8, $0xFFF0C001, v1  }
0x4c: {  	v9 =	vadd.s32 v9, v10  }
0x4d: {  	[tilespmem:v0+s9+$0x0] =	vst.idx.msk $0xffff, v9  }
0x4e: {  	v9 =	vld [tilespmem:$0x640];
	_ =	sdelay $0x4  }
0x4f: {  	vm9 =	vgt.s32 v9, $0x7BFFF  }
0x50: {  	v9 =	vshll.u32 v9, $0x1;
	v10 =	vsel vm9, $0xFFF0C001, v1  }
0x51: {  	v9 =	vadd.s32 v9, v10  }
0x52: {  	[tilespmem:v2+s9+$0x0] =	vst.idx.msk $0xffff, v9  }
0x53: {  	v9 =	vld [tilespmem:$0x450];
	_ =	sdelay $0x4  }
0x54: {  	vm10 =	vgt.s32 v9, $0x7BFFF  }
0x55: {  	v9 =	vshll.u32 v9, $0x1;
	v10 =	vsel vm10, $0xFFF0C001, v1  }
0x56: {  	v9 =	vadd.s32 v9, v10  }
0x57: {  	[tilespmem:v3+s9+$0x0] =	vst.idx.msk $0xffff, v9  }
0x58: {  	v9 =	vld [tilespmem:$0x650];
	_ =	sdelay $0x4  }
0x59: {  	vm11 =	vgt.s32 v9, $0x7BFFF  }
0x5a: {  	v9 =	vshll.u32 v9, $0x1;
	v10 =	vsel vm11, $0xFFF0C001, v1  }
0x5b: {  	v9 =	vadd.s32 v9, v10  }
0x5c: {  	[tilespmem:v4+s9+$0x0] =	vst.idx.msk $0xffff, v9  }
0x5d: {  	v9 =	vld [tilespmem:$0x460];
	_ =	sdelay $0x4  }
0x5e: {  	vm12 =	vgt.s32 v9, $0x7BFFF  }
0x5f: {  	v9 =	vshll.u32 v9, $0x1;
	v10 =	vsel vm12, $0xFFF0C001, v1  }
0x60: {  	v9 =	vadd.s32 v9, v10  }
0x61: {  	[tilespmem:v5+s9+$0x0] =	vst.idx.msk $0xffff, v9  }
0x62: {  	v9 =	vld [tilespmem:$0x660];
	_ =	sdelay $0x4  }
0x63: {  	vm13 =	vgt.s32 v9, $0x7BFFF  }
0x64: {  	v9 =	vshll.u32 v9, $0x1;
	v10 =	vsel vm13, $0xFFF0C001, v1  }
0x65: {  	v9 =	vadd.s32 v9, v10  }
0x66: {  	[tilespmem:v6+s9+$0x0] =	vst.idx.msk $0xffff, v9  }
0x67: {  	v9 =	vld [tilespmem:$0x470];
	_ =	sdelay $0x4  }
0x68: {  	vm14 =	vgt.s32 v9, $0x7BFFF  }
0x69: {  	v9 =	vshll.u32 v9, $0x1;
	v10 =	vsel vm14, $0xFFF0C001, v1  }
0x6a: {  	v9 =	vadd.s32 v9, v10  }
0x6b: {  	[tilespmem:v7+s9+$0x0] =	vst.idx.msk $0xffff, v9  }
0x6c: {  	v9 =	vld [tilespmem:$0x670];
	_ =	sdelay $0x4  }
0x6d: {  	vm15 =	vgt.s32 v9, $0x7BFFF  }
0x6e: {  	v9 =	vshll.u32 v9, $0x1;
	v10 =	vsel vm15, $0xFFF0C001, v1  }
0x6f: {  	v9 =	vadd.s32 v9, v10  }
0x70: {  	[tilespmem:v8+s9+$0x0] =	vst.idx.msk $0xffff, v9  }
0x71: {  	v9 =	vld [tilespmem:$0x480];
	_ =	sdelay $0x4  }
0x72: {  	vm4 =	vgt.s32 v9, $0x7BFFF  }
0x73: {  	v9 =	vshll.u32 v9, $0x1;
	v10 =	vsel vm4, $0xFFF0C001, v1  }
0x74: {  	v9 =	vadd.s32 v9, v10  }
0x75: {  	[tilespmem:v0+s10+$0x0] =	vst.idx.msk $0xffff, v9  }
0x76: {  	v9 =	vld [tilespmem:$0x680];
	_ =	sdelay $0x4  }
0x77: {  	vm5 =	vgt.s32 v9, $0x7BFFF  }
0x78: {  	v9 =	vshll.u32 v9, $0x1;
	v10 =	vsel vm5, $0xFFF0C001, v1  }
0x79: {  	v9 =	vadd.s32 v9, v10  }
0x7a: {  	[tilespmem:v2+s10+$0x0] =	vst.idx.msk $0xffff, v9  }
0x7b: {  	v9 =	vld [tilespmem:$0x490];
	_ =	sdelay $0x4  }
0x7c: {  	vm6 =	vgt.s32 v9, $0x7BFFF  }
0x7d: {  	v9 =	vshll.u32 v9, $0x1;
	v10 =	vsel vm6, $0xFFF0C001, v1  }
0x7e: {  	v9 =	vadd.s32 v9, v10  }
0x7f: {  	[tilespmem:v3+s10+$0x0] =	vst.idx.msk $0xffff, v9  }
0x80: {  	v9 =	vld [tilespmem:$0x690];
	_ =	sdelay $0x4  }
0x81: {  	vm7 =	vgt.s32 v9, $0x7BFFF  }
0x82: {  	v9 =	vshll.u32 v9, $0x1;
	v10 =	vsel vm7, $0xFFF0C001, v1  }
0x83: {  	v9 =	vadd.s32 v9, v10  }
0x84: {  	[tilespmem:v4+s10+$0x0] =	vst.idx.msk $0xffff, v9  }
0x85: {  	v9 =	vld [tilespmem:$0x4A0];
	_ =	sdelay $0x4  }
0x86: {  	vm8 =	vgt.s32 v9, $0x7BFFF  }
0x87: {  	v9 =	vshll.u32 v9, $0x1;
	v10 =	vsel vm8, $0xFFF0C001, v1  }
0x88: {  	v9 =	vadd.s32 v9, v10  }
0x89: {  	[tilespmem:v5+s10+$0x0] =	vst.idx.msk $0xffff, v9  }
0x8a: {  	v9 =	vld [tilespmem:$0x6A0];
	_ =	sdelay $0x4  }
0x8b: {  	vm9 =	vgt.s32 v9, $0x7BFFF  }
0x8c: {  	v9 =	vshll.u32 v9, $0x1;
	v10 =	vsel vm9, $0xFFF0C001, v1  }
0x8d: {  	v9 =	vadd.s32 v9, v10  }
0x8e: {  	[tilespmem:v6+s10+$0x0] =	vst.idx.msk $0xffff, v9  }
0x8f: {  	v9 =	vld [tilespmem:$0x4B0];
	_ =	sdelay $0x4  }
0x90: {  	vm10 =	vgt.s32 v9, $0x7BFFF  }
0x91: {  	v9 =	vshll.u32 v9, $0x1;
	v10 =	vsel vm10, $0xFFF0C001, v1  }
0x92: {  	v9 =	vadd.s32 v9, v10  }
0x93: {  	[tilespmem:v7+s10+$0x0] =	vst.idx.msk $0xffff, v9  }
0x94: {  	v9 =	vld [tilespmem:$0x6B0];
	_ =	sdelay $0x4  }
0x95: {  	vm11 =	vgt.s32 v9, $0x7BFFF  }
0x96: {  	v9 =	vshll.u32 v9, $0x1;
	v10 =	vsel vm11, $0xFFF0C001, v1  }
0x97: {  	v9 =	vadd.s32 v9, v10  }
0x98: {  	[tilespmem:v8+s10+$0x0] =	vst.idx.msk $0xffff, v9  }
0x99: {  	v9 =	vld [tilespmem:$0x4C0];
	_ =	sdelay $0x4  }
0x9a: {  	vm12 =	vgt.s32 v9, $0x7BFFF  }
0x9b: {  	v9 =	vshll.u32 v9, $0x1;
	v10 =	vsel vm12, $0xFFF0C001, v1  }
0x9c: {  	v9 =	vadd.s32 v9, v10  }
0x9d: {  	[tilespmem:v0+s11+$0x0] =	vst.idx.msk $0xffff, v9  }
0x9e: {  	v9 =	vld [tilespmem:$0x6C0];
	_ =	sdelay $0x4  }
0x9f: {  	vm13 =	vgt.s32 v9, $0x7BFFF  }
0xa0: {  	v9 =	vshll.u32 v9, $0x1;
	v10 =	vsel vm13, $0xFFF0C001, v1  }
0xa1: {  	v9 =	vadd.s32 v9, v10  }
0xa2: {  	[tilespmem:v2+s11+$0x0] =	vst.idx.msk $0xffff, v9  }
0xa3: {  	v9 =	vld [tilespmem:$0x4D0];
	_ =	sdelay $0x4  }
0xa4: {  	vm14 =	vgt.s32 v9, $0x7BFFF  }
0xa5: {  	v9 =	vshll.u32 v9, $0x1;
	v10 =	vsel vm14, $0xFFF0C001, v1  }
0xa6: {  	v9 =	vadd.s32 v9, v10  }
0xa7: {  	[tilespmem:v3+s11+$0x0] =	vst.idx.msk $0xffff, v9  }
0xa8: {  	v9 =	vld [tilespmem:$0x6D0];
	_ =	sdelay $0x4  }
0xa9: {  	vm15 =	vgt.s32 v9, $0x7BFFF  }
0xaa: {  	v9 =	vshll.u32 v9, $0x1;
	v10 =	vsel vm15, $0xFFF0C001, v1  }
0xab: {  	v9 =	vadd.s32 v9, v10  }
0xac: {  	[tilespmem:v4+s11+$0x0] =	vst.idx.msk $0xffff, v9  }
0xad: {  	v9 =	vld [tilespmem:$0x4E0];
	_ =	sdelay $0x4  }
0xae: {  	vm4 =	vgt.s32 v9, $0x7BFFF  }
0xaf: {  	v9 =	vshll.u32 v9, $0x1;
	v10 =	vsel vm4, $0xFFF0C001, v1  }
0xb0: {  	v9 =	vadd.s32 v9, v10  }
0xb1: {  	[tilespmem:v5+s11+$0x0] =	vst.idx.msk $0xffff, v9  }
0xb2: {  	v9 =	vld [tilespmem:$0x6E0];
	_ =	sdelay $0x4  }
0xb3: {  	vm5 =	vgt.s32 v9, $0x7BFFF  }
0xb4: {  	v9 =	vshll.u32 v9, $0x1;
	v10 =	vsel vm5, $0xFFF0C001, v1  }
0xb5: {  	v9 =	vadd.s32 v9, v10  }
0xb6: {  	[tilespmem:v6+s11+$0x0] =	vst.idx.msk $0xffff, v9  }
0xb7: {  	v9 =	vld [tilespmem:$0x4F0];
	_ =	sdelay $0x4  }
0xb8: {  	vm6 =	vgt.s32 v9, $0x7BFFF  }
0xb9: {  	v9 =	vshll.u32 v9, $0x1;
	v10 =	vsel vm6, $0xFFF0C001, v1  }
0xba: {  	v9 =	vadd.s32 v9, v10  }
0xbb: {  	[tilespmem:v7+s11+$0x0] =	vst.idx.msk $0xffff, v9  }
0xbc: {  	v9 =	vld [tilespmem:$0x6F0];
	_ =	sdelay $0x4  }
0xbd: {  	vm7 =	vgt.s32 v9, $0x7BFFF  }
0xbe: {  	v9 =	vshll.u32 v9, $0x1;
	v10 =	vsel vm7, $0xFFF0C001, v1  }
0xbf: {  	v9 =	vadd.s32 v9, v10  }
0xc0: {  	[tilespmem:v8+s11+$0x0] =	vst.idx.msk $0xffff, v9  }
0xc1: {  	v9 =	vld [tilespmem:$0x500];
	_ =	sdelay $0x4  }
0xc2: {  	vm8 =	vgt.s32 v9, $0x7BFFF  }
0xc3: {  	v9 =	vshll.u32 v9, $0x1;
	v10 =	vsel vm8, $0xFFF0C001, v1  }
0xc4: {  	v9 =	vadd.s32 v9, v10  }
0xc5: {  	[tilespmem:v0+s12+$0x0] =	vst.idx.msk $0xffff, v9  }
0xc6: {  	v9 =	vld [tilespmem:$0x700];
	_ =	sdelay $0x4  }
0xc7: {  	vm9 =	vgt.s32 v9, $0x7BFFF  }
0xc8: {  	v9 =	vshll.u32 v9, $0x1;
	v10 =	vsel vm9, $0xFFF0C001, v1  }
0xc9: {  	v9 =	vadd.s32 v9, v10  }
0xca: {  	[tilespmem:v2+s12+$0x0] =	vst.idx.msk $0xffff, v9  }
0xcb: {  	v9 =	vld [tilespmem:$0x510];
	_ =	sdelay $0x4  }
0xcc: {  	vm10 =	vgt.s32 v9, $0x7BFFF  }
0xcd: {  	v9 =	vshll.u32 v9, $0x1;
	v10 =	vsel vm10, $0xFFF0C001, v1  }
0xce: {  	v9 =	vadd.s32 v9, v10  }
0xcf: {  	[tilespmem:v3+s12+$0x0] =	vst.idx.msk $0xffff, v9  }
0xd0: {  	v9 =	vld [tilespmem:$0x710];
	_ =	sdelay $0x4  }
0xd1: {  	vm11 =	vgt.s32 v9, $0x7BFFF  }
0xd2: {  	v9 =	vshll.u32 v9, $0x1;
	v10 =	vsel vm11, $0xFFF0C001, v1  }
0xd3: {  	v9 =	vadd.s32 v9, v10  }
0xd4: {  	[tilespmem:v4+s12+$0x0] =	vst.idx.msk $0xffff, v9  }
0xd5: {  	v9 =	vld [tilespmem:$0x520];
	_ =	sdelay $0x4  }
0xd6: {  	vm12 =	vgt.s32 v9, $0x7BFFF  }
0xd7: {  	v9 =	vshll.u32 v9, $0x1;
	v10 =	vsel vm12, $0xFFF0C001, v1  }
0xd8: {  	v9 =	vadd.s32 v9, v10  }
0xd9: {  	[tilespmem:v5+s12+$0x0] =	vst.idx.msk $0xffff, v9  }
0xda: {  	v9 =	vld [tilespmem:$0x720];
	_ =	sdelay $0x4  }
0xdb: {  	vm13 =	vgt.s32 v9, $0x7BFFF  }
0xdc: {  	v9 =	vshll.u32 v9, $0x1;
	v10 =	vsel vm13, $0xFFF0C001, v1  }
0xdd: {  	v9 =	vadd.s32 v9, v10  }
0xde: {  	[tilespmem:v6+s12+$0x0] =	vst.idx.msk $0xffff, v9  }
0xdf: {  	v9 =	vld [tilespmem:$0x530];
	_ =	sdelay $0x4  }
0xe0: {  	vm14 =	vgt.s32 v9, $0x7BFFF  }
0xe1: {  	v9 =	vshll.u32 v9, $0x1;
	v10 =	vsel vm14, $0xFFF0C001, v1  }
0xe2: {  	v9 =	vadd.s32 v9, v10  }
0xe3: {  	[tilespmem:v7+s12+$0x0] =	vst.idx.msk $0xffff, v9  }
0xe4: {  	v9 =	vld [tilespmem:$0x730];
	_ =	sdelay $0x4  }
0xe5: {  	vm15 =	vgt.s32 v9, $0x7BFFF  }
0xe6: {  	v9 =	vshll.u32 v9, $0x1;
	v10 =	vsel vm15, $0xFFF0C001, v1  }
0xe7: {  	v9 =	vadd.s32 v9, v10  }
0xe8: {  	[tilespmem:v8+s12+$0x0] =	vst.idx.msk $0xffff, v9  }
0xe9: {  	v9 =	vld [tilespmem:$0x540];
	_ =	sdelay $0x4  }
0xea: {  	vm4 =	vgt.s32 v9, $0x7BFFF  }
0xeb: {  	v9 =	vshll.u32 v9, $0x1;
	v10 =	vsel vm4, $0xFFF0C001, v1  }
0xec: {  	v9 =	vadd.s32 v9, v10  }
0xed: {  	[tilespmem:v0+s13+$0x0] =	vst.idx.msk $0xffff, v9  }
0xee: {  	v9 =	vld [tilespmem:$0x740];
	_ =	sdelay $0x4  }
0xef: {  	vm5 =	vgt.s32 v9, $0x7BFFF  }
0xf0: {  	v9 =	vshll.u32 v9, $0x1;
	v10 =	vsel vm5, $0xFFF0C001, v1  }
0xf1: {  	v9 =	vadd.s32 v9, v10  }
0xf2: {  	[tilespmem:v2+s13+$0x0] =	vst.idx.msk $0xffff, v9  }
0xf3: {  	v9 =	vld [tilespmem:$0x550];
	_ =	sdelay $0x4  }
0xf4: {  	vm6 =	vgt.s32 v9, $0x7BFFF  }
0xf5: {  	v9 =	vshll.u32 v9, $0x1;
	v10 =	vsel vm6, $0xFFF0C001, v1  }
0xf6: {  	v9 =	vadd.s32 v9, v10  }
0xf7: {  	[tilespmem:v3+s13+$0x0] =	vst.idx.msk $0xffff, v9  }
0xf8: {  	v9 =	vld [tilespmem:$0x750];
	_ =	sdelay $0x4  }
0xf9: {  	vm7 =	vgt.s32 v9, $0x7BFFF  }
0xfa: {  	v9 =	vshll.u32 v9, $0x1;
	v10 =	vsel vm7, $0xFFF0C001, v1  }
0xfb: {  	v9 =	vadd.s32 v9, v10  }
0xfc: {  	[tilespmem:v4+s13+$0x0] =	vst.idx.msk $0xffff, v9  }
0xfd: {  	v9 =	vld [tilespmem:$0x560];
	_ =	sdelay $0x4  }
0xfe: {  	vm8 =	vgt.s32 v9, $0x7BFFF  }
0xff: {  	v9 =	vshll.u32 v9, $0x1;
	v10 =	vsel vm8, $0xFFF0C001, v1  }
0x100: {  	v9 =	vadd.s32 v9, v10  }
0x101: {  	[tilespmem:v5+s13+$0x0] =	vst.idx.msk $0xffff, v9  }
0x102: {  	v9 =	vld [tilespmem:$0x760];
	_ =	sdelay $0x4  }
0x103: {  	vm9 =	vgt.s32 v9, $0x7BFFF  }
0x104: {  	v9 =	vshll.u32 v9, $0x1;
	v10 =	vsel vm9, $0xFFF0C001, v1  }
0x105: {  	v9 =	vadd.s32 v9, v10  }
0x106: {  	[tilespmem:v6+s13+$0x0] =	vst.idx.msk $0xffff, v9  }
0x107: {  	v9 =	vld [tilespmem:$0x570];
	_ =	sdelay $0x4  }
0x108: {  	vm10 =	vgt.s32 v9, $0x7BFFF  }
0x109: {  	v9 =	vshll.u32 v9, $0x1;
	v10 =	vsel vm10, $0xFFF0C001, v1  }
0x10a: {  	v9 =	vadd.s32 v9, v10  }
0x10b: {  	[tilespmem:v7+s13+$0x0] =	vst.idx.msk $0xffff, v9  }
0x10c: {  	v9 =	vld [tilespmem:$0x770];
	_ =	sdelay $0x4  }
0x10d: {  	vm11 =	vgt.s32 v9, $0x7BFFF  }
0x10e: {  	v9 =	vshll.u32 v9, $0x1;
	v10 =	vsel vm11, $0xFFF0C001, v1  }
0x10f: {  	v9 =	vadd.s32 v9, v10  }
0x110: {  	[tilespmem:v8+s13+$0x0] =	vst.idx.msk $0xffff, v9  }
0x111: {  	v9 =	vld [tilespmem:$0x580];
	_ =	sdelay $0x4  }
0x112: {  	vm12 =	vgt.s32 v9, $0x7BFFF  }
0x113: {  	v9 =	vshll.u32 v9, $0x1;
	v10 =	vsel vm12, $0xFFF0C001, v1  }
0x114: {  	v9 =	vadd.s32 v9, v10  }
0x115: {  	[tilespmem:v0+s14+$0x0] =	vst.idx.msk $0xffff, v9  }
0x116: {  	v9 =	vld [tilespmem:$0x780];
	_ =	sdelay $0x4  }
0x117: {  	vm13 =	vgt.s32 v9, $0x7BFFF  }
0x118: {  	v9 =	vshll.u32 v9, $0x1;
	v10 =	vsel vm13, $0xFFF0C001, v1  }
0x119: {  	v9 =	vadd.s32 v9, v10  }
0x11a: {  	[tilespmem:v2+s14+$0x0] =	vst.idx.msk $0xffff, v9  }
0x11b: {  	v9 =	vld [tilespmem:$0x590];
	_ =	sdelay $0x4  }
0x11c: {  	vm14 =	vgt.s32 v9, $0x7BFFF  }
0x11d: {  	v9 =	vshll.u32 v9, $0x1;
	v10 =	vsel vm14, $0xFFF0C001, v1  }
0x11e: {  	v9 =	vadd.s32 v9, v10  }
0x11f: {  	[tilespmem:v3+s14+$0x0] =	vst.idx.msk $0xffff, v9  }
0x120: {  	v9 =	vld [tilespmem:$0x790];
	_ =	sdelay $0x4  }
0x121: {  	vm15 =	vgt.s32 v9, $0x7BFFF  }
0x122: {  	v9 =	vshll.u32 v9, $0x1;
	v10 =	vsel vm15, $0xFFF0C001, v1  }
0x123: {  	v9 =	vadd.s32 v9, v10  }
0x124: {  	[tilespmem:v4+s14+$0x0] =	vst.idx.msk $0xffff, v9  }
0x125: {  	v9 =	vld [tilespmem:$0x5A0];
	_ =	sdelay $0x4  }
0x126: {  	vm4 =	vgt.s32 v9, $0x7BFFF  }
0x127: {  	v9 =	vshll.u32 v9, $0x1;
	v10 =	vsel vm4, $0xFFF0C001, v1  }
0x128: {  	v9 =	vadd.s32 v9, v10  }
0x129: {  	[tilespmem:v5+s14+$0x0] =	vst.idx.msk $0xffff, v9  }
0x12a: {  	v9 =	vld [tilespmem:$0x7A0];
	_ =	sdelay $0x4  }
0x12b: {  	vm5 =	vgt.s32 v9, $0x7BFFF  }
0x12c: {  	v9 =	vshll.u32 v9, $0x1;
	v10 =	vsel vm5, $0xFFF0C001, v1  }
0x12d: {  	v9 =	vadd.s32 v9, v10  }
0x12e: {  	[tilespmem:v6+s14+$0x0] =	vst.idx.msk $0xffff, v9  }
0x12f: {  	v9 =	vld [tilespmem:$0x5B0];
	_ =	sdelay $0x4  }
0x130: {  	vm6 =	vgt.s32 v9, $0x7BFFF  }
0x131: {  	v9 =	vshll.u32 v9, $0x1;
	v10 =	vsel vm6, $0xFFF0C001, v1  }
0x132: {  	v9 =	vadd.s32 v9, v10  }
0x133: {  	[tilespmem:v7+s14+$0x0] =	vst.idx.msk $0xffff, v9  }
0x134: {  	v9 =	vld [tilespmem:$0x7B0];
	_ =	sdelay $0x4  }
0x135: {  	vm7 =	vgt.s32 v9, $0x7BFFF  }
0x136: {  	v9 =	vshll.u32 v9, $0x1;
	v10 =	vsel vm7, $0xFFF0C001, v1  }
0x137: {  	v9 =	vadd.s32 v9, v10  }
0x138: {  	[tilespmem:v8+s14+$0x0] =	vst.idx.msk $0xffff, v9  }
0x139: {  	v9 =	vld [tilespmem:$0x5C0];
	_ =	sdelay $0x4  }
0x13a: {  	vm8 =	vgt.s32 v9, $0x7BFFF  }
0x13b: {  	v9 =	vshll.u32 v9, $0x1;
	v10 =	vsel vm8, $0xFFF0C001, v1  }
0x13c: {  	v9 =	vadd.s32 v9, v10  }
0x13d: {  	[tilespmem:v0+s15+$0x0] =	vst.idx.msk $0xffff, v9  }
0x13e: {  	v9 =	vld [tilespmem:$0x7C0];
	_ =	sdelay $0x4  }
0x13f: {  	vm9 =	vgt.s32 v9, $0x7BFFF  }
0x140: {  	v9 =	vshll.u32 v9, $0x1;
	v10 =	vsel vm9, $0xFFF0C001, v1  }
0x141: {  	v9 =	vadd.s32 v9, v10  }
0x142: {  	[tilespmem:v2+s15+$0x0] =	vst.idx.msk $0xffff, v9  }
0x143: {  	v9 =	vld [tilespmem:$0x5D0];
	_ =	sdelay $0x4  }
0x144: {  	vm10 =	vgt.s32 v9, $0x7BFFF  }
0x145: {  	v9 =	vshll.u32 v9, $0x1;
	v10 =	vsel vm10, $0xFFF0C001, v1  }
0x146: {  	v9 =	vadd.s32 v9, v10  }
0x147: {  	[tilespmem:v3+s15+$0x0] =	vst.idx.msk $0xffff, v9  }
0x148: {  	v9 =	vld [tilespmem:$0x7D0];
	_ =	sdelay $0x4  }
0x149: {  	vm11 =	vgt.s32 v9, $0x7BFFF  }
0x14a: {  	v9 =	vshll.u32 v9, $0x1;
	v10 =	vsel vm11, $0xFFF0C001, v1  }
0x14b: {  	v9 =	vadd.s32 v9, v10  }
0x14c: {  	[tilespmem:v4+s15+$0x0] =	vst.idx.msk $0xffff, v9  }
0x14d: {  	v9 =	vld [tilespmem:$0x5E0];
	_ =	sdelay $0x4  }
0x14e: {  	vm12 =	vgt.s32 v9, $0x7BFFF  }
0x14f: {  	v9 =	vshll.u32 v9, $0x1;
	v10 =	vsel vm12, $0xFFF0C001, v1  }
0x150: {  	v9 =	vadd.s32 v9, v10  }
0x151: {  	[tilespmem:v5+s15+$0x0] =	vst.idx.msk $0xffff, v9  }
0x152: {  	v9 =	vld [tilespmem:$0x7E0];
	_ =	sdelay $0x4  }
0x153: {  	vm13 =	vgt.s32 v9, $0x7BFFF  }
0x154: {  	v9 =	vshll.u32 v9, $0x1;
	v10 =	vsel vm13, $0xFFF0C001, v1  }
0x155: {  	v9 =	vadd.s32 v9, v10  }
0x156: {  	[tilespmem:v6+s15+$0x0] =	vst.idx.msk $0xffff, v9  }
0x157: {  	v9 =	vld [tilespmem:$0x5F0];
	_ =	sdelay $0x4  }
0x158: {  	vm14 =	vgt.s32 v9, $0x7BFFF  }
0x159: {  	v9 =	vshll.u32 v9, $0x1;
	v10 =	vsel vm14, $0xFFF0C001, v1  }
0x15a: {  	v9 =	vadd.s32 v9, v10  }
0x15b: {  	[tilespmem:v7+s15+$0x0] =	vst.idx.msk $0xffff, v9  }
0x15c: {  	v9 =	vld [tilespmem:$0x7F0];
	_ =	sdelay $0x4  }
0x15d: {  	vm15 =	vgt.s32 v9, $0x7BFFF  }
0x15e: {  	v9 =	vshll.u32 v9, $0x1;
	v10 =	vsel vm15, $0xFFF0C001, v1  }
0x15f: {  	p0 =	seq.s32 s29, $0x0;
	v9 =	vadd.s32 v9, v10  }
0x160: {  	s0 =	simm.s32 @!p0 $0x2;
	[tilespmem:v8+s15+$0x0] =	vst.idx.msk $0xffff, v9  }
0x161: {  	_ =	swait.ge @!p0 [sflag:s0], $0x10000  }
0x162: {  	[sflag:s0] =	ssyncset.done @!p0 $0x0  }
0x163: {  	[sflag:s0] =	ssyncadd.s32 @!p0 $0xFFFF0000  }
0x164: {  	[tilespmem:s16], [sflag:$0x1] =	stream.indirect.gather [hbm4b:s4+s9], $0x40, s3, s9, $0xb8;
	[tilespmem:$0x10800] =	vst v63  }
0x165: {  	s31 =	rddreg [dreg:$0x7]  }
0x166: {  	[tilespmem:s31], [sflag:$0x1] =	stream.indirect.gather [hbm4b:s4+s9], $0x40, s9, s9, $0xb8;
	[tilespmem:$0x10800] =	vst v63  }
0x167: {  	_ = 	snop  }
0x168: {  	[tilespmem:s17], [sflag:$0x1] =	stream.indirect.gather [hbm4b:s4+s9], $0x40, s10, s9, $0xb8;
	[tilespmem:$0x10800] =	vst v63  }
0x169: {  	_ = 	snop  }
0x16a: {  	[tilespmem:s18], [sflag:$0x1] =	stream.indirect.gather [hbm4b:s4+s9], $0x40, s11, s9, $0xb8;
	[tilespmem:$0x10800] =	vst v63  }
0x16b: {  	_ = 	snop  }
0x16c: {  	[tilespmem:s19], [sflag:$0x1] =	stream.indirect.gather [hbm4b:s4+s9], $0x40, s12, s9, $0xb8;
	[tilespmem:$0x10800] =	vst v63  }
0x16d: {  	_ = 	snop  }
0x16e: {  	[tilespmem:s20], [sflag:$0x1] =	stream.indirect.gather [hbm4b:s4+s9], $0x40, s13, s9, $0xb8;
	[tilespmem:$0x10800] =	vst v63  }
0x16f: {  	_ = 	snop  }
0x170: {  	[tilespmem:s21], [sflag:$0x1] =	stream.indirect.gather [hbm4b:s4+s9], $0x40, s14, s9, $0xb8;
	[tilespmem:$0x10800] =	vst v63  }
0x171: {  	_ = 	snop  }
0x172: {  	[tilespmem:s22], [sflag:$0x1] =	stream.indirect.gather [hbm4b:s4+s9], $0x40, s15, s9, $0xb8;
	[tilespmem:$0x10800] =	vst v63  }
0x173: {  	_ =	swait.ge [sflag:s23], $0x2000  }
0x174: {  	[sflag:s23] =	ssyncset.done $0x0  }
0x175: {  	[sflag:s23] =	ssyncadd.s32 $0xFFFFE000  }
0x176: {  	_ =	swait.ge [sflag:s23], $0x2000  }
0x177: {  	[sflag:s23] =	ssyncset.done $0x0  }
0x178: {  	[sflag:s23] =	ssyncadd.s32 $0xFFFFE000  }
0x179: {  	_ =	swait.ge [sflag:s23], $0x2000  }
0x17a: {  	[sflag:s23] =	ssyncset.done $0x0  }
0x17b: {  	[sflag:s23] =	ssyncadd.s32 $0xFFFFE000  }
0x17c: {  	_ =	swait.ge [sflag:s23], $0x2000  }
0x17d: {  	[sflag:s23] =	ssyncset.done $0x0  }
0x17e: {  	[sflag:s23] =	ssyncadd.s32 $0xFFFFE000  }
0x17f: {  	_ =	swait.ge [sflag:s23], $0x2000  }
0x180: {  	[sflag:s23] =	ssyncset.done $0x0  }
0x181: {  	[sflag:s23] =	ssyncadd.s32 $0xFFFFE000  }
0x182: {  	_ =	swait.ge [sflag:s23], $0x2000  }
0x183: {  	[sflag:s23] =	ssyncset.done $0x0  }
0x184: {  	[sflag:s23] =	ssyncadd.s32 $0xFFFFE000  }
0x185: {  	_ =	swait.ge [sflag:s23], $0x2000  }
0x186: {  	s29 =	sadd.s32 $0x40, s29;
	[sflag:s23] =	ssyncset.done $0x0  }
0x187: {  	p0 =	sne.s32 s29, $0x640;
	[sflag:s23] =	ssyncadd.s32 $0xFFFFE000  }
.Ltmp0:
0x188: {  	_ =	swait.ge [sflag:s23], $0x2000;
	(pc) =	sbr.rel @p0 .LBB2_2-.Ltmp0, $4  }
0x189: {  	[sflag:s23] =	ssyncset.done $0x0  }
0x18a: {  	[sflag:s23] =	ssyncadd.s32 $0xFFFFE000  }
0x18b: {  	[hbm4b:s26+s3] =	stream.linear.scatter [tilespmem:s16], [sflag:$0x2], $0x10000, $0x38;
	[tilespmem:$0x10800] =	vst v63  }
0x18c: {  	s28 =	sadd.s32 $0x80, s28;
	s26 =	sadd.s32 $0x2000, s26  }
0x18d: {  	s25 =	sadd.s32 $0x1, s25  }
0x18e: {  	p0 =	sne.s32 s25, s5  }
.Ltmp1:
0x18f: {  	_ = 	snop;
	(pc) =	sbr.rel @p0 .LBB2_1-.Ltmp1, $4  }
0x190: {  	_ = 	snop  }
0x191: {  	_ =	swait.ge [sflag:s24], $0x10000  }
0x192: {  	[sflag:s24] =	ssyncset.done $0x0  }
0x193: {  	[sflag:s24] =	ssyncadd.s32 $0xFFFF0000  }
0x194: {  	_ =	sfence.sel $0x180000  }
0x195: {  	[bflag:$0x0] =	sbarrier.arrive $0xFFFF  }
0x196: {  	_ =	strace $0x90000047  }
0x197: {  	[bflag:$0x2] =	sbarrier.arrive $0xFFFF  }
0x198: {  	p0 =	sne.s32 s1, $0x0;
	s0 =	rddreg [dreg:$0x2]  }
0x199: {  	s0 =	sadd.s32 @!p0 $0x100000, s0  }
0x19a: {  	[sflag:s0] =	ssyncadd.tile.s32 @!p0 $0x1;
	_ =	shalt  }
.Lfunc_end2:
_tile_overlayer_lowered:
.L_overlay_start_2:
0x19b: {  	(tag) =	ssettag $0x2  }
0x19c: {  	s0 =	rddreg [dreg:$0x0];
	s2 =	stileid.u32  }
0x19d: {  	s1 =	rddreg [dreg:$0x1];
	p0 =	sne.s32 s2, $0x0  }
0x19e: {  	s3 =	rddreg [dreg:$0x2];
	[bflag:$0x3] =	sbarrier.arrive $0xFFFF;
	s2 =	simm.s32 @!p0 $0x1C03  }
0x19f: {  	[timem:s3], [sflag:s2] =	dma.local @!p0 [hbm:s0], s1  }
0x1a0: {  	s0 =	simm.s32 @!p0 $0x3  }
0x1a1: {  	_ =	swait.ge @!p0 [sflag:s0], s1  }
0x1a2: {  	s1 =	ssub.s32 @!p0 $0x0, s1;
	[sflag:s0] =	ssyncset.done @!p0 $0x0  }
0x1a3: {  	[sflag:s0] =	ssyncadd.s32 @!p0 s1  }
0x1a4: {  	[bflag:$0x3] =	sbarrier.arrive $0xFFFF  }
0x1a5: {  	_ =	shalt  }

</sc_bundles>
